<compile_context>
chip_gen: v7x
topology: tpu7x:2x2x1
jax: 0.10.2.dev20260603
libtpu: 0.0.44.dev20260713+nightly
codegen_flags: <defaults>
</compile_context>

<pallas_src>
import functools

import jax
import jax.numpy as jnp
from jax import lax
from jax.experimental import pallas as pl
from jax.experimental.pallas import tpu as pltpu
from jax.experimental.pallas import tpu_sc as plsc

_SCALAR = 0.5
_BN_EPS = 1e-5
_HI = lax.Precision.HIGHEST

_NC = 2
_NS = 16
_NW = _NC * _NS
_CHUNK = 125
_ROWT = 2000


def _sc_segment_sum(x, src_w, dst_w, zeros_init, n_nodes, n_chunks, rows_sp):
    d = x.shape[1]
    zrows = rows_sp // _NS
    tail = n_nodes - zrows * (_NS - 1)

    def body(x_hbm, src_hbm, dst_hbm, zeros_hbm, out_hbm,
             src_idx, dst_idx, rows_v, aggr_sh, sem):
        c = lax.axis_index("c")
        s = lax.axis_index("s")
        w = c * _NS + s

        pltpu.sync_copy(zeros_hbm, aggr_sh.at[pl.ds(s * zrows, zrows)])
        pltpu.sync_copy(src_hbm.at[w], src_idx)
        pltpu.sync_copy(dst_hbm.at[w], dst_idx)
        plsc.subcore_barrier()

        def step(j, _):
            cp = pltpu.async_copy(x_hbm.at[src_idx.at[j]], rows_v, sem)
            cp.wait()
            pltpu.sync_copy(rows_v, aggr_sh.at[dst_idx.at[j]], add=True)
            return _

        lax.fori_loop(0, n_chunks, step, None, unroll=4)
        plsc.subcore_barrier()

        @pl.when(s < _NS - 1)
        def _():
            pltpu.sync_copy(aggr_sh.at[pl.ds(s * zrows, zrows)],
                            out_hbm.at[c, pl.ds(s * zrows, zrows)])

        @pl.when(s == _NS - 1)
        def _():
            pltpu.sync_copy(aggr_sh.at[pl.ds(s * zrows, tail)],
                            out_hbm.at[c, pl.ds(s * zrows, tail)])

    mesh = plsc.VectorSubcoreMesh(core_axis_name="c", subcore_axis_name="s")
    fn = pl.kernel(
        body,
        out_type=jax.ShapeDtypeStruct((_NC, n_nodes, d), jnp.float32),
        mesh=mesh,
        scratch_types=[
            pltpu.VMEM((n_chunks, _CHUNK), jnp.int32),
            pltpu.VMEM((n_chunks, _CHUNK), jnp.int32),
            pltpu.VMEM((_CHUNK, d), jnp.float32),
            pltpu.VMEM_SHARED((rows_sp, d), jnp.float32),
            pltpu.SemaphoreType.DMA,
        ],
    )
    return fn(x, src_w, dst_w, zeros_init)


def _enc_body(h_ref, tab_ref, out_ref, *, nfeat):
    vocab = tab_ref.shape[1]
    col = lax.broadcasted_iota(jnp.int32, (1, vocab), 1)
    acc = None
    for f in range(nfeat):
        onehot = (h_ref[:, f:f + 1] == col).astype(jnp.float32)
        part = jnp.dot(onehot, tab_ref[f],
                       preferred_element_type=jnp.float32, precision=_HI)
        acc = part if acc is None else acc + part
    out_ref[...] = acc


def _zstats_phase(i, x_ref, a0_ref, a1_ref, w_ref, b_ref, z_scr, st_scr):
    t = (1.0 + _SCALAR) * x_ref[...] + a0_ref[...] + a1_ref[...]
    z = jnp.dot(t, w_ref[...],
                preferred_element_type=jnp.float32) + b_ref[...]
    z_scr[pl.ds(i * _ROWT, _ROWT), :] = z
    s1 = jnp.sum(z, axis=0, keepdims=True)
    s2 = jnp.sum(z * z, axis=0, keepdims=True)
    upd = jnp.concatenate([s1, s2, jnp.zeros((6, z.shape[1]), jnp.float32)], 0)

    @pl.when(i == 0)
    def _():
        st_scr[...] = upd

    @pl.when(i > 0)
    def _():
        st_scr[...] += upd


def _bn_apply(z, st_scr, g_ref, bb_ref, n):
    mean = st_scr[0:1, :] / n
    var = st_scr[1:2, :] / n - mean * mean
    return (z - mean) * lax.rsqrt(var + _BN_EPS) * g_ref[...] + bb_ref[...]


def _layer_body(x_ref, a0_ref, a1_ref, w_ref, b_ref, g_ref, bb_ref, out_ref,
                z_scr, st_scr, *, gsteps, n, relu):
    i = pl.program_id(0)

    @pl.when(i < gsteps)
    def _():
        _zstats_phase(i, x_ref, a0_ref, a1_ref, w_ref, b_ref, z_scr, st_scr)

    @pl.when(i >= gsteps)
    def _():
        k = i - gsteps
        z = z_scr[pl.ds(k * _ROWT, _ROWT), :]
        zn = _bn_apply(z, st_scr, g_ref, bb_ref, n)
        if relu:
            zn = jnp.maximum(zn, 0.0)
        out_ref[...] = zn


def _final_body(x_ref, a0_ref, a1_ref, w_ref, b_ref, g_ref, bb_ref,
                batch_ref, pw_ref, pb_ref, out_ref,
                z_scr, st_scr, ps_scr, pc_scr, *, gsteps, n, ngraphs):
    i = pl.program_id(0)

    @pl.when(i < gsteps)
    def _():
        _zstats_phase(i, x_ref, a0_ref, a1_ref, w_ref, b_ref, z_scr, st_scr)

    @pl.when(i >= gsteps)
    def _():
        k = i - gsteps
        z = z_scr[pl.ds(k * _ROWT, _ROWT), :]
        zn = _bn_apply(z, st_scr, g_ref, bb_ref, n)
        gid = lax.broadcasted_iota(jnp.int32, (1, ngraphs), 1)
        seg = (batch_ref[...] == gid).astype(jnp.float32)
        sums = lax.dot_general(seg, zn, (((0,), (0,)), ((), ())),
                               preferred_element_type=jnp.float32,
                               precision=_HI)
        ones = jnp.ones((zn.shape[0], 1), jnp.float32)
        cnts = lax.dot_general(seg, ones, (((0,), (0,)), ((), ())),
                               preferred_element_type=jnp.float32,
                               precision=_HI)

        @pl.when(k == 0)
        def _():
            ps_scr[...] = sums
            pc_scr[...] = cnts

        @pl.when(k > 0)
        def _():
            ps_scr[...] += sums
            pc_scr[...] += cnts

    @pl.when(i == 2 * gsteps - 1)
    def _():
        pooled = ps_scr[...] / jnp.maximum(pc_scr[...], 1.0)
        out_ref[...] = jnp.dot(pooled, pw_ref[...],
                               preferred_element_type=jnp.float32
                               ) + pb_ref[...]


def kernel(h, edge_index, pair_info, batch, atom_tables, conv_W, conv_b,
           bn_gamma, bn_beta, pred_W, pred_b):
    n, nfeat = h.shape
    nhid = atom_tables.shape[2]
    nlayers = conv_W.shape[0]
    nclass = pred_W.shape[1]
    ngraphs = nclass
    e = pair_info.shape[1]
    grid = n // _ROWT

    vocab_pad = 128
    tab = jnp.pad(atom_tables,
                  ((0, 0), (0, vocab_pad - atom_tables.shape[1]), (0, 0)))

    per_w = -(-e // _NW)
    n_chunks = -(-per_w // _CHUNK)
    pad_w = n_chunks * _CHUNK - per_w
    e_pad = per_w * _NW
    src = jnp.pad(pair_info[0], (0, e_pad - e)).reshape(_NW, per_w)
    dst = jnp.pad(pair_info[1], (0, e_pad - e), constant_values=n)
    dst = dst.reshape(_NW, per_w)
    trash = jnp.broadcast_to((n + jnp.arange(_NW, dtype=jnp.int32))[:, None],
                             (_NW, pad_w))
    src_w = jnp.pad(src, ((0, 0), (0, pad_w))).reshape(_NW, n_chunks, _CHUNK)
    dst_w = jnp.concatenate([dst, trash], axis=1)
    dst_w = dst_w.reshape(_NW, n_chunks, _CHUNK)

    zrows = -(-(n + _NW) // _NS)
    zrows = -(-zrows // 8) * 8
    rows_sp = zrows * _NS
    zeros_init = jnp.zeros((zrows, nhid), jnp.float32)

    batch2 = batch.reshape(n, 1)
    b2 = conv_b.reshape(nlayers, 1, nhid)
    g2 = bn_gamma.reshape(nlayers, 1, nhid)
    bb2 = bn_beta.reshape(nlayers, 1, nhid)
    pb2 = pred_b.reshape(1, nclass)

    row_spec = pl.BlockSpec((_ROWT, nhid), lambda i: (i, 0))
    full = pl.BlockSpec

    x = pl.pallas_call(
        functools.partial(_enc_body, nfeat=nfeat),
        grid=(grid,),
        in_specs=[pl.BlockSpec((_ROWT, nfeat), lambda i: (i, 0)),
                  pl.BlockSpec(tab.shape, lambda i: (0, 0, 0))],
        out_specs=row_spec,
        out_shape=jax.ShapeDtypeStruct((n, nhid), jnp.float32),
    )(h, tab)

    small = pl.BlockSpec((1, nhid), lambda i: (0, 0))
    wspec = pl.BlockSpec((nhid, nhid), lambda i: (0, 0))
    p1 = pl.BlockSpec((_ROWT, nhid),
                      lambda i: (jnp.where(i < grid, i, 0), 0))
    p2 = pl.BlockSpec((_ROWT, nhid),
                      lambda i: (jnp.where(i < grid, 0, i - grid), 0))
    p2b = pl.BlockSpec((_ROWT, 1),
                       lambda i: (jnp.where(i < grid, 0, i - grid), 0))

    for layer in range(nlayers):
        aggr = _sc_segment_sum(x, src_w, dst_w, zeros_init,
                               n, n_chunks, rows_sp)
        if layer < nlayers - 1:
            x = pl.pallas_call(
                functools.partial(_layer_body, gsteps=grid, n=float(n),
                                  relu=True),
                grid=(2 * grid,),
                in_specs=[p1, p1, p1, wspec, small, small, small],
                out_specs=p2,
                out_shape=jax.ShapeDtypeStruct((n, nhid), jnp.float32),
                scratch_shapes=[pltpu.VMEM((n, nhid), jnp.float32),
                                pltpu.VMEM((8, nhid), jnp.float32)],
            )(x, aggr[0], aggr[1], conv_W[layer], b2[layer], g2[layer],
              bb2[layer])
        else:
            out = pl.pallas_call(
                functools.partial(_final_body, gsteps=grid, n=float(n),
                                  ngraphs=ngraphs),
                grid=(2 * grid,),
                in_specs=[p1, p1, p1, wspec, small, small, small, p2b,
                          pl.BlockSpec((nhid, nclass), lambda i: (0, 0)),
                          pl.BlockSpec((1, nclass), lambda i: (0, 0))],
                out_specs=pl.BlockSpec((ngraphs, nclass), lambda i: (0, 0)),
                out_shape=jax.ShapeDtypeStruct((ngraphs, nclass), jnp.float32),
                scratch_shapes=[pltpu.VMEM((n, nhid), jnp.float32),
                                pltpu.VMEM((8, nhid), jnp.float32),
                                pltpu.VMEM((ngraphs, nhid), jnp.float32),
                                pltpu.VMEM((ngraphs, 1), jnp.float32)],
            )(x, aggr[0], aggr[1], conv_W[layer], b2[layer], g2[layer],
              bb2[layer], batch2, pred_W, pb2)
    return out

# --- scband reference (transcript-rebuilt; emitter-appended) ---
"""Pipeline reference for scband-gnn-ogb-12421045420923 (READ-ONLY COPY).

The authoritative reference and input builder live on the scoring server;
editing this copy changes nothing except your own understanding.
"""

import jax, jax.numpy as jnp
import numpy as np

N = 10000
E = 320000
NHID = 128
NLAYERS = 3
NCLASS = 128
NGRAPHS = 128
NFEATCOLS = 9
ATOM_VOCAB = 120
SCALAR = 0.5
BN_EPS = 1e-5


def setup_inputs(seed: int = 0) -> dict:
    key = jax.random.key(seed)
    ks = jax.random.split(key, 12)
    h = jax.random.randint(ks[0], (N, NFEATCOLS), 0, 100, dtype=jnp.int32)
    edge_index = jax.random.randint(ks[1], (2, E), 0, N, dtype=jnp.int32)
    pair_info = jax.random.randint(ks[2], (2, E), 0, N, dtype=jnp.int32)
    batch = jnp.sort(jax.random.randint(ks[3], (N,), 0, NGRAPHS, dtype=jnp.int32))
    atom_tables = jax.random.normal(ks[4], (NFEATCOLS, ATOM_VOCAB, NHID), dtype=jnp.float32) * 0.02
    conv_W = jax.random.normal(ks[5], (NLAYERS, NHID, NHID), dtype=jnp.float32) * 0.05
    conv_b = jnp.zeros((NLAYERS, NHID), dtype=jnp.float32)
    bn_gamma = jnp.ones((NLAYERS, NHID), dtype=jnp.float32)
    bn_beta = jnp.zeros((NLAYERS, NHID), dtype=jnp.float32)
    pred_W = jax.random.normal(ks[6], (NHID, NCLASS), dtype=jnp.float32) * 0.05
    pred_b = jnp.zeros((NCLASS,), dtype=jnp.float32)
    return {"h": h, "edge_index": edge_index, "pair_info": pair_info, "batch": batch,
            "atom_tables": atom_tables, "conv_W": conv_W, "conv_b": conv_b,
            "bn_gamma": bn_gamma, "bn_beta": bn_beta, "pred_W": pred_W, "pred_b": pred_b}


def reference(h, edge_index, pair_info, batch, atom_tables, conv_W, conv_b, bn_gamma, bn_beta, pred_W, pred_b):
    # AtomEncoder: sum of per-column embedding lookups (OGB style)
    x = jnp.zeros((h.shape[0], NHID), dtype=atom_tables.dtype)
    for f in range(NFEATCOLS):
        x = x + jnp.take(atom_tables[f], h[:, f], axis=0)
    src = pair_info[0]
    dst = pair_info[1]
    for layer in range(NLAYERS):
        # GIN-style message passing: gather neighbors, scatter-add to dst
        msgs = jnp.take(x, src, axis=0)
        aggr = jax.ops.segment_sum(msgs, dst, num_segments=N)
        z = ((1.0 + SCALAR) * x + aggr) @ conv_W[layer] + conv_b[layer]
        # BatchNorm1d (batch statistics)
        mean = jnp.mean(z, axis=0)
        var = jnp.var(z, axis=0)
        z = (z - mean) / jnp.sqrt(var + BN_EPS) * bn_gamma[layer] + bn_beta[layer]
        if layer < NLAYERS - 1:
            z = jax.nn.relu(z)
        # dropout: identity in eval mode
        x = z
    # global_mean_pool over graph ids
    sums = jax.ops.segment_sum(x, batch, num_segments=NGRAPHS)
    counts = jnp.clip(jax.ops.segment_sum(jnp.ones((N,), x.dtype), batch, num_segments=NGRAPHS), 1.0, None)
    pooled = sums / counts[:, None]
    return pooled @ pred_W + pred_b

if __name__ == "__main__":
    import jax
    _d = setup_inputs()
    print(jax.jit(kernel)(*tuple(_d.values())))

</pallas_src>

<mosaic_0001>
#map = affine_map<(d0, d1) -> (0, 0)>
#map1 = affine_map<(d0, d1) -> (0, 0, 0)>
module attributes {stable_mosaic.version = 14 : i64} {
  func.func @body(%arg0: i32, %arg1: i32, %arg2: memref<10000x128xf32, #tpu.memory_space<hbm>>, %arg3: memref<32x80x125xi32, #tpu.memory_space<hbm>>, %arg4: memref<32x80x125xi32, #tpu.memory_space<hbm>>, %arg5: memref<632x128xf32, #tpu.memory_space<hbm>>, %arg6: memref<2x10000x128xf32, #tpu.memory_space<hbm>>, %arg7: memref<80x125xi32, #tpu.memory_space<vmem>>, %arg8: memref<80x125xi32, #tpu.memory_space<vmem>>, %arg9: memref<125x128xf32, #tpu.memory_space<vmem>>, %arg10: memref<10112x128xf32, #tpu.memory_space<vmem_shared>>, %arg11: memref<!tpu.dma_semaphore, #tpu.memory_space<semaphore_mem>>) attributes {dimension_semantics = [#tpu.dimension_semantics<core_parallel>, #tpu.dimension_semantics<subcore_parallel>], iteration_bounds = array<i64: 2, 16>, scalar_prefetch = 0 : i64, scratch_operands = 5 : i64, tpu.core_type = #tpu.core_type<sc_vector_subcore>, window_params = [{transform_indices = #map}, {transform_indices = #map1}, {transform_indices = #map1}, {transform_indices = #map}, {transform_indices = #map1}]} {
    %mul3A = arith.constant 16 : i32
    %mul3A_0 = arith.muli %arg0, %mul3A : i32
    %add3A = arith.addi %mul3A_0, %arg1 : i32
    %mul3A_1 = arith.constant 632 : i32
    %mul3A_2 = arith.muli %arg1, %mul3A_1 : i32
    "tpu.region"() ({
      %run_scoped3A = tpu.sem_alloc : memref<!tpu.dma_semaphore, #tpu.memory_space<semaphore_mem>>
      %dma_start3A = arith.constant 0 : i32
      %dma_start3A_14 = tpu.memref_slice %arg10[%mul3A_2, %dma_start3A] : memref<10112x128xf32, #tpu.memory_space<vmem_shared>> -> memref<632x128xf32, #tpu.memory_space<vmem_shared>>
      tpu.enqueue_dma source(%arg5 : memref<632x128xf32, #tpu.memory_space<hbm>>) target(%dma_start3A_14 : memref<632x128xf32, #tpu.memory_space<vmem_shared>>) target_semaphore(%run_scoped3A : memref<!tpu.dma_semaphore, #tpu.memory_space<semaphore_mem>>)
      %dma_wait3A = arith.constant 0 : i32
      %dma_wait3A_15 = tpu.memref_slice %arg10[%mul3A_2, %dma_wait3A] : memref<10112x128xf32, #tpu.memory_space<vmem_shared>> -> memref<632x128xf32, #tpu.memory_space<vmem_shared>>
      tpu.wait_dma2 semaphore(%run_scoped3A : memref<!tpu.dma_semaphore, #tpu.memory_space<semaphore_mem>>) src(%arg5 : memref<632x128xf32, #tpu.memory_space<hbm>>) dst(%dma_wait3A_15 : memref<632x128xf32, #tpu.memory_space<vmem_shared>>)
      tpu.yield
    }) : () -> ()
    "tpu.region"() ({
      %run_scoped3A = tpu.sem_alloc : memref<!tpu.dma_semaphore, #tpu.memory_space<semaphore_mem>>
      %dma_start3A = arith.constant 0 : i32
      %dma_start3A_14 = arith.constant 0 : i32
      %dma_start3A_15 = tpu.memref_slice %arg3[%add3A, %dma_start3A, %dma_start3A_14] : memref<32x80x125xi32, #tpu.memory_space<hbm>> -> memref<1x80x125xi32, #tpu.memory_space<hbm>>
      %dma_start3A_16 = tpu.memref_squeeze %dma_start3A_15 : memref<1x80x125xi32, #tpu.memory_space<hbm>> -> memref<80x125xi32, #tpu.memory_space<hbm>>
      %dma_start3A_17 = arith.constant 0 : i32
      %dma_start3A_18 = arith.constant 0 : i32
      %dma_start3A_19 = tpu.memref_slice %arg3[%add3A, %dma_start3A_17, %dma_start3A_18] : memref<32x80x125xi32, #tpu.memory_space<hbm>> -> memref<1x80x125xi32, #tpu.memory_space<hbm>>
      %dma_start3A_20 = tpu.memref_squeeze %dma_start3A_19 : memref<1x80x125xi32, #tpu.memory_space<hbm>> -> memref<80x125xi32, #tpu.memory_space<hbm>>
      tpu.enqueue_dma source(%dma_start3A_20 : memref<80x125xi32, #tpu.memory_space<hbm>>) target(%arg7 : memref<80x125xi32, #tpu.memory_space<vmem>>) target_semaphore(%run_scoped3A : memref<!tpu.dma_semaphore, #tpu.memory_space<semaphore_mem>>)
      %dma_wait3A = arith.constant 0 : i32
      %dma_wait3A_21 = arith.constant 0 : i32
      %dma_wait3A_22 = tpu.memref_slice %arg3[%add3A, %dma_wait3A, %dma_wait3A_21] : memref<32x80x125xi32, #tpu.memory_space<hbm>> -> memref<1x80x125xi32, #tpu.memory_space<hbm>>
      %dma_wait3A_23 = tpu.memref_squeeze %dma_wait3A_22 : memref<1x80x125xi32, #tpu.memory_space<hbm>> -> memref<80x125xi32, #tpu.memory_space<hbm>>
      %dma_wait3A_24 = arith.constant 0 : i32
      %dma_wait3A_25 = arith.constant 0 : i32
      %dma_wait3A_26 = tpu.memref_slice %arg3[%add3A, %dma_wait3A_24, %dma_wait3A_25] : memref<32x80x125xi32, #tpu.memory_space<hbm>> -> memref<1x80x125xi32, #tpu.memory_space<hbm>>
      %dma_wait3A_27 = tpu.memref_squeeze %dma_wait3A_26 : memref<1x80x125xi32, #tpu.memory_space<hbm>> -> memref<80x125xi32, #tpu.memory_space<hbm>>
      tpu.wait_dma2 semaphore(%run_scoped3A : memref<!tpu.dma_semaphore, #tpu.memory_space<semaphore_mem>>) src(%dma_wait3A_27 : memref<80x125xi32, #tpu.memory_space<hbm>>) dst(%arg7 : memref<80x125xi32, #tpu.memory_space<vmem>>)
      tpu.yield
    }) : () -> ()
    "tpu.region"() ({
      %run_scoped3A = tpu.sem_alloc : memref<!tpu.dma_semaphore, #tpu.memory_space<semaphore_mem>>
      %dma_start3A = arith.constant 0 : i32
      %dma_start3A_14 = arith.constant 0 : i32
      %dma_start3A_15 = tpu.memref_slice %arg4[%add3A, %dma_start3A, %dma_start3A_14] : memref<32x80x125xi32, #tpu.memory_space<hbm>> -> memref<1x80x125xi32, #tpu.memory_space<hbm>>
      %dma_start3A_16 = tpu.memref_squeeze %dma_start3A_15 : memref<1x80x125xi32, #tpu.memory_space<hbm>> -> memref<80x125xi32, #tpu.memory_space<hbm>>
      %dma_start3A_17 = arith.constant 0 : i32
      %dma_start3A_18 = arith.constant 0 : i32
      %dma_start3A_19 = tpu.memref_slice %arg4[%add3A, %dma_start3A_17, %dma_start3A_18] : memref<32x80x125xi32, #tpu.memory_space<hbm>> -> memref<1x80x125xi32, #tpu.memory_space<hbm>>
      %dma_start3A_20 = tpu.memref_squeeze %dma_start3A_19 : memref<1x80x125xi32, #tpu.memory_space<hbm>> -> memref<80x125xi32, #tpu.memory_space<hbm>>
      tpu.enqueue_dma source(%dma_start3A_20 : memref<80x125xi32, #tpu.memory_space<hbm>>) target(%arg8 : memref<80x125xi32, #tpu.memory_space<vmem>>) target_semaphore(%run_scoped3A : memref<!tpu.dma_semaphore, #tpu.memory_space<semaphore_mem>>)
      %dma_wait3A = arith.constant 0 : i32
      %dma_wait3A_21 = arith.constant 0 : i32
      %dma_wait3A_22 = tpu.memref_slice %arg4[%add3A, %dma_wait3A, %dma_wait3A_21] : memref<32x80x125xi32, #tpu.memory_space<hbm>> -> memref<1x80x125xi32, #tpu.memory_space<hbm>>
      %dma_wait3A_23 = tpu.memref_squeeze %dma_wait3A_22 : memref<1x80x125xi32, #tpu.memory_space<hbm>> -> memref<80x125xi32, #tpu.memory_space<hbm>>
      %dma_wait3A_24 = arith.constant 0 : i32
      %dma_wait3A_25 = arith.constant 0 : i32
      %dma_wait3A_26 = tpu.memref_slice %arg4[%add3A, %dma_wait3A_24, %dma_wait3A_25] : memref<32x80x125xi32, #tpu.memory_space<hbm>> -> memref<1x80x125xi32, #tpu.memory_space<hbm>>
      %dma_wait3A_27 = tpu.memref_squeeze %dma_wait3A_26 : memref<1x80x125xi32, #tpu.memory_space<hbm>> -> memref<80x125xi32, #tpu.memory_space<hbm>>
      tpu.wait_dma2 semaphore(%run_scoped3A : memref<!tpu.dma_semaphore, #tpu.memory_space<semaphore_mem>>) src(%dma_wait3A_27 : memref<80x125xi32, #tpu.memory_space<hbm>>) dst(%arg8 : memref<80x125xi32, #tpu.memory_space<vmem>>)
      tpu.yield
    }) : () -> ()
    %barrier3A = arith.constant 0 : index
    tpu.barrier barrier_id(%barrier3A)
    %scan3A = arith.constant 0 : i32
    %scan3A_3 = arith.constant 80 : i32
    %scan3A_4 = arith.addi %scan3A, %scan3A_3 : i32
    %scan3A_5 = arith.constant 4 : i32
    scf.for %scan3A_14 = %scan3A to %scan3A_4 step %scan3A_5  : i32 {
      %dma_start3A = arith.constant 0 : i32
      %dma_start3A_15 = tpu.memref_slice %arg7[%scan3A_14, %dma_start3A] : memref<80x125xi32, #tpu.memory_space<vmem>> -> memref<1x125xi32, #tpu.memory_space<vmem>>
      %dma_start3A_16 = tpu.memref_squeeze %dma_start3A_15 : memref<1x125xi32, #tpu.memory_space<vmem>> -> memref<125xi32, #tpu.memory_space<vmem>>
      %dma_start3A_17 = arith.constant 0 : i32
      %dma_start3A_18 = arith.constant 0 : i32
      %dma_start3A_19 = tpu.memref_slice %arg2[%dma_start3A_17, %dma_start3A_18] : memref<10000x128xf32, #tpu.memory_space<hbm>> -> memref<10000x128xf32, #tpu.memory_space<hbm>>
      tpu.enqueue_indirect_dma source(%dma_start3A_19 : memref<10000x128xf32, #tpu.memory_space<hbm>>) target(%arg9 : memref<125x128xf32, #tpu.memory_space<vmem>>) offsets(%dma_start3A_16 : memref<125xi32, #tpu.memory_space<vmem>>) semaphore(%arg11 : memref<!tpu.dma_semaphore, #tpu.memory_space<semaphore_mem>>)
      %dma_wait3A = arith.constant 0 : i32
      %dma_wait3A_20 = tpu.memref_slice %arg7[%scan3A_14, %dma_wait3A] : memref<80x125xi32, #tpu.memory_space<vmem>> -> memref<1x125xi32, #tpu.memory_space<vmem>>
      %dma_wait3A_21 = tpu.memref_squeeze %dma_wait3A_20 : memref<1x125xi32, #tpu.memory_space<vmem>> -> memref<125xi32, #tpu.memory_space<vmem>>
      %dma_wait3A_22 = arith.constant 0 : i32
      %dma_wait3A_23 = arith.constant 0 : i32
      %dma_wait3A_24 = tpu.memref_slice %arg2[%dma_wait3A_22, %dma_wait3A_23] : memref<10000x128xf32, #tpu.memory_space<hbm>> -> memref<10000x128xf32, #tpu.memory_space<hbm>>
      tpu.wait_indirect_dma semaphore(%arg11 : memref<!tpu.dma_semaphore, #tpu.memory_space<semaphore_mem>>) src(%dma_wait3A_24 : memref<10000x128xf32, #tpu.memory_space<hbm>>) dst(%arg9 : memref<125x128xf32, #tpu.memory_space<vmem>>)
      "tpu.region"() ({
        %run_scoped3A = tpu.sem_alloc : memref<!tpu.dma_semaphore, #tpu.memory_space<semaphore_mem>>
        %dma_start3A_67 = arith.constant 0 : i32
        %dma_start3A_68 = tpu.memref_slice %arg8[%scan3A_14, %dma_start3A_67] : memref<80x125xi32, #tpu.memory_space<vmem>> -> memref<1x125xi32, #tpu.memory_space<vmem>>
        %dma_start3A_69 = tpu.memref_squeeze %dma_start3A_68 : memref<1x125xi32, #tpu.memory_space<vmem>> -> memref<125xi32, #tpu.memory_space<vmem>>
        %dma_start3A_70 = arith.constant 0 : i32
        %dma_start3A_71 = arith.constant 0 : i32
        %dma_start3A_72 = tpu.memref_slice %arg10[%dma_start3A_70, %dma_start3A_71] : memref<10112x128xf32, #tpu.memory_space<vmem_shared>> -> memref<10112x128xf32, #tpu.memory_space<vmem_shared>>
        tpu.enqueue_indirect_dma source(%arg9 : memref<125x128xf32, #tpu.memory_space<vmem>>) target(%dma_start3A_72 : memref<10112x128xf32, #tpu.memory_space<vmem_shared>>) offsets(%dma_start3A_69 : memref<125xi32, #tpu.memory_space<vmem>>) semaphore(%run_scoped3A : memref<!tpu.dma_semaphore, #tpu.memory_space<semaphore_mem>>) {add = true}
        %dma_wait3A_73 = arith.constant 0 : i32
        %dma_wait3A_74 = tpu.memref_slice %arg8[%scan3A_14, %dma_wait3A_73] : memref<80x125xi32, #tpu.memory_space<vmem>> -> memref<1x125xi32, #tpu.memory_space<vmem>>
        %dma_wait3A_75 = tpu.memref_squeeze %dma_wait3A_74 : memref<1x125xi32, #tpu.memory_space<vmem>> -> memref<125xi32, #tpu.memory_space<vmem>>
        %dma_wait3A_76 = arith.constant 0 : i32
        %dma_wait3A_77 = arith.constant 0 : i32
        %dma_wait3A_78 = tpu.memref_slice %arg10[%dma_wait3A_76, %dma_wait3A_77] : memref<10112x128xf32, #tpu.memory_space<vmem_shared>> -> memref<10112x128xf32, #tpu.memory_space<vmem_shared>>
        tpu.wait_indirect_dma semaphore(%run_scoped3A : memref<!tpu.dma_semaphore, #tpu.memory_space<semaphore_mem>>) src(%arg9 : memref<125x128xf32, #tpu.memory_space<vmem>>) dst(%dma_wait3A_78 : memref<10112x128xf32, #tpu.memory_space<vmem_shared>>)
        tpu.yield
      }) : () -> ()
      %scan3A_25 = arith.constant 1 : i32
      %scan3A_26 = arith.addi %scan3A_14, %scan3A_25 : i32
      %dma_start3A_27 = arith.constant 0 : i32
      %dma_start3A_28 = tpu.memref_slice %arg7[%scan3A_26, %dma_start3A_27] : memref<80x125xi32, #tpu.memory_space<vmem>> -> memref<1x125xi32, #tpu.memory_space<vmem>>
      %dma_start3A_29 = tpu.memref_squeeze %dma_start3A_28 : memref<1x125xi32, #tpu.memory_space<vmem>> -> memref<125xi32, #tpu.memory_space<vmem>>
      %dma_start3A_30 = arith.constant 0 : i32
      %dma_start3A_31 = arith.constant 0 : i32
      %dma_start3A_32 = tpu.memref_slice %arg2[%dma_start3A_30, %dma_start3A_31] : memref<10000x128xf32, #tpu.memory_space<hbm>> -> memref<10000x128xf32, #tpu.memory_space<hbm>>
      tpu.enqueue_indirect_dma source(%dma_start3A_32 : memref<10000x128xf32, #tpu.memory_space<hbm>>) target(%arg9 : memref<125x128xf32, #tpu.memory_space<vmem>>) offsets(%dma_start3A_29 : memref<125xi32, #tpu.memory_space<vmem>>) semaphore(%arg11 : memref<!tpu.dma_semaphore, #tpu.memory_space<semaphore_mem>>)
      %dma_wait3A_33 = arith.constant 0 : i32
      %dma_wait3A_34 = tpu.memref_slice %arg7[%scan3A_26, %dma_wait3A_33] : memref<80x125xi32, #tpu.memory_space<vmem>> -> memref<1x125xi32, #tpu.memory_space<vmem>>
      %dma_wait3A_35 = tpu.memref_squeeze %dma_wait3A_34 : memref<1x125xi32, #tpu.memory_space<vmem>> -> memref<125xi32, #tpu.memory_space<vmem>>
      %dma_wait3A_36 = arith.constant 0 : i32
      %dma_wait3A_37 = arith.constant 0 : i32
      %dma_wait3A_38 = tpu.memref_slice %arg2[%dma_wait3A_36, %dma_wait3A_37] : memref<10000x128xf32, #tpu.memory_space<hbm>> -> memref<10000x128xf32, #tpu.memory_space<hbm>>
      tpu.wait_indirect_dma semaphore(%arg11 : memref<!tpu.dma_semaphore, #tpu.memory_space<semaphore_mem>>) src(%dma_wait3A_38 : memref<10000x128xf32, #tpu.memory_space<hbm>>) dst(%arg9 : memref<125x128xf32, #tpu.memory_space<vmem>>)
      "tpu.region"() ({
        %run_scoped3A = tpu.sem_alloc : memref<!tpu.dma_semaphore, #tpu.memory_space<semaphore_mem>>
        %dma_start3A_67 = arith.constant 0 : i32
        %dma_start3A_68 = tpu.memref_slice %arg8[%scan3A_26, %dma_start3A_67] : memref<80x125xi32, #tpu.memory_space<vmem>> -> memref<1x125xi32, #tpu.memory_space<vmem>>
        %dma_start3A_69 = tpu.memref_squeeze %dma_start3A_68 : memref<1x125xi32, #tpu.memory_space<vmem>> -> memref<125xi32, #tpu.memory_space<vmem>>
        %dma_start3A_70 = arith.constant 0 : i32
        %dma_start3A_71 = arith.constant 0 : i32
        %dma_start3A_72 = tpu.memref_slice %arg10[%dma_start3A_70, %dma_start3A_71] : memref<10112x128xf32, #tpu.memory_space<vmem_shared>> -> memref<10112x128xf32, #tpu.memory_space<vmem_shared>>
        tpu.enqueue_indirect_dma source(%arg9 : memref<125x128xf32, #tpu.memory_space<vmem>>) target(%dma_start3A_72 : memref<10112x128xf32, #tpu.memory_space<vmem_shared>>) offsets(%dma_start3A_69 : memref<125xi32, #tpu.memory_space<vmem>>) semaphore(%run_scoped3A : memref<!tpu.dma_semaphore, #tpu.memory_space<semaphore_mem>>) {add = true}
        %dma_wait3A_73 = arith.constant 0 : i32
        %dma_wait3A_74 = tpu.memref_slice %arg8[%scan3A_26, %dma_wait3A_73] : memref<80x125xi32, #tpu.memory_space<vmem>> -> memref<1x125xi32, #tpu.memory_space<vmem>>
        %dma_wait3A_75 = tpu.memref_squeeze %dma_wait3A_74 : memref<1x125xi32, #tpu.memory_space<vmem>> -> memref<125xi32, #tpu.memory_space<vmem>>
        %dma_wait3A_76 = arith.constant 0 : i32
        %dma_wait3A_77 = arith.constant 0 : i32
        %dma_wait3A_78 = tpu.memref_slice %arg10[%dma_wait3A_76, %dma_wait3A_77] : memref<10112x128xf32, #tpu.memory_space<vmem_shared>> -> memref<10112x128xf32, #tpu.memory_space<vmem_shared>>
        tpu.wait_indirect_dma semaphore(%run_scoped3A : memref<!tpu.dma_semaphore, #tpu.memory_space<semaphore_mem>>) src(%arg9 : memref<125x128xf32, #tpu.memory_space<vmem>>) dst(%dma_wait3A_78 : memref<10112x128xf32, #tpu.memory_space<vmem_shared>>)
        tpu.yield
      }) : () -> ()
      %scan3A_39 = arith.constant 2 : i32
      %scan3A_40 = arith.addi %scan3A_14, %scan3A_39 : i32
      %dma_start3A_41 = arith.constant 0 : i32
      %dma_start3A_42 = tpu.memref_slice %arg7[%scan3A_40, %dma_start3A_41] : memref<80x125xi32, #tpu.memory_space<vmem>> -> memref<1x125xi32, #tpu.memory_space<vmem>>
      %dma_start3A_43 = tpu.memref_squeeze %dma_start3A_42 : memref<1x125xi32, #tpu.memory_space<vmem>> -> memref<125xi32, #tpu.memory_space<vmem>>
      %dma_start3A_44 = arith.constant 0 : i32
      %dma_start3A_45 = arith.constant 0 : i32
      %dma_start3A_46 = tpu.memref_slice %arg2[%dma_start3A_44, %dma_start3A_45] : memref<10000x128xf32, #tpu.memory_space<hbm>> -> memref<10000x128xf32, #tpu.memory_space<hbm>>
      tpu.enqueue_indirect_dma source(%dma_start3A_46 : memref<10000x128xf32, #tpu.memory_space<hbm>>) target(%arg9 : memref<125x128xf32, #tpu.memory_space<vmem>>) offsets(%dma_start3A_43 : memref<125xi32, #tpu.memory_space<vmem>>) semaphore(%arg11 : memref<!tpu.dma_semaphore, #tpu.memory_space<semaphore_mem>>)
      %dma_wait3A_47 = arith.constant 0 : i32
      %dma_wait3A_48 = tpu.memref_slice %arg7[%scan3A_40, %dma_wait3A_47] : memref<80x125xi32, #tpu.memory_space<vmem>> -> memref<1x125xi32, #tpu.memory_space<vmem>>
      %dma_wait3A_49 = tpu.memref_squeeze %dma_wait3A_48 : memref<1x125xi32, #tpu.memory_space<vmem>> -> memref<125xi32, #tpu.memory_space<vmem>>
      %dma_wait3A_50 = arith.constant 0 : i32
      %dma_wait3A_51 = arith.constant 0 : i32
      %dma_wait3A_52 = tpu.memref_slice %arg2[%dma_wait3A_50, %dma_wait3A_51] : memref<10000x128xf32, #tpu.memory_space<hbm>> -> memref<10000x128xf32, #tpu.memory_space<hbm>>
      tpu.wait_indirect_dma semaphore(%arg11 : memref<!tpu.dma_semaphore, #tpu.memory_space<semaphore_mem>>) src(%dma_wait3A_52 : memref<10000x128xf32, #tpu.memory_space<hbm>>) dst(%arg9 : memref<125x128xf32, #tpu.memory_space<vmem>>)
      "tpu.region"() ({
        %run_scoped3A = tpu.sem_alloc : memref<!tpu.dma_semaphore, #tpu.memory_space<semaphore_mem>>
        %dma_start3A_67 = arith.constant 0 : i32
        %dma_start3A_68 = tpu.memref_slice %arg8[%scan3A_40, %dma_start3A_67] : memref<80x125xi32, #tpu.memory_space<vmem>> -> memref<1x125xi32, #tpu.memory_space<vmem>>
        %dma_start3A_69 = tpu.memref_squeeze %dma_start3A_68 : memref<1x125xi32, #tpu.memory_space<vmem>> -> memref<125xi32, #tpu.memory_space<vmem>>
        %dma_start3A_70 = arith.constant 0 : i32
        %dma_start3A_71 = arith.constant 0 : i32
        %dma_start3A_72 = tpu.memref_slice %arg10[%dma_start3A_70, %dma_start3A_71] : memref<10112x128xf32, #tpu.memory_space<vmem_shared>> -> memref<10112x128xf32, #tpu.memory_space<vmem_shared>>
        tpu.enqueue_indirect_dma source(%arg9 : memref<125x128xf32, #tpu.memory_space<vmem>>) target(%dma_start3A_72 : memref<10112x128xf32, #tpu.memory_space<vmem_shared>>) offsets(%dma_start3A_69 : memref<125xi32, #tpu.memory_space<vmem>>) semaphore(%run_scoped3A : memref<!tpu.dma_semaphore, #tpu.memory_space<semaphore_mem>>) {add = true}
        %dma_wait3A_73 = arith.constant 0 : i32
        %dma_wait3A_74 = tpu.memref_slice %arg8[%scan3A_40, %dma_wait3A_73] : memref<80x125xi32, #tpu.memory_space<vmem>> -> memref<1x125xi32, #tpu.memory_space<vmem>>
        %dma_wait3A_75 = tpu.memref_squeeze %dma_wait3A_74 : memref<1x125xi32, #tpu.memory_space<vmem>> -> memref<125xi32, #tpu.memory_space<vmem>>
        %dma_wait3A_76 = arith.constant 0 : i32
        %dma_wait3A_77 = arith.constant 0 : i32
        %dma_wait3A_78 = tpu.memref_slice %arg10[%dma_wait3A_76, %dma_wait3A_77] : memref<10112x128xf32, #tpu.memory_space<vmem_shared>> -> memref<10112x128xf32, #tpu.memory_space<vmem_shared>>
        tpu.wait_indirect_dma semaphore(%run_scoped3A : memref<!tpu.dma_semaphore, #tpu.memory_space<semaphore_mem>>) src(%arg9 : memref<125x128xf32, #tpu.memory_space<vmem>>) dst(%dma_wait3A_78 : memref<10112x128xf32, #tpu.memory_space<vmem_shared>>)
        tpu.yield
      }) : () -> ()
      %scan3A_53 = arith.constant 3 : i32
      %scan3A_54 = arith.addi %scan3A_14, %scan3A_53 : i32
      %dma_start3A_55 = arith.constant 0 : i32
      %dma_start3A_56 = tpu.memref_slice %arg7[%scan3A_54, %dma_start3A_55] : memref<80x125xi32, #tpu.memory_space<vmem>> -> memref<1x125xi32, #tpu.memory_space<vmem>>
      %dma_start3A_57 = tpu.memref_squeeze %dma_start3A_56 : memref<1x125xi32, #tpu.memory_space<vmem>> -> memref<125xi32, #tpu.memory_space<vmem>>
      %dma_start3A_58 = arith.constant 0 : i32
      %dma_start3A_59 = arith.constant 0 : i32
      %dma_start3A_60 = tpu.memref_slice %arg2[%dma_start3A_58, %dma_start3A_59] : memref<10000x128xf32, #tpu.memory_space<hbm>> -> memref<10000x128xf32, #tpu.memory_space<hbm>>
      tpu.enqueue_indirect_dma source(%dma_start3A_60 : memref<10000x128xf32, #tpu.memory_space<hbm>>) target(%arg9 : memref<125x128xf32, #tpu.memory_space<vmem>>) offsets(%dma_start3A_57 : memref<125xi32, #tpu.memory_space<vmem>>) semaphore(%arg11 : memref<!tpu.dma_semaphore, #tpu.memory_space<semaphore_mem>>)
      %dma_wait3A_61 = arith.constant 0 : i32
      %dma_wait3A_62 = tpu.memref_slice %arg7[%scan3A_54, %dma_wait3A_61] : memref<80x125xi32, #tpu.memory_space<vmem>> -> memref<1x125xi32, #tpu.memory_space<vmem>>
      %dma_wait3A_63 = tpu.memref_squeeze %dma_wait3A_62 : memref<1x125xi32, #tpu.memory_space<vmem>> -> memref<125xi32, #tpu.memory_space<vmem>>
      %dma_wait3A_64 = arith.constant 0 : i32
      %dma_wait3A_65 = arith.constant 0 : i32
      %dma_wait3A_66 = tpu.memref_slice %arg2[%dma_wait3A_64, %dma_wait3A_65] : memref<10000x128xf32, #tpu.memory_space<hbm>> -> memref<10000x128xf32, #tpu.memory_space<hbm>>
      tpu.wait_indirect_dma semaphore(%arg11 : memref<!tpu.dma_semaphore, #tpu.memory_space<semaphore_mem>>) src(%dma_wait3A_66 : memref<10000x128xf32, #tpu.memory_space<hbm>>) dst(%arg9 : memref<125x128xf32, #tpu.memory_space<vmem>>)
      "tpu.region"() ({
        %run_scoped3A = tpu.sem_alloc : memref<!tpu.dma_semaphore, #tpu.memory_space<semaphore_mem>>
        %dma_start3A_67 = arith.constant 0 : i32
        %dma_start3A_68 = tpu.memref_slice %arg8[%scan3A_54, %dma_start3A_67] : memref<80x125xi32, #tpu.memory_space<vmem>> -> memref<1x125xi32, #tpu.memory_space<vmem>>
        %dma_start3A_69 = tpu.memref_squeeze %dma_start3A_68 : memref<1x125xi32, #tpu.memory_space<vmem>> -> memref<125xi32, #tpu.memory_space<vmem>>
        %dma_start3A_70 = arith.constant 0 : i32
        %dma_start3A_71 = arith.constant 0 : i32
        %dma_start3A_72 = tpu.memref_slice %arg10[%dma_start3A_70, %dma_start3A_71] : memref<10112x128xf32, #tpu.memory_space<vmem_shared>> -> memref<10112x128xf32, #tpu.memory_space<vmem_shared>>
        tpu.enqueue_indirect_dma source(%arg9 : memref<125x128xf32, #tpu.memory_space<vmem>>) target(%dma_start3A_72 : memref<10112x128xf32, #tpu.memory_space<vmem_shared>>) offsets(%dma_start3A_69 : memref<125xi32, #tpu.memory_space<vmem>>) semaphore(%run_scoped3A : memref<!tpu.dma_semaphore, #tpu.memory_space<semaphore_mem>>) {add = true}
        %dma_wait3A_73 = arith.constant 0 : i32
        %dma_wait3A_74 = tpu.memref_slice %arg8[%scan3A_54, %dma_wait3A_73] : memref<80x125xi32, #tpu.memory_space<vmem>> -> memref<1x125xi32, #tpu.memory_space<vmem>>
        %dma_wait3A_75 = tpu.memref_squeeze %dma_wait3A_74 : memref<1x125xi32, #tpu.memory_space<vmem>> -> memref<125xi32, #tpu.memory_space<vmem>>
        %dma_wait3A_76 = arith.constant 0 : i32
        %dma_wait3A_77 = arith.constant 0 : i32
        %dma_wait3A_78 = tpu.memref_slice %arg10[%dma_wait3A_76, %dma_wait3A_77] : memref<10112x128xf32, #tpu.memory_space<vmem_shared>> -> memref<10112x128xf32, #tpu.memory_space<vmem_shared>>
        tpu.wait_indirect_dma semaphore(%run_scoped3A : memref<!tpu.dma_semaphore, #tpu.memory_space<semaphore_mem>>) src(%arg9 : memref<125x128xf32, #tpu.memory_space<vmem>>) dst(%dma_wait3A_78 : memref<10112x128xf32, #tpu.memory_space<vmem_shared>>)
        tpu.yield
      }) : () -> ()
    }
    %scan3A_6 = arith.constant 80 : i32
    %barrier3A_7 = arith.constant 0 : index
    tpu.barrier barrier_id(%barrier3A_7)
    %lt3A = arith.constant 15 : i32
    %lt3A_8 = arith.cmpi slt, %arg1, %lt3A : i32
    %convert_element_type3A = arith.extui %lt3A_8 : i1 to i32
    %cond3A = arith.constant 0 : i32
    %cond3A_9 = arith.cmpi ne, %convert_element_type3A, %cond3A : i32
    scf.if %cond3A_9 {
      %mul3A_14 = arith.constant 632 : i32
      %mul3A_15 = arith.muli %arg1, %mul3A_14 : i32
      %mul3A_16 = arith.constant 632 : i32
      %mul3A_17 = arith.muli %arg1, %mul3A_16 : i32
      "tpu.region"() ({
        %run_scoped3A = tpu.sem_alloc : memref<!tpu.dma_semaphore, #tpu.memory_space<semaphore_mem>>
        %dma_start3A = arith.constant 0 : i32
        %dma_start3A_18 = tpu.memref_slice %arg6[%arg0, %mul3A_17, %dma_start3A] : memref<2x10000x128xf32, #tpu.memory_space<hbm>> -> memref<1x632x128xf32, #tpu.memory_space<hbm>>
        %dma_start3A_19 = tpu.memref_squeeze %dma_start3A_18 : memref<1x632x128xf32, #tpu.memory_space<hbm>> -> memref<632x128xf32, #tpu.memory_space<hbm>>
        %dma_start3A_20 = arith.constant 0 : i32
        %dma_start3A_21 = tpu.memref_slice %arg10[%mul3A_15, %dma_start3A_20] : memref<10112x128xf32, #tpu.memory_space<vmem_shared>> -> memref<632x128xf32, #tpu.memory_space<vmem_shared>>
        tpu.enqueue_dma source(%dma_start3A_21 : memref<632x128xf32, #tpu.memory_space<vmem_shared>>) target(%dma_start3A_19 : memref<632x128xf32, #tpu.memory_space<hbm>>) target_semaphore(%run_scoped3A : memref<!tpu.dma_semaphore, #tpu.memory_space<semaphore_mem>>)
        %dma_wait3A = arith.constant 0 : i32
        %dma_wait3A_22 = tpu.memref_slice %arg6[%arg0, %mul3A_17, %dma_wait3A] : memref<2x10000x128xf32, #tpu.memory_space<hbm>> -> memref<1x632x128xf32, #tpu.memory_space<hbm>>
        %dma_wait3A_23 = tpu.memref_squeeze %dma_wait3A_22 : memref<1x632x128xf32, #tpu.memory_space<hbm>> -> memref<632x128xf32, #tpu.memory_space<hbm>>
        %dma_wait3A_24 = arith.constant 0 : i32
        %dma_wait3A_25 = tpu.memref_slice %arg10[%mul3A_15, %dma_wait3A_24] : memref<10112x128xf32, #tpu.memory_space<vmem_shared>> -> memref<632x128xf32, #tpu.memory_space<vmem_shared>>
        tpu.wait_dma2 semaphore(%run_scoped3A : memref<!tpu.dma_semaphore, #tpu.memory_space<semaphore_mem>>) src(%dma_wait3A_25 : memref<632x128xf32, #tpu.memory_space<vmem_shared>>) dst(%dma_wait3A_23 : memref<632x128xf32, #tpu.memory_space<hbm>>)
        tpu.yield
      }) : () -> ()
    } else {
    }
    %eq3A = arith.constant 15 : i32
    %eq3A_10 = arith.cmpi eq, %arg1, %eq3A : i32
    %convert_element_type3A_11 = arith.extui %eq3A_10 : i1 to i32
    %cond3A_12 = arith.constant 0 : i32
    %cond3A_13 = arith.cmpi ne, %convert_element_type3A_11, %cond3A_12 : i32
    scf.if %cond3A_13 {
      %mul3A_14 = arith.constant 632 : i32
      %mul3A_15 = arith.muli %arg1, %mul3A_14 : i32
      %mul3A_16 = arith.constant 632 : i32
      %mul3A_17 = arith.muli %arg1, %mul3A_16 : i32
      "tpu.region"() ({
        %run_scoped3A = tpu.sem_alloc : memref<!tpu.dma_semaphore, #tpu.memory_space<semaphore_mem>>
        %dma_start3A = arith.constant 0 : i32
        %dma_start3A_18 = tpu.memref_slice %arg6[%arg0, %mul3A_17, %dma_start3A] : memref<2x10000x128xf32, #tpu.memory_space<hbm>> -> memref<1x520x128xf32, #tpu.memory_space<hbm>>
        %dma_start3A_19 = tpu.memref_squeeze %dma_start3A_18 : memref<1x520x128xf32, #tpu.memory_space<hbm>> -> memref<520x128xf32, #tpu.memory_space<hbm>>
        %dma_start3A_20 = arith.constant 0 : i32
        %dma_start3A_21 = tpu.memref_slice %arg10[%mul3A_15, %dma_start3A_20] : memref<10112x128xf32, #tpu.memory_space<vmem_shared>> -> memref<520x128xf32, #tpu.memory_space<vmem_shared>>
        tpu.enqueue_dma source(%dma_start3A_21 : memref<520x128xf32, #tpu.memory_space<vmem_shared>>) target(%dma_start3A_19 : memref<520x128xf32, #tpu.memory_space<hbm>>) target_semaphore(%run_scoped3A : memref<!tpu.dma_semaphore, #tpu.memory_space<semaphore_mem>>)
        %dma_wait3A = arith.constant 0 : i32
        %dma_wait3A_22 = tpu.memref_slice %arg6[%arg0, %mul3A_17, %dma_wait3A] : memref<2x10000x128xf32, #tpu.memory_space<hbm>> -> memref<1x520x128xf32, #tpu.memory_space<hbm>>
        %dma_wait3A_23 = tpu.memref_squeeze %dma_wait3A_22 : memref<1x520x128xf32, #tpu.memory_space<hbm>> -> memref<520x128xf32, #tpu.memory_space<hbm>>
        %dma_wait3A_24 = arith.constant 0 : i32
        %dma_wait3A_25 = tpu.memref_slice %arg10[%mul3A_15, %dma_wait3A_24] : memref<10112x128xf32, #tpu.memory_space<vmem_shared>> -> memref<520x128xf32, #tpu.memory_space<vmem_shared>>
        tpu.wait_dma2 semaphore(%run_scoped3A : memref<!tpu.dma_semaphore, #tpu.memory_space<semaphore_mem>>) src(%dma_wait3A_25 : memref<520x128xf32, #tpu.memory_space<vmem_shared>>) dst(%dma_wait3A_23 : memref<520x128xf32, #tpu.memory_space<hbm>>)
        tpu.yield
      }) : () -> ()
    } else {
    }
    return
  }
}

#map = affine_map<(d0, d1) -> (0, 0)>
#map1 = affine_map<(d0, d1) -> (0, 0, 0)>
module attributes {stable_mosaic.version = 14 : i64} {
  func.func @body(%arg0: i32, %arg1: i32, %arg2: memref<10000x128xf32, #tpu.memory_space<hbm>>, %arg3: memref<32x80x125xi32, #tpu.memory_space<hbm>>, %arg4: memref<32x80x125xi32, #tpu.memory_space<hbm>>, %arg5: memref<632x128xf32, #tpu.memory_space<hbm>>, %arg6: memref<2x10000x128xf32, #tpu.memory_space<hbm>>, %arg7: memref<80x125xi32, #tpu.memory_space<vmem>>, %arg8: memref<80x125xi32, #tpu.memory_space<vmem>>, %arg9: memref<125x128xf32, #tpu.memory_space<vmem>>, %arg10: memref<10112x128xf32, #tpu.memory_space<vmem_shared>>, %arg11: memref<!tpu.dma_semaphore, #tpu.memory_space<semaphore_mem>>) attributes {dimension_semantics = [#tpu.dimension_semantics<core_parallel>, #tpu.dimension_semantics<subcore_parallel>], iteration_bounds = array<i64: 2, 16>, scalar_prefetch = 0 : i64, scratch_operands = 5 : i64, tpu.core_type = #tpu.core_type<sc_vector_subcore>, window_params = [{transform_indices = #map}, {transform_indices = #map1}, {transform_indices = #map1}, {transform_indices = #map}, {transform_indices = #map1}]} {
    %mul3A = arith.constant 16 : i32
    %mul3A_0 = arith.muli %arg0, %mul3A : i32
    %add3A = arith.addi %mul3A_0, %arg1 : i32
    %mul3A_1 = arith.constant 632 : i32
    %mul3A_2 = arith.muli %arg1, %mul3A_1 : i32
    "tpu.region"() ({
      %run_scoped3A = tpu.sem_alloc : memref<!tpu.dma_semaphore, #tpu.memory_space<semaphore_mem>>
      %dma_start3A = arith.constant 0 : i32
      %dma_start3A_14 = tpu.memref_slice %arg10[%mul3A_2, %dma_start3A] : memref<10112x128xf32, #tpu.memory_space<vmem_shared>> -> memref<632x128xf32, #tpu.memory_space<vmem_shared>>
      tpu.enqueue_dma source(%arg5 : memref<632x128xf32, #tpu.memory_space<hbm>>) target(%dma_start3A_14 : memref<632x128xf32, #tpu.memory_space<vmem_shared>>) target_semaphore(%run_scoped3A : memref<!tpu.dma_semaphore, #tpu.memory_space<semaphore_mem>>)
      %dma_wait3A = arith.constant 0 : i32
      %dma_wait3A_15 = tpu.memref_slice %arg10[%mul3A_2, %dma_wait3A] : memref<10112x128xf32, #tpu.memory_space<vmem_shared>> -> memref<632x128xf32, #tpu.memory_space<vmem_shared>>
      tpu.wait_dma2 semaphore(%run_scoped3A : memref<!tpu.dma_semaphore, #tpu.memory_space<semaphore_mem>>) src(%arg5 : memref<632x128xf32, #tpu.memory_space<hbm>>) dst(%dma_wait3A_15 : memref<632x128xf32, #tpu.memory_space<vmem_shared>>)
      tpu.yield
    }) : () -> ()
    "tpu.region"() ({
      %run_scoped3A = tpu.sem_alloc : memref<!tpu.dma_semaphore, #tpu.memory_space<semaphore_mem>>
      %dma_start3A = arith.constant 0 : i32
      %dma_start3A_14 = arith.constant 0 : i32
      %dma_start3A_15 = tpu.memref_slice %arg3[%add3A, %dma_start3A, %dma_start3A_14] : memref<32x80x125xi32, #tpu.memory_space<hbm>> -> memref<1x80x125xi32, #tpu.memory_space<hbm>>
      %dma_start3A_16 = tpu.memref_squeeze %dma_start3A_15 : memref<1x80x125xi32, #tpu.memory_space<hbm>> -> memref<80x125xi32, #tpu.memory_space<hbm>>
      %dma_start3A_17 = arith.constant 0 : i32
      %dma_start3A_18 = arith.constant 0 : i32
      %dma_start3A_19 = tpu.memref_slice %arg3[%add3A, %dma_start3A_17, %dma_start3A_18] : memref<32x80x125xi32, #tpu.memory_space<hbm>> -> memref<1x80x125xi32, #tpu.memory_space<hbm>>
      %dma_start3A_20 = tpu.memref_squeeze %dma_start3A_19 : memref<1x80x125xi32, #tpu.memory_space<hbm>> -> memref<80x125xi32, #tpu.memory_space<hbm>>
      tpu.enqueue_dma source(%dma_start3A_20 : memref<80x125xi32, #tpu.memory_space<hbm>>) target(%arg7 : memref<80x125xi32, #tpu.memory_space<vmem>>) target_semaphore(%run_scoped3A : memref<!tpu.dma_semaphore, #tpu.memory_space<semaphore_mem>>)
      %dma_wait3A = arith.constant 0 : i32
      %dma_wait3A_21 = arith.constant 0 : i32
      %dma_wait3A_22 = tpu.memref_slice %arg3[%add3A, %dma_wait3A, %dma_wait3A_21] : memref<32x80x125xi32, #tpu.memory_space<hbm>> -> memref<1x80x125xi32, #tpu.memory_space<hbm>>
      %dma_wait3A_23 = tpu.memref_squeeze %dma_wait3A_22 : memref<1x80x125xi32, #tpu.memory_space<hbm>> -> memref<80x125xi32, #tpu.memory_space<hbm>>
      %dma_wait3A_24 = arith.constant 0 : i32
      %dma_wait3A_25 = arith.constant 0 : i32
      %dma_wait3A_26 = tpu.memref_slice %arg3[%add3A, %dma_wait3A_24, %dma_wait3A_25] : memref<32x80x125xi32, #tpu.memory_space<hbm>> -> memref<1x80x125xi32, #tpu.memory_space<hbm>>
      %dma_wait3A_27 = tpu.memref_squeeze %dma_wait3A_26 : memref<1x80x125xi32, #tpu.memory_space<hbm>> -> memref<80x125xi32, #tpu.memory_space<hbm>>
      tpu.wait_dma2 semaphore(%run_scoped3A : memref<!tpu.dma_semaphore, #tpu.memory_space<semaphore_mem>>) src(%dma_wait3A_27 : memref<80x125xi32, #tpu.memory_space<hbm>>) dst(%arg7 : memref<80x125xi32, #tpu.memory_space<vmem>>)
      tpu.yield
    }) : () -> ()
    "tpu.region"() ({
      %run_scoped3A = tpu.sem_alloc : memref<!tpu.dma_semaphore, #tpu.memory_space<semaphore_mem>>
      %dma_start3A = arith.constant 0 : i32
      %dma_start3A_14 = arith.constant 0 : i32
      %dma_start3A_15 = tpu.memref_slice %arg4[%add3A, %dma_start3A, %dma_start3A_14] : memref<32x80x125xi32, #tpu.memory_space<hbm>> -> memref<1x80x125xi32, #tpu.memory_space<hbm>>
      %dma_start3A_16 = tpu.memref_squeeze %dma_start3A_15 : memref<1x80x125xi32, #tpu.memory_space<hbm>> -> memref<80x125xi32, #tpu.memory_space<hbm>>
      %dma_start3A_17 = arith.constant 0 : i32
      %dma_start3A_18 = arith.constant 0 : i32
      %dma_start3A_19 = tpu.memref_slice %arg4[%add3A, %dma_start3A_17, %dma_start3A_18] : memref<32x80x125xi32, #tpu.memory_space<hbm>> -> memref<1x80x125xi32, #tpu.memory_space<hbm>>
      %dma_start3A_20 = tpu.memref_squeeze %dma_start3A_19 : memref<1x80x125xi32, #tpu.memory_space<hbm>> -> memref<80x125xi32, #tpu.memory_space<hbm>>
      tpu.enqueue_dma source(%dma_start3A_20 : memref<80x125xi32, #tpu.memory_space<hbm>>) target(%arg8 : memref<80x125xi32, #tpu.memory_space<vmem>>) target_semaphore(%run_scoped3A : memref<!tpu.dma_semaphore, #tpu.memory_space<semaphore_mem>>)
      %dma_wait3A = arith.constant 0 : i32
      %dma_wait3A_21 = arith.constant 0 : i32
      %dma_wait3A_22 = tpu.memref_slice %arg4[%add3A, %dma_wait3A, %dma_wait3A_21] : memref<32x80x125xi32, #tpu.memory_space<hbm>> -> memref<1x80x125xi32, #tpu.memory_space<hbm>>
      %dma_wait3A_23 = tpu.memref_squeeze %dma_wait3A_22 : memref<1x80x125xi32, #tpu.memory_space<hbm>> -> memref<80x125xi32, #tpu.memory_space<hbm>>
      %dma_wait3A_24 = arith.constant 0 : i32
      %dma_wait3A_25 = arith.constant 0 : i32
      %dma_wait3A_26 = tpu.memref_slice %arg4[%add3A, %dma_wait3A_24, %dma_wait3A_25] : memref<32x80x125xi32, #tpu.memory_space<hbm>> -> memref<1x80x125xi32, #tpu.memory_space<hbm>>
      %dma_wait3A_27 = tpu.memref_squeeze %dma_wait3A_26 : memref<1x80x125xi32, #tpu.memory_space<hbm>> -> memref<80x125xi32, #tpu.memory_space<hbm>>
      tpu.wait_dma2 semaphore(%run_scoped3A : memref<!tpu.dma_semaphore, #tpu.memory_space<semaphore_mem>>) src(%dma_wait3A_27 : memref<80x125xi32, #tpu.memory_space<hbm>>) dst(%arg8 : memref<80x125xi32, #tpu.memory_space<vmem>>)
      tpu.yield
    }) : () -> ()
    %barrier3A = arith.constant 0 : index
    tpu.barrier barrier_id(%barrier3A)
    %scan3A = arith.constant 0 : i32
    %scan3A_3 = arith.constant 80 : i32
    %scan3A_4 = arith.addi %scan3A, %scan3A_3 : i32
    %scan3A_5 = arith.constant 4 : i32
    scf.for %scan3A_14 = %scan3A to %scan3A_4 step %scan3A_5  : i32 {
      %dma_start3A = arith.constant 0 : i32
      %dma_start3A_15 = tpu.memref_slice %arg7[%scan3A_14, %dma_start3A] : memref<80x125xi32, #tpu.memory_space<vmem>> -> memref<1x125xi32, #tpu.memory_space<vmem>>
      %dma_start3A_16 = tpu.memref_squeeze %dma_start3A_15 : memref<1x125xi32, #tpu.memory_space<vmem>> -> memref<125xi32, #tpu.memory_space<vmem>>
      %dma_start3A_17 = arith.constant 0 : i32
      %dma_start3A_18 = arith.constant 0 : i32
      %dma_start3A_19 = tpu.memref_slice %arg2[%dma_start3A_17, %dma_start3A_18] : memref<10000x128xf32, #tpu.memory_space<hbm>> -> memref<10000x128xf32, #tpu.memory_space<hbm>>
      tpu.enqueue_indirect_dma source(%dma_start3A_19 : memref<10000x128xf32, #tpu.memory_space<hbm>>) target(%arg9 : memref<125x128xf32, #tpu.memory_space<vmem>>) offsets(%dma_start3A_16 : memref<125xi32, #tpu.memory_space<vmem>>) semaphore(%arg11 : memref<!tpu.dma_semaphore, #tpu.memory_space<semaphore_mem>>)
      %dma_wait3A = arith.constant 0 : i32
      %dma_wait3A_20 = tpu.memref_slice %arg7[%scan3A_14, %dma_wait3A] : memref<80x125xi32, #tpu.memory_space<vmem>> -> memref<1x125xi32, #tpu.memory_space<vmem>>
      %dma_wait3A_21 = tpu.memref_squeeze %dma_wait3A_20 : memref<1x125xi32, #tpu.memory_space<vmem>> -> memref<125xi32, #tpu.memory_space<vmem>>
      %dma_wait3A_22 = arith.constant 0 : i32
      %dma_wait3A_23 = arith.constant 0 : i32
      %dma_wait3A_24 = tpu.memref_slice %arg2[%dma_wait3A_22, %dma_wait3A_23] : memref<10000x128xf32, #tpu.memory_space<hbm>> -> memref<10000x128xf32, #tpu.memory_space<hbm>>
      tpu.wait_indirect_dma semaphore(%arg11 : memref<!tpu.dma_semaphore, #tpu.memory_space<semaphore_mem>>) src(%dma_wait3A_24 : memref<10000x128xf32, #tpu.memory_space<hbm>>) dst(%arg9 : memref<125x128xf32, #tpu.memory_space<vmem>>)
      "tpu.region"() ({
        %run_scoped3A = tpu.sem_alloc : memref<!tpu.dma_semaphore, #tpu.memory_space<semaphore_mem>>
        %dma_start3A_67 = arith.constant 0 : i32
        %dma_start3A_68 = tpu.memref_slice %arg8[%scan3A_14, %dma_start3A_67] : memref<80x125xi32, #tpu.memory_space<vmem>> -> memref<1x125xi32, #tpu.memory_space<vmem>>
        %dma_start3A_69 = tpu.memref_squeeze %dma_start3A_68 : memref<1x125xi32, #tpu.memory_space<vmem>> -> memref<125xi32, #tpu.memory_space<vmem>>
        %dma_start3A_70 = arith.constant 0 : i32
        %dma_start3A_71 = arith.constant 0 : i32
        %dma_start3A_72 = tpu.memref_slice %arg10[%dma_start3A_70, %dma_start3A_71] : memref<10112x128xf32, #tpu.memory_space<vmem_shared>> -> memref<10112x128xf32, #tpu.memory_space<vmem_shared>>
        tpu.enqueue_indirect_dma source(%arg9 : memref<125x128xf32, #tpu.memory_space<vmem>>) target(%dma_start3A_72 : memref<10112x128xf32, #tpu.memory_space<vmem_shared>>) offsets(%dma_start3A_69 : memref<125xi32, #tpu.memory_space<vmem>>) semaphore(%run_scoped3A : memref<!tpu.dma_semaphore, #tpu.memory_space<semaphore_mem>>) {add = true}
        %dma_wait3A_73 = arith.constant 0 : i32
        %dma_wait3A_74 = tpu.memref_slice %arg8[%scan3A_14, %dma_wait3A_73] : memref<80x125xi32, #tpu.memory_space<vmem>> -> memref<1x125xi32, #tpu.memory_space<vmem>>
        %dma_wait3A_75 = tpu.memref_squeeze %dma_wait3A_74 : memref<1x125xi32, #tpu.memory_space<vmem>> -> memref<125xi32, #tpu.memory_space<vmem>>
        %dma_wait3A_76 = arith.constant 0 : i32
        %dma_wait3A_77 = arith.constant 0 : i32
        %dma_wait3A_78 = tpu.memref_slice %arg10[%dma_wait3A_76, %dma_wait3A_77] : memref<10112x128xf32, #tpu.memory_space<vmem_shared>> -> memref<10112x128xf32, #tpu.memory_space<vmem_shared>>
        tpu.wait_indirect_dma semaphore(%run_scoped3A : memref<!tpu.dma_semaphore, #tpu.memory_space<semaphore_mem>>) src(%arg9 : memref<125x128xf32, #tpu.memory_space<vmem>>) dst(%dma_wait3A_78 : memref<10112x128xf32, #tpu.memory_space<vmem_shared>>)
        tpu.yield
      }) : () -> ()
      %scan3A_25 = arith.constant 1 : i32
      %scan3A_26 = arith.addi %scan3A_14, %scan3A_25 : i32
      %dma_start3A_27 = arith.constant 0 : i32
      %dma_start3A_28 = tpu.memref_slice %arg7[%scan3A_26, %dma_start3A_27] : memref<80x125xi32, #tpu.memory_space<vmem>> -> memref<1x125xi32, #tpu.memory_space<vmem>>
      %dma_start3A_29 = tpu.memref_squeeze %dma_start3A_28 : memref<1x125xi32, #tpu.memory_space<vmem>> -> memref<125xi32, #tpu.memory_space<vmem>>
      %dma_start3A_30 = arith.constant 0 : i32
      %dma_start3A_31 = arith.constant 0 : i32
      %dma_start3A_32 = tpu.memref_slice %arg2[%dma_start3A_30, %dma_start3A_31] : memref<10000x128xf32, #tpu.memory_space<hbm>> -> memref<10000x128xf32, #tpu.memory_space<hbm>>
      tpu.enqueue_indirect_dma source(%dma_start3A_32 : memref<10000x128xf32, #tpu.memory_space<hbm>>) target(%arg9 : memref<125x128xf32, #tpu.memory_space<vmem>>) offsets(%dma_start3A_29 : memref<125xi32, #tpu.memory_space<vmem>>) semaphore(%arg11 : memref<!tpu.dma_semaphore, #tpu.memory_space<semaphore_mem>>)
      %dma_wait3A_33 = arith.constant 0 : i32
      %dma_wait3A_34 = tpu.memref_slice %arg7[%scan3A_26, %dma_wait3A_33] : memref<80x125xi32, #tpu.memory_space<vmem>> -> memref<1x125xi32, #tpu.memory_space<vmem>>
      %dma_wait3A_35 = tpu.memref_squeeze %dma_wait3A_34 : memref<1x125xi32, #tpu.memory_space<vmem>> -> memref<125xi32, #tpu.memory_space<vmem>>
      %dma_wait3A_36 = arith.constant 0 : i32
      %dma_wait3A_37 = arith.constant 0 : i32
      %dma_wait3A_38 = tpu.memref_slice %arg2[%dma_wait3A_36, %dma_wait3A_37] : memref<10000x128xf32, #tpu.memory_space<hbm>> -> memref<10000x128xf32, #tpu.memory_space<hbm>>
      tpu.wait_indirect_dma semaphore(%arg11 : memref<!tpu.dma_semaphore, #tpu.memory_space<semaphore_mem>>) src(%dma_wait3A_38 : memref<10000x128xf32, #tpu.memory_space<hbm>>) dst(%arg9 : memref<125x128xf32, #tpu.memory_space<vmem>>)
      "tpu.region"() ({
        %run_scoped3A = tpu.sem_alloc : memref<!tpu.dma_semaphore, #tpu.memory_space<semaphore_mem>>
        %dma_start3A_67 = arith.constant 0 : i32
        %dma_start3A_68 = tpu.memref_slice %arg8[%scan3A_26, %dma_start3A_67] : memref<80x125xi32, #tpu.memory_space<vmem>> -> memref<1x125xi32, #tpu.memory_space<vmem>>
        %dma_start3A_69 = tpu.memref_squeeze %dma_start3A_68 : memref<1x125xi32, #tpu.memory_space<vmem>> -> memref<125xi32, #tpu.memory_space<vmem>>
        %dma_start3A_70 = arith.constant 0 : i32
        %dma_start3A_71 = arith.constant 0 : i32
        %dma_start3A_72 = tpu.memref_slice %arg10[%dma_start3A_70, %dma_start3A_71] : memref<10112x128xf32, #tpu.memory_space<vmem_shared>> -> memref<10112x128xf32, #tpu.memory_space<vmem_shared>>
        tpu.enqueue_indirect_dma source(%arg9 : memref<125x128xf32, #tpu.memory_space<vmem>>) target(%dma_start3A_72 : memref<10112x128xf32, #tpu.memory_space<vmem_shared>>) offsets(%dma_start3A_69 : memref<125xi32, #tpu.memory_space<vmem>>) semaphore(%run_scoped3A : memref<!tpu.dma_semaphore, #tpu.memory_space<semaphore_mem>>) {add = true}
        %dma_wait3A_73 = arith.constant 0 : i32
        %dma_wait3A_74 = tpu.memref_slice %arg8[%scan3A_26, %dma_wait3A_73] : memref<80x125xi32, #tpu.memory_space<vmem>> -> memref<1x125xi32, #tpu.memory_space<vmem>>
        %dma_wait3A_75 = tpu.memref_squeeze %dma_wait3A_74 : memref<1x125xi32, #tpu.memory_space<vmem>> -> memref<125xi32, #tpu.memory_space<vmem>>
        %dma_wait3A_76 = arith.constant 0 : i32
        %dma_wait3A_77 = arith.constant 0 : i32
        %dma_wait3A_78 = tpu.memref_slice %arg10[%dma_wait3A_76, %dma_wait3A_77] : memref<10112x128xf32, #tpu.memory_space<vmem_shared>> -> memref<10112x128xf32, #tpu.memory_space<vmem_shared>>
        tpu.wait_indirect_dma semaphore(%run_scoped3A : memref<!tpu.dma_semaphore, #tpu.memory_space<semaphore_mem>>) src(%arg9 : memref<125x128xf32, #tpu.memory_space<vmem>>) dst(%dma_wait3A_78 : memref<10112x128xf32, #tpu.memory_space<vmem_shared>>)
        tpu.yield
      }) : () -> ()
      %scan3A_39 = arith.constant 2 : i32
      %scan3A_40 = arith.addi %scan3A_14, %scan3A_39 : i32
      %dma_start3A_41 = arith.constant 0 : i32
      %dma_start3A_42 = tpu.memref_slice %arg7[%scan3A_40, %dma_start3A_41] : memref<80x125xi32, #tpu.memory_space<vmem>> -> memref<1x125xi32, #tpu.memory_space<vmem>>
      %dma_start3A_43 = tpu.memref_squeeze %dma_start3A_42 : memref<1x125xi32, #tpu.memory_space<vmem>> -> memref<125xi32, #tpu.memory_space<vmem>>
      %dma_start3A_44 = arith.constant 0 : i32
      %dma_start3A_45 = arith.constant 0 : i32
      %dma_start3A_46 = tpu.memref_slice %arg2[%dma_start3A_44, %dma_start3A_45] : memref<10000x128xf32, #tpu.memory_space<hbm>> -> memref<10000x128xf32, #tpu.memory_space<hbm>>
      tpu.enqueue_indirect_dma source(%dma_start3A_46 : memref<10000x128xf32, #tpu.memory_space<hbm>>) target(%arg9 : memref<125x128xf32, #tpu.memory_space<vmem>>) offsets(%dma_start3A_43 : memref<125xi32, #tpu.memory_space<vmem>>) semaphore(%arg11 : memref<!tpu.dma_semaphore, #tpu.memory_space<semaphore_mem>>)
      %dma_wait3A_47 = arith.constant 0 : i32
      %dma_wait3A_48 = tpu.memref_slice %arg7[%scan3A_40, %dma_wait3A_47] : memref<80x125xi32, #tpu.memory_space<vmem>> -> memref<1x125xi32, #tpu.memory_space<vmem>>
      %dma_wait3A_49 = tpu.memref_squeeze %dma_wait3A_48 : memref<1x125xi32, #tpu.memory_space<vmem>> -> memref<125xi32, #tpu.memory_space<vmem>>
      %dma_wait3A_50 = arith.constant 0 : i32
      %dma_wait3A_51 = arith.constant 0 : i32
      %dma_wait3A_52 = tpu.memref_slice %arg2[%dma_wait3A_50, %dma_wait3A_51] : memref<10000x128xf32, #tpu.memory_space<hbm>> -> memref<10000x128xf32, #tpu.memory_space<hbm>>
      tpu.wait_indirect_dma semaphore(%arg11 : memref<!tpu.dma_semaphore, #tpu.memory_space<semaphore_mem>>) src(%dma_wait3A_52 : memref<10000x128xf32, #tpu.memory_space<hbm>>) dst(%arg9 : memref<125x128xf32, #tpu.memory_space<vmem>>)
      "tpu.region"() ({
        %run_scoped3A = tpu.sem_alloc : memref<!tpu.dma_semaphore, #tpu.memory_space<semaphore_mem>>
        %dma_start3A_67 = arith.constant 0 : i32
        %dma_start3A_68 = tpu.memref_slice %arg8[%scan3A_40, %dma_start3A_67] : memref<80x125xi32, #tpu.memory_space<vmem>> -> memref<1x125xi32, #tpu.memory_space<vmem>>
        %dma_start3A_69 = tpu.memref_squeeze %dma_start3A_68 : memref<1x125xi32, #tpu.memory_space<vmem>> -> memref<125xi32, #tpu.memory_space<vmem>>
        %dma_start3A_70 = arith.constant 0 : i32
        %dma_start3A_71 = arith.constant 0 : i32
        %dma_start3A_72 = tpu.memref_slice %arg10[%dma_start3A_70, %dma_start3A_71] : memref<10112x128xf32, #tpu.memory_space<vmem_shared>> -> memref<10112x128xf32, #tpu.memory_space<vmem_shared>>
        tpu.enqueue_indirect_dma source(%arg9 : memref<125x128xf32, #tpu.memory_space<vmem>>) target(%dma_start3A_72 : memref<10112x128xf32, #tpu.memory_space<vmem_shared>>) offsets(%dma_start3A_69 : memref<125xi32, #tpu.memory_space<vmem>>) semaphore(%run_scoped3A : memref<!tpu.dma_semaphore, #tpu.memory_space<semaphore_mem>>) {add = true}
        %dma_wait3A_73 = arith.constant 0 : i32
        %dma_wait3A_74 = tpu.memref_slice %arg8[%scan3A_40, %dma_wait3A_73] : memref<80x125xi32, #tpu.memory_space<vmem>> -> memref<1x125xi32, #tpu.memory_space<vmem>>
        %dma_wait3A_75 = tpu.memref_squeeze %dma_wait3A_74 : memref<1x125xi32, #tpu.memory_space<vmem>> -> memref<125xi32, #tpu.memory_space<vmem>>
        %dma_wait3A_76 = arith.constant 0 : i32
        %dma_wait3A_77 = arith.constant 0 : i32
        %dma_wait3A_78 = tpu.memref_slice %arg10[%dma_wait3A_76, %dma_wait3A_77] : memref<10112x128xf32, #tpu.memory_space<vmem_shared>> -> memref<10112x128xf32, #tpu.memory_space<vmem_shared>>
        tpu.wait_indirect_dma semaphore(%run_scoped3A : memref<!tpu.dma_semaphore, #tpu.memory_space<semaphore_mem>>) src(%arg9 : memref<125x128xf32, #tpu.memory_space<vmem>>) dst(%dma_wait3A_78 : memref<10112x128xf32, #tpu.memory_space<vmem_shared>>)
        tpu.yield
      }) : () -> ()
      %scan3A_53 = arith.constant 3 : i32
      %scan3A_54 = arith.addi %scan3A_14, %scan3A_53 : i32
      %dma_start3A_55 = arith.constant 0 : i32
      %dma_start3A_56 = tpu.memref_slice %arg7[%scan3A_54, %dma_start3A_55] : memref<80x125xi32, #tpu.memory_space<vmem>> -> memref<1x125xi32, #tpu.memory_space<vmem>>
      %dma_start3A_57 = tpu.memref_squeeze %dma_start3A_56 : memref<1x125xi32, #tpu.memory_space<vmem>> -> memref<125xi32, #tpu.memory_space<vmem>>
      %dma_start3A_58 = arith.constant 0 : i32
      %dma_start3A_59 = arith.constant 0 : i32
      %dma_start3A_60 = tpu.memref_slice %arg2[%dma_start3A_58, %dma_start3A_59] : memref<10000x128xf32, #tpu.memory_space<hbm>> -> memref<10000x128xf32, #tpu.memory_space<hbm>>
      tpu.enqueue_indirect_dma source(%dma_start3A_60 : memref<10000x128xf32, #tpu.memory_space<hbm>>) target(%arg9 : memref<125x128xf32, #tpu.memory_space<vmem>>) offsets(%dma_start3A_57 : memref<125xi32, #tpu.memory_space<vmem>>) semaphore(%arg11 : memref<!tpu.dma_semaphore, #tpu.memory_space<semaphore_mem>>)
      %dma_wait3A_61 = arith.constant 0 : i32
      %dma_wait3A_62 = tpu.memref_slice %arg7[%scan3A_54, %dma_wait3A_61] : memref<80x125xi32, #tpu.memory_space<vmem>> -> memref<1x125xi32, #tpu.memory_space<vmem>>
      %dma_wait3A_63 = tpu.memref_squeeze %dma_wait3A_62 : memref<1x125xi32, #tpu.memory_space<vmem>> -> memref<125xi32, #tpu.memory_space<vmem>>
      %dma_wait3A_64 = arith.constant 0 : i32
      %dma_wait3A_65 = arith.constant 0 : i32
      %dma_wait3A_66 = tpu.memref_slice %arg2[%dma_wait3A_64, %dma_wait3A_65] : memref<10000x128xf32, #tpu.memory_space<hbm>> -> memref<10000x128xf32, #tpu.memory_space<hbm>>
      tpu.wait_indirect_dma semaphore(%arg11 : memref<!tpu.dma_semaphore, #tpu.memory_space<semaphore_mem>>) src(%dma_wait3A_66 : memref<10000x128xf32, #tpu.memory_space<hbm>>) dst(%arg9 : memref<125x128xf32, #tpu.memory_space<vmem>>)
      "tpu.region"() ({
        %run_scoped3A = tpu.sem_alloc : memref<!tpu.dma_semaphore, #tpu.memory_space<semaphore_mem>>
        %dma_start3A_67 = arith.constant 0 : i32
        %dma_start3A_68 = tpu.memref_slice %arg8[%scan3A_54, %dma_start3A_67] : memref<80x125xi32, #tpu.memory_space<vmem>> -> memref<1x125xi32, #tpu.memory_space<vmem>>
        %dma_start3A_69 = tpu.memref_squeeze %dma_start3A_68 : memref<1x125xi32, #tpu.memory_space<vmem>> -> memref<125xi32, #tpu.memory_space<vmem>>
        %dma_start3A_70 = arith.constant 0 : i32
        %dma_start3A_71 = arith.constant 0 : i32
        %dma_start3A_72 = tpu.memref_slice %arg10[%dma_start3A_70, %dma_start3A_71] : memref<10112x128xf32, #tpu.memory_space<vmem_shared>> -> memref<10112x128xf32, #tpu.memory_space<vmem_shared>>
        tpu.enqueue_indirect_dma source(%arg9 : memref<125x128xf32, #tpu.memory_space<vmem>>) target(%dma_start3A_72 : memref<10112x128xf32, #tpu.memory_space<vmem_shared>>) offsets(%dma_start3A_69 : memref<125xi32, #tpu.memory_space<vmem>>) semaphore(%run_scoped3A : memref<!tpu.dma_semaphore, #tpu.memory_space<semaphore_mem>>) {add = true}
        %dma_wait3A_73 = arith.constant 0 : i32
        %dma_wait3A_74 = tpu.memref_slice %arg8[%scan3A_54, %dma_wait3A_73] : memref<80x125xi32, #tpu.memory_space<vmem>> -> memref<1x125xi32, #tpu.memory_space<vmem>>
        %dma_wait3A_75 = tpu.memref_squeeze %dma_wait3A_74 : memref<1x125xi32, #tpu.memory_space<vmem>> -> memref<125xi32, #tpu.memory_space<vmem>>
        %dma_wait3A_76 = arith.constant 0 : i32
        %dma_wait3A_77 = arith.constant 0 : i32
        %dma_wait3A_78 = tpu.memref_slice %arg10[%dma_wait3A_76, %dma_wait3A_77] : memref<10112x128xf32, #tpu.memory_space<vmem_shared>> -> memref<10112x128xf32, #tpu.memory_space<vmem_shared>>
        tpu.wait_indirect_dma semaphore(%run_scoped3A : memref<!tpu.dma_semaphore, #tpu.memory_space<semaphore_mem>>) src(%arg9 : memref<125x128xf32, #tpu.memory_space<vmem>>) dst(%dma_wait3A_78 : memref<10112x128xf32, #tpu.memory_space<vmem_shared>>)
        tpu.yield
      }) : () -> ()
    }
    %scan3A_6 = arith.constant 80 : i32
    %barrier3A_7 = arith.constant 0 : index
    tpu.barrier barrier_id(%barrier3A_7)
    %lt3A = arith.constant 15 : i32
    %lt3A_8 = arith.cmpi slt, %arg1, %lt3A : i32
    %convert_element_type3A = arith.extui %lt3A_8 : i1 to i32
    %cond3A = arith.constant 0 : i32
    %cond3A_9 = arith.cmpi ne, %convert_element_type3A, %cond3A : i32
    scf.if %cond3A_9 {
      %mul3A_14 = arith.constant 632 : i32
      %mul3A_15 = arith.muli %arg1, %mul3A_14 : i32
      %mul3A_16 = arith.constant 632 : i32
      %mul3A_17 = arith.muli %arg1, %mul3A_16 : i32
      "tpu.region"() ({
        %run_scoped3A = tpu.sem_alloc : memref<!tpu.dma_semaphore, #tpu.memory_space<semaphore_mem>>
        %dma_start3A = arith.constant 0 : i32
        %dma_start3A_18 = tpu.memref_slice %arg6[%arg0, %mul3A_17, %dma_start3A] : memref<2x10000x128xf32, #tpu.memory_space<hbm>> -> memref<1x632x128xf32, #tpu.memory_space<hbm>>
        %dma_start3A_19 = tpu.memref_squeeze %dma_start3A_18 : memref<1x632x128xf32, #tpu.memory_space<hbm>> -> memref<632x128xf32, #tpu.memory_space<hbm>>
        %dma_start3A_20 = arith.constant 0 : i32
        %dma_start3A_21 = tpu.memref_slice %arg10[%mul3A_15, %dma_start3A_20] : memref<10112x128xf32, #tpu.memory_space<vmem_shared>> -> memref<632x128xf32, #tpu.memory_space<vmem_shared>>
        tpu.enqueue_dma source(%dma_start3A_21 : memref<632x128xf32, #tpu.memory_space<vmem_shared>>) target(%dma_start3A_19 : memref<632x128xf32, #tpu.memory_space<hbm>>) target_semaphore(%run_scoped3A : memref<!tpu.dma_semaphore, #tpu.memory_space<semaphore_mem>>)
        %dma_wait3A = arith.constant 0 : i32
        %dma_wait3A_22 = tpu.memref_slice %arg6[%arg0, %mul3A_17, %dma_wait3A] : memref<2x10000x128xf32, #tpu.memory_space<hbm>> -> memref<1x632x128xf32, #tpu.memory_space<hbm>>
        %dma_wait3A_23 = tpu.memref_squeeze %dma_wait3A_22 : memref<1x632x128xf32, #tpu.memory_space<hbm>> -> memref<632x128xf32, #tpu.memory_space<hbm>>
        %dma_wait3A_24 = arith.constant 0 : i32
        %dma_wait3A_25 = tpu.memref_slice %arg10[%mul3A_15, %dma_wait3A_24] : memref<10112x128xf32, #tpu.memory_space<vmem_shared>> -> memref<632x128xf32, #tpu.memory_space<vmem_shared>>
        tpu.wait_dma2 semaphore(%run_scoped3A : memref<!tpu.dma_semaphore, #tpu.memory_space<semaphore_mem>>) src(%dma_wait3A_25 : memref<632x128xf32, #tpu.memory_space<vmem_shared>>) dst(%dma_wait3A_23 : memref<632x128xf32, #tpu.memory_space<hbm>>)
        tpu.yield
      }) : () -> ()
    } else {
    }
    %eq3A = arith.constant 15 : i32
    %eq3A_10 = arith.cmpi eq, %arg1, %eq3A : i32
    %convert_element_type3A_11 = arith.extui %eq3A_10 : i1 to i32
    %cond3A_12 = arith.constant 0 : i32
    %cond3A_13 = arith.cmpi ne, %convert_element_type3A_11, %cond3A_12 : i32
    scf.if %cond3A_13 {
      %mul3A_14 = arith.constant 632 : i32
      %mul3A_15 = arith.muli %arg1, %mul3A_14 : i32
      %mul3A_16 = arith.constant 632 : i32
      %mul3A_17 = arith.muli %arg1, %mul3A_16 : i32
      "tpu.region"() ({
        %run_scoped3A = tpu.sem_alloc : memref<!tpu.dma_semaphore, #tpu.memory_space<semaphore_mem>>
        %dma_start3A = arith.constant 0 : i32
        %dma_start3A_18 = tpu.memref_slice %arg6[%arg0, %mul3A_17, %dma_start3A] : memref<2x10000x128xf32, #tpu.memory_space<hbm>> -> memref<1x520x128xf32, #tpu.memory_space<hbm>>
        %dma_start3A_19 = tpu.memref_squeeze %dma_start3A_18 : memref<1x520x128xf32, #tpu.memory_space<hbm>> -> memref<520x128xf32, #tpu.memory_space<hbm>>
        %dma_start3A_20 = arith.constant 0 : i32
        %dma_start3A_21 = tpu.memref_slice %arg10[%mul3A_15, %dma_start3A_20] : memref<10112x128xf32, #tpu.memory_space<vmem_shared>> -> memref<520x128xf32, #tpu.memory_space<vmem_shared>>
        tpu.enqueue_dma source(%dma_start3A_21 : memref<520x128xf32, #tpu.memory_space<vmem_shared>>) target(%dma_start3A_19 : memref<520x128xf32, #tpu.memory_space<hbm>>) target_semaphore(%run_scoped3A : memref<!tpu.dma_semaphore, #tpu.memory_space<semaphore_mem>>)
        %dma_wait3A = arith.constant 0 : i32
        %dma_wait3A_22 = tpu.memref_slice %arg6[%arg0, %mul3A_17, %dma_wait3A] : memref<2x10000x128xf32, #tpu.memory_space<hbm>> -> memref<1x520x128xf32, #tpu.memory_space<hbm>>
        %dma_wait3A_23 = tpu.memref_squeeze %dma_wait3A_22 : memref<1x520x128xf32, #tpu.memory_space<hbm>> -> memref<520x128xf32, #tpu.memory_space<hbm>>
        %dma_wait3A_24 = arith.constant 0 : i32
        %dma_wait3A_25 = tpu.memref_slice %arg10[%mul3A_15, %dma_wait3A_24] : memref<10112x128xf32, #tpu.memory_space<vmem_shared>> -> memref<520x128xf32, #tpu.memory_space<vmem_shared>>
        tpu.wait_dma2 semaphore(%run_scoped3A : memref<!tpu.dma_semaphore, #tpu.memory_space<semaphore_mem>>) src(%dma_wait3A_25 : memref<520x128xf32, #tpu.memory_space<vmem_shared>>) dst(%dma_wait3A_23 : memref<520x128xf32, #tpu.memory_space<hbm>>)
        tpu.yield
      }) : () -> ()
    } else {
    }
    return
  }
}

#map = affine_map<(d0, d1) -> (0, 0)>
#map1 = affine_map<(d0, d1) -> (0, 0, 0)>
module attributes {stable_mosaic.version = 14 : i64} {
  func.func @body(%arg0: i32, %arg1: i32, %arg2: memref<10000x128xf32, #tpu.memory_space<hbm>>, %arg3: memref<32x80x125xi32, #tpu.memory_space<hbm>>, %arg4: memref<32x80x125xi32, #tpu.memory_space<hbm>>, %arg5: memref<632x128xf32, #tpu.memory_space<hbm>>, %arg6: memref<2x10000x128xf32, #tpu.memory_space<hbm>>, %arg7: memref<80x125xi32, #tpu.memory_space<vmem>>, %arg8: memref<80x125xi32, #tpu.memory_space<vmem>>, %arg9: memref<125x128xf32, #tpu.memory_space<vmem>>, %arg10: memref<10112x128xf32, #tpu.memory_space<vmem_shared>>, %arg11: memref<!tpu.dma_semaphore, #tpu.memory_space<semaphore_mem>>) attributes {dimension_semantics = [#tpu.dimension_semantics<core_parallel>, #tpu.dimension_semantics<subcore_parallel>], iteration_bounds = array<i64: 2, 16>, scalar_prefetch = 0 : i64, scratch_operands = 5 : i64, tpu.core_type = #tpu.core_type<sc_vector_subcore>, window_params = [{transform_indices = #map}, {transform_indices = #map1}, {transform_indices = #map1}, {transform_indices = #map}, {transform_indices = #map1}]} {
    %mul3A = arith.constant 16 : i32
    %mul3A_0 = arith.muli %arg0, %mul3A : i32
    %add3A = arith.addi %mul3A_0, %arg1 : i32
    %mul3A_1 = arith.constant 632 : i32
    %mul3A_2 = arith.muli %arg1, %mul3A_1 : i32
    "tpu.region"() ({
      %run_scoped3A = tpu.sem_alloc : memref<!tpu.dma_semaphore, #tpu.memory_space<semaphore_mem>>
      %dma_start3A = arith.constant 0 : i32
      %dma_start3A_14 = tpu.memref_slice %arg10[%mul3A_2, %dma_start3A] : memref<10112x128xf32, #tpu.memory_space<vmem_shared>> -> memref<632x128xf32, #tpu.memory_space<vmem_shared>>
      tpu.enqueue_dma source(%arg5 : memref<632x128xf32, #tpu.memory_space<hbm>>) target(%dma_start3A_14 : memref<632x128xf32, #tpu.memory_space<vmem_shared>>) target_semaphore(%run_scoped3A : memref<!tpu.dma_semaphore, #tpu.memory_space<semaphore_mem>>)
      %dma_wait3A = arith.constant 0 : i32
      %dma_wait3A_15 = tpu.memref_slice %arg10[%mul3A_2, %dma_wait3A] : memref<10112x128xf32, #tpu.memory_space<vmem_shared>> -> memref<632x128xf32, #tpu.memory_space<vmem_shared>>
      tpu.wait_dma2 semaphore(%run_scoped3A : memref<!tpu.dma_semaphore, #tpu.memory_space<semaphore_mem>>) src(%arg5 : memref<632x128xf32, #tpu.memory_space<hbm>>) dst(%dma_wait3A_15 : memref<632x128xf32, #tpu.memory_space<vmem_shared>>)
      tpu.yield
    }) : () -> ()
    "tpu.region"() ({
      %run_scoped3A = tpu.sem_alloc : memref<!tpu.dma_semaphore, #tpu.memory_space<semaphore_mem>>
      %dma_start3A = arith.constant 0 : i32
      %dma_start3A_14 = arith.constant 0 : i32
      %dma_start3A_15 = tpu.memref_slice %arg3[%add3A, %dma_start3A, %dma_start3A_14] : memref<32x80x125xi32, #tpu.memory_space<hbm>> -> memref<1x80x125xi32, #tpu.memory_space<hbm>>
      %dma_start3A_16 = tpu.memref_squeeze %dma_start3A_15 : memref<1x80x125xi32, #tpu.memory_space<hbm>> -> memref<80x125xi32, #tpu.memory_space<hbm>>
      %dma_start3A_17 = arith.constant 0 : i32
      %dma_start3A_18 = arith.constant 0 : i32
      %dma_start3A_19 = tpu.memref_slice %arg3[%add3A, %dma_start3A_17, %dma_start3A_18] : memref<32x80x125xi32, #tpu.memory_space<hbm>> -> memref<1x80x125xi32, #tpu.memory_space<hbm>>
      %dma_start3A_20 = tpu.memref_squeeze %dma_start3A_19 : memref<1x80x125xi32, #tpu.memory_space<hbm>> -> memref<80x125xi32, #tpu.memory_space<hbm>>
      tpu.enqueue_dma source(%dma_start3A_20 : memref<80x125xi32, #tpu.memory_space<hbm>>) target(%arg7 : memref<80x125xi32, #tpu.memory_space<vmem>>) target_semaphore(%run_scoped3A : memref<!tpu.dma_semaphore, #tpu.memory_space<semaphore_mem>>)
      %dma_wait3A = arith.constant 0 : i32
      %dma_wait3A_21 = arith.constant 0 : i32
      %dma_wait3A_22 = tpu.memref_slice %arg3[%add3A, %dma_wait3A, %dma_wait3A_21] : memref<32x80x125xi32, #tpu.memory_space<hbm>> -> memref<1x80x125xi32, #tpu.memory_space<hbm>>
      %dma_wait3A_23 = tpu.memref_squeeze %dma_wait3A_22 : memref<1x80x125xi32, #tpu.memory_space<hbm>> -> memref<80x125xi32, #tpu.memory_space<hbm>>
      %dma_wait3A_24 = arith.constant 0 : i32
      %dma_wait3A_25 = arith.constant 0 : i32
      %dma_wait3A_26 = tpu.memref_slice %arg3[%add3A, %dma_wait3A_24, %dma_wait3A_25] : memref<32x80x125xi32, #tpu.memory_space<hbm>> -> memref<1x80x125xi32, #tpu.memory_space<hbm>>
      %dma_wait3A_27 = tpu.memref_squeeze %dma_wait3A_26 : memref<1x80x125xi32, #tpu.memory_space<hbm>> -> memref<80x125xi32, #tpu.memory_space<hbm>>
      tpu.wait_dma2 semaphore(%run_scoped3A : memref<!tpu.dma_semaphore, #tpu.memory_space<semaphore_mem>>) src(%dma_wait3A_27 : memref<80x125xi32, #tpu.memory_space<hbm>>) dst(%arg7 : memref<80x125xi32, #tpu.memory_space<vmem>>)
      tpu.yield
    }) : () -> ()
    "tpu.region"() ({
      %run_scoped3A = tpu.sem_alloc : memref<!tpu.dma_semaphore, #tpu.memory_space<semaphore_mem>>
      %dma_start3A = arith.constant 0 : i32
      %dma_start3A_14 = arith.constant 0 : i32
      %dma_start3A_15 = tpu.memref_slice %arg4[%add3A, %dma_start3A, %dma_start3A_14] : memref<32x80x125xi32, #tpu.memory_space<hbm>> -> memref<1x80x125xi32, #tpu.memory_space<hbm>>
      %dma_start3A_16 = tpu.memref_squeeze %dma_start3A_15 : memref<1x80x125xi32, #tpu.memory_space<hbm>> -> memref<80x125xi32, #tpu.memory_space<hbm>>
      %dma_start3A_17 = arith.constant 0 : i32
      %dma_start3A_18 = arith.constant 0 : i32
      %dma_start3A_19 = tpu.memref_slice %arg4[%add3A, %dma_start3A_17, %dma_start3A_18] : memref<32x80x125xi32, #tpu.memory_space<hbm>> -> memref<1x80x125xi32, #tpu.memory_space<hbm>>
      %dma_start3A_20 = tpu.memref_squeeze %dma_start3A_19 : memref<1x80x125xi32, #tpu.memory_space<hbm>> -> memref<80x125xi32, #tpu.memory_space<hbm>>
      tpu.enqueue_dma source(%dma_start3A_20 : memref<80x125xi32, #tpu.memory_space<hbm>>) target(%arg8 : memref<80x125xi32, #tpu.memory_space<vmem>>) target_semaphore(%run_scoped3A : memref<!tpu.dma_semaphore, #tpu.memory_space<semaphore_mem>>)
      %dma_wait3A = arith.constant 0 : i32
      %dma_wait3A_21 = arith.constant 0 : i32
      %dma_wait3A_22 = tpu.memref_slice %arg4[%add3A, %dma_wait3A, %dma_wait3A_21] : memref<32x80x125xi32, #tpu.memory_space<hbm>> -> memref<1x80x125xi32, #tpu.memory_space<hbm>>
      %dma_wait3A_23 = tpu.memref_squeeze %dma_wait3A_22 : memref<1x80x125xi32, #tpu.memory_space<hbm>> -> memref<80x125xi32, #tpu.memory_space<hbm>>
      %dma_wait3A_24 = arith.constant 0 : i32
      %dma_wait3A_25 = arith.constant 0 : i32
      %dma_wait3A_26 = tpu.memref_slice %arg4[%add3A, %dma_wait3A_24, %dma_wait3A_25] : memref<32x80x125xi32, #tpu.memory_space<hbm>> -> memref<1x80x125xi32, #tpu.memory_space<hbm>>
      %dma_wait3A_27 = tpu.memref_squeeze %dma_wait3A_26 : memref<1x80x125xi32, #tpu.memory_space<hbm>> -> memref<80x125xi32, #tpu.memory_space<hbm>>
      tpu.wait_dma2 semaphore(%run_scoped3A : memref<!tpu.dma_semaphore, #tpu.memory_space<semaphore_mem>>) src(%dma_wait3A_27 : memref<80x125xi32, #tpu.memory_space<hbm>>) dst(%arg8 : memref<80x125xi32, #tpu.memory_space<vmem>>)
      tpu.yield
    }) : () -> ()
    %barrier3A = arith.constant 0 : index
    tpu.barrier barrier_id(%barrier3A)
    %scan3A = arith.constant 0 : i32
    %scan3A_3 = arith.constant 80 : i32
    %scan3A_4 = arith.addi %scan3A, %scan3A_3 : i32
    %scan3A_5 = arith.constant 4 : i32
    scf.for %scan3A_14 = %scan3A to %scan3A_4 step %scan3A_5  : i32 {
      %dma_start3A = arith.constant 0 : i32
      %dma_start3A_15 = tpu.memref_slice %arg7[%scan3A_14, %dma_start3A] : memref<80x125xi32, #tpu.memory_space<vmem>> -> memref<1x125xi32, #tpu.memory_space<vmem>>
      %dma_start3A_16 = tpu.memref_squeeze %dma_start3A_15 : memref<1x125xi32, #tpu.memory_space<vmem>> -> memref<125xi32, #tpu.memory_space<vmem>>
      %dma_start3A_17 = arith.constant 0 : i32
      %dma_start3A_18 = arith.constant 0 : i32
      %dma_start3A_19 = tpu.memref_slice %arg2[%dma_start3A_17, %dma_start3A_18] : memref<10000x128xf32, #tpu.memory_space<hbm>> -> memref<10000x128xf32, #tpu.memory_space<hbm>>
      tpu.enqueue_indirect_dma source(%dma_start3A_19 : memref<10000x128xf32, #tpu.memory_space<hbm>>) target(%arg9 : memref<125x128xf32, #tpu.memory_space<vmem>>) offsets(%dma_start3A_16 : memref<125xi32, #tpu.memory_space<vmem>>) semaphore(%arg11 : memref<!tpu.dma_semaphore, #tpu.memory_space<semaphore_mem>>)
      %dma_wait3A = arith.constant 0 : i32
      %dma_wait3A_20 = tpu.memref_slice %arg7[%scan3A_14, %dma_wait3A] : memref<80x125xi32, #tpu.memory_space<vmem>> -> memref<1x125xi32, #tpu.memory_space<vmem>>
      %dma_wait3A_21 = tpu.memref_squeeze %dma_wait3A_20 : memref<1x125xi32, #tpu.memory_space<vmem>> -> memref<125xi32, #tpu.memory_space<vmem>>
      %dma_wait3A_22 = arith.constant 0 : i32
      %dma_wait3A_23 = arith.constant 0 : i32
      %dma_wait3A_24 = tpu.memref_slice %arg2[%dma_wait3A_22, %dma_wait3A_23] : memref<10000x128xf32, #tpu.memory_space<hbm>> -> memref<10000x128xf32, #tpu.memory_space<hbm>>
      tpu.wait_indirect_dma semaphore(%arg11 : memref<!tpu.dma_semaphore, #tpu.memory_space<semaphore_mem>>) src(%dma_wait3A_24 : memref<10000x128xf32, #tpu.memory_space<hbm>>) dst(%arg9 : memref<125x128xf32, #tpu.memory_space<vmem>>)
      "tpu.region"() ({
        %run_scoped3A = tpu.sem_alloc : memref<!tpu.dma_semaphore, #tpu.memory_space<semaphore_mem>>
        %dma_start3A_67 = arith.constant 0 : i32
        %dma_start3A_68 = tpu.memref_slice %arg8[%scan3A_14, %dma_start3A_67] : memref<80x125xi32, #tpu.memory_space<vmem>> -> memref<1x125xi32, #tpu.memory_space<vmem>>
        %dma_start3A_69 = tpu.memref_squeeze %dma_start3A_68 : memref<1x125xi32, #tpu.memory_space<vmem>> -> memref<125xi32, #tpu.memory_space<vmem>>
        %dma_start3A_70 = arith.constant 0 : i32
        %dma_start3A_71 = arith.constant 0 : i32
        %dma_start3A_72 = tpu.memref_slice %arg10[%dma_start3A_70, %dma_start3A_71] : memref<10112x128xf32, #tpu.memory_space<vmem_shared>> -> memref<10112x128xf32, #tpu.memory_space<vmem_shared>>
        tpu.enqueue_indirect_dma source(%arg9 : memref<125x128xf32, #tpu.memory_space<vmem>>) target(%dma_start3A_72 : memref<10112x128xf32, #tpu.memory_space<vmem_shared>>) offsets(%dma_start3A_69 : memref<125xi32, #tpu.memory_space<vmem>>) semaphore(%run_scoped3A : memref<!tpu.dma_semaphore, #tpu.memory_space<semaphore_mem>>) {add = true}
        %dma_wait3A_73 = arith.constant 0 : i32
        %dma_wait3A_74 = tpu.memref_slice %arg8[%scan3A_14, %dma_wait3A_73] : memref<80x125xi32, #tpu.memory_space<vmem>> -> memref<1x125xi32, #tpu.memory_space<vmem>>
        %dma_wait3A_75 = tpu.memref_squeeze %dma_wait3A_74 : memref<1x125xi32, #tpu.memory_space<vmem>> -> memref<125xi32, #tpu.memory_space<vmem>>
        %dma_wait3A_76 = arith.constant 0 : i32
        %dma_wait3A_77 = arith.constant 0 : i32
        %dma_wait3A_78 = tpu.memref_slice %arg10[%dma_wait3A_76, %dma_wait3A_77] : memref<10112x128xf32, #tpu.memory_space<vmem_shared>> -> memref<10112x128xf32, #tpu.memory_space<vmem_shared>>
        tpu.wait_indirect_dma semaphore(%run_scoped3A : memref<!tpu.dma_semaphore, #tpu.memory_space<semaphore_mem>>) src(%arg9 : memref<125x128xf32, #tpu.memory_space<vmem>>) dst(%dma_wait3A_78 : memref<10112x128xf32, #tpu.memory_space<vmem_shared>>)
        tpu.yield
      }) : () -> ()
      %scan3A_25 = arith.constant 1 : i32
      %scan3A_26 = arith.addi %scan3A_14, %scan3A_25 : i32
      %dma_start3A_27 = arith.constant 0 : i32
      %dma_start3A_28 = tpu.memref_slice %arg7[%scan3A_26, %dma_start3A_27] : memref<80x125xi32, #tpu.memory_space<vmem>> -> memref<1x125xi32, #tpu.memory_space<vmem>>
      %dma_start3A_29 = tpu.memref_squeeze %dma_start3A_28 : memref<1x125xi32, #tpu.memory_space<vmem>> -> memref<125xi32, #tpu.memory_space<vmem>>
      %dma_start3A_30 = arith.constant 0 : i32
      %dma_start3A_31 = arith.constant 0 : i32
      %dma_start3A_32 = tpu.memref_slice %arg2[%dma_start3A_30, %dma_start3A_31] : memref<10000x128xf32, #tpu.memory_space<hbm>> -> memref<10000x128xf32, #tpu.memory_space<hbm>>
      tpu.enqueue_indirect_dma source(%dma_start3A_32 : memref<10000x128xf32, #tpu.memory_space<hbm>>) target(%arg9 : memref<125x128xf32, #tpu.memory_space<vmem>>) offsets(%dma_start3A_29 : memref<125xi32, #tpu.memory_space<vmem>>) semaphore(%arg11 : memref<!tpu.dma_semaphore, #tpu.memory_space<semaphore_mem>>)
      %dma_wait3A_33 = arith.constant 0 : i32
      %dma_wait3A_34 = tpu.memref_slice %arg7[%scan3A_26, %dma_wait3A_33] : memref<80x125xi32, #tpu.memory_space<vmem>> -> memref<1x125xi32, #tpu.memory_space<vmem>>
      %dma_wait3A_35 = tpu.memref_squeeze %dma_wait3A_34 : memref<1x125xi32, #tpu.memory_space<vmem>> -> memref<125xi32, #tpu.memory_space<vmem>>
      %dma_wait3A_36 = arith.constant 0 : i32
      %dma_wait3A_37 = arith.constant 0 : i32
      %dma_wait3A_38 = tpu.memref_slice %arg2[%dma_wait3A_36, %dma_wait3A_37] : memref<10000x128xf32, #tpu.memory_space<hbm>> -> memref<10000x128xf32, #tpu.memory_space<hbm>>
      tpu.wait_indirect_dma semaphore(%arg11 : memref<!tpu.dma_semaphore, #tpu.memory_space<semaphore_mem>>) src(%dma_wait3A_38 : memref<10000x128xf32, #tpu.memory_space<hbm>>) dst(%arg9 : memref<125x128xf32, #tpu.memory_space<vmem>>)
      "tpu.region"() ({
        %run_scoped3A = tpu.sem_alloc : memref<!tpu.dma_semaphore, #tpu.memory_space<semaphore_mem>>
        %dma_start3A_67 = arith.constant 0 : i32
        %dma_start3A_68 = tpu.memref_slice %arg8[%scan3A_26, %dma_start3A_67] : memref<80x125xi32, #tpu.memory_space<vmem>> -> memref<1x125xi32, #tpu.memory_space<vmem>>
        %dma_start3A_69 = tpu.memref_squeeze %dma_start3A_68 : memref<1x125xi32, #tpu.memory_space<vmem>> -> memref<125xi32, #tpu.memory_space<vmem>>
        %dma_start3A_70 = arith.constant 0 : i32
        %dma_start3A_71 = arith.constant 0 : i32
        %dma_start3A_72 = tpu.memref_slice %arg10[%dma_start3A_70, %dma_start3A_71] : memref<10112x128xf32, #tpu.memory_space<vmem_shared>> -> memref<10112x128xf32, #tpu.memory_space<vmem_shared>>
        tpu.enqueue_indirect_dma source(%arg9 : memref<125x128xf32, #tpu.memory_space<vmem>>) target(%dma_start3A_72 : memref<10112x128xf32, #tpu.memory_space<vmem_shared>>) offsets(%dma_start3A_69 : memref<125xi32, #tpu.memory_space<vmem>>) semaphore(%run_scoped3A : memref<!tpu.dma_semaphore, #tpu.memory_space<semaphore_mem>>) {add = true}
        %dma_wait3A_73 = arith.constant 0 : i32
        %dma_wait3A_74 = tpu.memref_slice %arg8[%scan3A_26, %dma_wait3A_73] : memref<80x125xi32, #tpu.memory_space<vmem>> -> memref<1x125xi32, #tpu.memory_space<vmem>>
        %dma_wait3A_75 = tpu.memref_squeeze %dma_wait3A_74 : memref<1x125xi32, #tpu.memory_space<vmem>> -> memref<125xi32, #tpu.memory_space<vmem>>
        %dma_wait3A_76 = arith.constant 0 : i32
        %dma_wait3A_77 = arith.constant 0 : i32
        %dma_wait3A_78 = tpu.memref_slice %arg10[%dma_wait3A_76, %dma_wait3A_77] : memref<10112x128xf32, #tpu.memory_space<vmem_shared>> -> memref<10112x128xf32, #tpu.memory_space<vmem_shared>>
        tpu.wait_indirect_dma semaphore(%run_scoped3A : memref<!tpu.dma_semaphore, #tpu.memory_space<semaphore_mem>>) src(%arg9 : memref<125x128xf32, #tpu.memory_space<vmem>>) dst(%dma_wait3A_78 : memref<10112x128xf32, #tpu.memory_space<vmem_shared>>)
        tpu.yield
      }) : () -> ()
      %scan3A_39 = arith.constant 2 : i32
      %scan3A_40 = arith.addi %scan3A_14, %scan3A_39 : i32
      %dma_start3A_41 = arith.constant 0 : i32
      %dma_start3A_42 = tpu.memref_slice %arg7[%scan3A_40, %dma_start3A_41] : memref<80x125xi32, #tpu.memory_space<vmem>> -> memref<1x125xi32, #tpu.memory_space<vmem>>
      %dma_start3A_43 = tpu.memref_squeeze %dma_start3A_42 : memref<1x125xi32, #tpu.memory_space<vmem>> -> memref<125xi32, #tpu.memory_space<vmem>>
      %dma_start3A_44 = arith.constant 0 : i32
      %dma_start3A_45 = arith.constant 0 : i32
      %dma_start3A_46 = tpu.memref_slice %arg2[%dma_start3A_44, %dma_start3A_45] : memref<10000x128xf32, #tpu.memory_space<hbm>> -> memref<10000x128xf32, #tpu.memory_space<hbm>>
      tpu.enqueue_indirect_dma source(%dma_start3A_46 : memref<10000x128xf32, #tpu.memory_space<hbm>>) target(%arg9 : memref<125x128xf32, #tpu.memory_space<vmem>>) offsets(%dma_start3A_43 : memref<125xi32, #tpu.memory_space<vmem>>) semaphore(%arg11 : memref<!tpu.dma_semaphore, #tpu.memory_space<semaphore_mem>>)
      %dma_wait3A_47 = arith.constant 0 : i32
      %dma_wait3A_48 = tpu.memref_slice %arg7[%scan3A_40, %dma_wait3A_47] : memref<80x125xi32, #tpu.memory_space<vmem>> -> memref<1x125xi32, #tpu.memory_space<vmem>>
      %dma_wait3A_49 = tpu.memref_squeeze %dma_wait3A_48 : memref<1x125xi32, #tpu.memory_space<vmem>> -> memref<125xi32, #tpu.memory_space<vmem>>
      %dma_wait3A_50 = arith.constant 0 : i32
      %dma_wait3A_51 = arith.constant 0 : i32
      %dma_wait3A_52 = tpu.memref_slice %arg2[%dma_wait3A_50, %dma_wait3A_51] : memref<10000x128xf32, #tpu.memory_space<hbm>> -> memref<10000x128xf32, #tpu.memory_space<hbm>>
      tpu.wait_indirect_dma semaphore(%arg11 : memref<!tpu.dma_semaphore, #tpu.memory_space<semaphore_mem>>) src(%dma_wait3A_52 : memref<10000x128xf32, #tpu.memory_space<hbm>>) dst(%arg9 : memref<125x128xf32, #tpu.memory_space<vmem>>)
      "tpu.region"() ({
        %run_scoped3A = tpu.sem_alloc : memref<!tpu.dma_semaphore, #tpu.memory_space<semaphore_mem>>
        %dma_start3A_67 = arith.constant 0 : i32
        %dma_start3A_68 = tpu.memref_slice %arg8[%scan3A_40, %dma_start3A_67] : memref<80x125xi32, #tpu.memory_space<vmem>> -> memref<1x125xi32, #tpu.memory_space<vmem>>
        %dma_start3A_69 = tpu.memref_squeeze %dma_start3A_68 : memref<1x125xi32, #tpu.memory_space<vmem>> -> memref<125xi32, #tpu.memory_space<vmem>>
        %dma_start3A_70 = arith.constant 0 : i32
        %dma_start3A_71 = arith.constant 0 : i32
        %dma_start3A_72 = tpu.memref_slice %arg10[%dma_start3A_70, %dma_start3A_71] : memref<10112x128xf32, #tpu.memory_space<vmem_shared>> -> memref<10112x128xf32, #tpu.memory_space<vmem_shared>>
        tpu.enqueue_indirect_dma source(%arg9 : memref<125x128xf32, #tpu.memory_space<vmem>>) target(%dma_start3A_72 : memref<10112x128xf32, #tpu.memory_space<vmem_shared>>) offsets(%dma_start3A_69 : memref<125xi32, #tpu.memory_space<vmem>>) semaphore(%run_scoped3A : memref<!tpu.dma_semaphore, #tpu.memory_space<semaphore_mem>>) {add = true}
        %dma_wait3A_73 = arith.constant 0 : i32
        %dma_wait3A_74 = tpu.memref_slice %arg8[%scan3A_40, %dma_wait3A_73] : memref<80x125xi32, #tpu.memory_space<vmem>> -> memref<1x125xi32, #tpu.memory_space<vmem>>
        %dma_wait3A_75 = tpu.memref_squeeze %dma_wait3A_74 : memref<1x125xi32, #tpu.memory_space<vmem>> -> memref<125xi32, #tpu.memory_space<vmem>>
        %dma_wait3A_76 = arith.constant 0 : i32
        %dma_wait3A_77 = arith.constant 0 : i32
        %dma_wait3A_78 = tpu.memref_slice %arg10[%dma_wait3A_76, %dma_wait3A_77] : memref<10112x128xf32, #tpu.memory_space<vmem_shared>> -> memref<10112x128xf32, #tpu.memory_space<vmem_shared>>
        tpu.wait_indirect_dma semaphore(%run_scoped3A : memref<!tpu.dma_semaphore, #tpu.memory_space<semaphore_mem>>) src(%arg9 : memref<125x128xf32, #tpu.memory_space<vmem>>) dst(%dma_wait3A_78 : memref<10112x128xf32, #tpu.memory_space<vmem_shared>>)
        tpu.yield
      }) : () -> ()
      %scan3A_53 = arith.constant 3 : i32
      %scan3A_54 = arith.addi %scan3A_14, %scan3A_53 : i32
      %dma_start3A_55 = arith.constant 0 : i32
      %dma_start3A_56 = tpu.memref_slice %arg7[%scan3A_54, %dma_start3A_55] : memref<80x125xi32, #tpu.memory_space<vmem>> -> memref<1x125xi32, #tpu.memory_space<vmem>>
      %dma_start3A_57 = tpu.memref_squeeze %dma_start3A_56 : memref<1x125xi32, #tpu.memory_space<vmem>> -> memref<125xi32, #tpu.memory_space<vmem>>
      %dma_start3A_58 = arith.constant 0 : i32
      %dma_start3A_59 = arith.constant 0 : i32
      %dma_start3A_60 = tpu.memref_slice %arg2[%dma_start3A_58, %dma_start3A_59] : memref<10000x128xf32, #tpu.memory_space<hbm>> -> memref<10000x128xf32, #tpu.memory_space<hbm>>
      tpu.enqueue_indirect_dma source(%dma_start3A_60 : memref<10000x128xf32, #tpu.memory_space<hbm>>) target(%arg9 : memref<125x128xf32, #tpu.memory_space<vmem>>) offsets(%dma_start3A_57 : memref<125xi32, #tpu.memory_space<vmem>>) semaphore(%arg11 : memref<!tpu.dma_semaphore, #tpu.memory_space<semaphore_mem>>)
      %dma_wait3A_61 = arith.constant 0 : i32
      %dma_wait3A_62 = tpu.memref_slice %arg7[%scan3A_54, %dma_wait3A_61] : memref<80x125xi32, #tpu.memory_space<vmem>> -> memref<1x125xi32, #tpu.memory_space<vmem>>
      %dma_wait3A_63 = tpu.memref_squeeze %dma_wait3A_62 : memref<1x125xi32, #tpu.memory_space<vmem>> -> memref<125xi32, #tpu.memory_space<vmem>>
      %dma_wait3A_64 = arith.constant 0 : i32
      %dma_wait3A_65 = arith.constant 0 : i32
      %dma_wait3A_66 = tpu.memref_slice %arg2[%dma_wait3A_64, %dma_wait3A_65] : memref<10000x128xf32, #tpu.memory_space<hbm>> -> memref<10000x128xf32, #tpu.memory_space<hbm>>
      tpu.wait_indirect_dma semaphore(%arg11 : memref<!tpu.dma_semaphore, #tpu.memory_space<semaphore_mem>>) src(%dma_wait3A_66 : memref<10000x128xf32, #tpu.memory_space<hbm>>) dst(%arg9 : memref<125x128xf32, #tpu.memory_space<vmem>>)
      "tpu.region"() ({
        %run_scoped3A = tpu.sem_alloc : memref<!tpu.dma_semaphore, #tpu.memory_space<semaphore_mem>>
        %dma_start3A_67 = arith.constant 0 : i32
        %dma_start3A_68 = tpu.memref_slice %arg8[%scan3A_54, %dma_start3A_67] : memref<80x125xi32, #tpu.memory_space<vmem>> -> memref<1x125xi32, #tpu.memory_space<vmem>>
        %dma_start3A_69 = tpu.memref_squeeze %dma_start3A_68 : memref<1x125xi32, #tpu.memory_space<vmem>> -> memref<125xi32, #tpu.memory_space<vmem>>
        %dma_start3A_70 = arith.constant 0 : i32
        %dma_start3A_71 = arith.constant 0 : i32
        %dma_start3A_72 = tpu.memref_slice %arg10[%dma_start3A_70, %dma_start3A_71] : memref<10112x128xf32, #tpu.memory_space<vmem_shared>> -> memref<10112x128xf32, #tpu.memory_space<vmem_shared>>
        tpu.enqueue_indirect_dma source(%arg9 : memref<125x128xf32, #tpu.memory_space<vmem>>) target(%dma_start3A_72 : memref<10112x128xf32, #tpu.memory_space<vmem_shared>>) offsets(%dma_start3A_69 : memref<125xi32, #tpu.memory_space<vmem>>) semaphore(%run_scoped3A : memref<!tpu.dma_semaphore, #tpu.memory_space<semaphore_mem>>) {add = true}
        %dma_wait3A_73 = arith.constant 0 : i32
        %dma_wait3A_74 = tpu.memref_slice %arg8[%scan3A_54, %dma_wait3A_73] : memref<80x125xi32, #tpu.memory_space<vmem>> -> memref<1x125xi32, #tpu.memory_space<vmem>>
        %dma_wait3A_75 = tpu.memref_squeeze %dma_wait3A_74 : memref<1x125xi32, #tpu.memory_space<vmem>> -> memref<125xi32, #tpu.memory_space<vmem>>
        %dma_wait3A_76 = arith.constant 0 : i32
        %dma_wait3A_77 = arith.constant 0 : i32
        %dma_wait3A_78 = tpu.memref_slice %arg10[%dma_wait3A_76, %dma_wait3A_77] : memref<10112x128xf32, #tpu.memory_space<vmem_shared>> -> memref<10112x128xf32, #tpu.memory_space<vmem_shared>>
        tpu.wait_indirect_dma semaphore(%run_scoped3A : memref<!tpu.dma_semaphore, #tpu.memory_space<semaphore_mem>>) src(%arg9 : memref<125x128xf32, #tpu.memory_space<vmem>>) dst(%dma_wait3A_78 : memref<10112x128xf32, #tpu.memory_space<vmem_shared>>)
        tpu.yield
      }) : () -> ()
    }
    %scan3A_6 = arith.constant 80 : i32
    %barrier3A_7 = arith.constant 0 : index
    tpu.barrier barrier_id(%barrier3A_7)
    %lt3A = arith.constant 15 : i32
    %lt3A_8 = arith.cmpi slt, %arg1, %lt3A : i32
    %convert_element_type3A = arith.extui %lt3A_8 : i1 to i32
    %cond3A = arith.constant 0 : i32
    %cond3A_9 = arith.cmpi ne, %convert_element_type3A, %cond3A : i32
    scf.if %cond3A_9 {
      %mul3A_14 = arith.constant 632 : i32
      %mul3A_15 = arith.muli %arg1, %mul3A_14 : i32
      %mul3A_16 = arith.constant 632 : i32
      %mul3A_17 = arith.muli %arg1, %mul3A_16 : i32
      "tpu.region"() ({
        %run_scoped3A = tpu.sem_alloc : memref<!tpu.dma_semaphore, #tpu.memory_space<semaphore_mem>>
        %dma_start3A = arith.constant 0 : i32
        %dma_start3A_18 = tpu.memref_slice %arg6[%arg0, %mul3A_17, %dma_start3A] : memref<2x10000x128xf32, #tpu.memory_space<hbm>> -> memref<1x632x128xf32, #tpu.memory_space<hbm>>
        %dma_start3A_19 = tpu.memref_squeeze %dma_start3A_18 : memref<1x632x128xf32, #tpu.memory_space<hbm>> -> memref<632x128xf32, #tpu.memory_space<hbm>>
        %dma_start3A_20 = arith.constant 0 : i32
        %dma_start3A_21 = tpu.memref_slice %arg10[%mul3A_15, %dma_start3A_20] : memref<10112x128xf32, #tpu.memory_space<vmem_shared>> -> memref<632x128xf32, #tpu.memory_space<vmem_shared>>
        tpu.enqueue_dma source(%dma_start3A_21 : memref<632x128xf32, #tpu.memory_space<vmem_shared>>) target(%dma_start3A_19 : memref<632x128xf32, #tpu.memory_space<hbm>>) target_semaphore(%run_scoped3A : memref<!tpu.dma_semaphore, #tpu.memory_space<semaphore_mem>>)
        %dma_wait3A = arith.constant 0 : i32
        %dma_wait3A_22 = tpu.memref_slice %arg6[%arg0, %mul3A_17, %dma_wait3A] : memref<2x10000x128xf32, #tpu.memory_space<hbm>> -> memref<1x632x128xf32, #tpu.memory_space<hbm>>
        %dma_wait3A_23 = tpu.memref_squeeze %dma_wait3A_22 : memref<1x632x128xf32, #tpu.memory_space<hbm>> -> memref<632x128xf32, #tpu.memory_space<hbm>>
        %dma_wait3A_24 = arith.constant 0 : i32
        %dma_wait3A_25 = tpu.memref_slice %arg10[%mul3A_15, %dma_wait3A_24] : memref<10112x128xf32, #tpu.memory_space<vmem_shared>> -> memref<632x128xf32, #tpu.memory_space<vmem_shared>>
        tpu.wait_dma2 semaphore(%run_scoped3A : memref<!tpu.dma_semaphore, #tpu.memory_space<semaphore_mem>>) src(%dma_wait3A_25 : memref<632x128xf32, #tpu.memory_space<vmem_shared>>) dst(%dma_wait3A_23 : memref<632x128xf32, #tpu.memory_space<hbm>>)
        tpu.yield
      }) : () -> ()
    } else {
    }
    %eq3A = arith.constant 15 : i32
    %eq3A_10 = arith.cmpi eq, %arg1, %eq3A : i32
    %convert_element_type3A_11 = arith.extui %eq3A_10 : i1 to i32
    %cond3A_12 = arith.constant 0 : i32
    %cond3A_13 = arith.cmpi ne, %convert_element_type3A_11, %cond3A_12 : i32
    scf.if %cond3A_13 {
      %mul3A_14 = arith.constant 632 : i32
      %mul3A_15 = arith.muli %arg1, %mul3A_14 : i32
      %mul3A_16 = arith.constant 632 : i32
      %mul3A_17 = arith.muli %arg1, %mul3A_16 : i32
      "tpu.region"() ({
        %run_scoped3A = tpu.sem_alloc : memref<!tpu.dma_semaphore, #tpu.memory_space<semaphore_mem>>
        %dma_start3A = arith.constant 0 : i32
        %dma_start3A_18 = tpu.memref_slice %arg6[%arg0, %mul3A_17, %dma_start3A] : memref<2x10000x128xf32, #tpu.memory_space<hbm>> -> memref<1x520x128xf32, #tpu.memory_space<hbm>>
        %dma_start3A_19 = tpu.memref_squeeze %dma_start3A_18 : memref<1x520x128xf32, #tpu.memory_space<hbm>> -> memref<520x128xf32, #tpu.memory_space<hbm>>
        %dma_start3A_20 = arith.constant 0 : i32
        %dma_start3A_21 = tpu.memref_slice %arg10[%mul3A_15, %dma_start3A_20] : memref<10112x128xf32, #tpu.memory_space<vmem_shared>> -> memref<520x128xf32, #tpu.memory_space<vmem_shared>>
        tpu.enqueue_dma source(%dma_start3A_21 : memref<520x128xf32, #tpu.memory_space<vmem_shared>>) target(%dma_start3A_19 : memref<520x128xf32, #tpu.memory_space<hbm>>) target_semaphore(%run_scoped3A : memref<!tpu.dma_semaphore, #tpu.memory_space<semaphore_mem>>)
        %dma_wait3A = arith.constant 0 : i32
        %dma_wait3A_22 = tpu.memref_slice %arg6[%arg0, %mul3A_17, %dma_wait3A] : memref<2x10000x128xf32, #tpu.memory_space<hbm>> -> memref<1x520x128xf32, #tpu.memory_space<hbm>>
        %dma_wait3A_23 = tpu.memref_squeeze %dma_wait3A_22 : memref<1x520x128xf32, #tpu.memory_space<hbm>> -> memref<520x128xf32, #tpu.memory_space<hbm>>
        %dma_wait3A_24 = arith.constant 0 : i32
        %dma_wait3A_25 = tpu.memref_slice %arg10[%mul3A_15, %dma_wait3A_24] : memref<10112x128xf32, #tpu.memory_space<vmem_shared>> -> memref<520x128xf32, #tpu.memory_space<vmem_shared>>
        tpu.wait_dma2 semaphore(%run_scoped3A : memref<!tpu.dma_semaphore, #tpu.memory_space<semaphore_mem>>) src(%dma_wait3A_25 : memref<520x128xf32, #tpu.memory_space<vmem_shared>>) dst(%dma_wait3A_23 : memref<520x128xf32, #tpu.memory_space<hbm>>)
        tpu.yield
      }) : () -> ()
    } else {
    }
    return
  }
}

module attributes {stable_mosaic.version = 14 : i64} {
  func.func @_enc_body(%arg0: i32, %arg1: memref<2000x9xi32, #tpu.memory_space<vmem>>, %arg2: memref<9x128x128xf32, #tpu.memory_space<vmem>>, %arg3: memref<2000x128xf32, #tpu.memory_space<vmem>>) attributes {dimension_semantics = [#tpu.dimension_semantics<arbitrary>], iteration_bounds = array<i64: 5>, scalar_prefetch = 0 : i64, scratch_operands = 0 : i64, tpu.core_type = #tpu.core_type<tc>, window_params = [{transform_indices = @transform_0, window_bounds = array<i64: 2000, 9>}, {pipeline_mode = #tpu.pipeline_mode<synchronous>, transform_indices = @transform_1, window_bounds = array<i64: 9, 128, 128>}, {transform_indices = @transform_2, window_bounds = array<i64: 2000, 128>}]} {
    %iota3A = tpu.iota {dimensions = array<i32: 1>} : vector<1x128xi32>
    %get3A = arith.constant 0 : index
    %get3A_0 = arith.constant 0 : index
    %get3A_1 = vector.load %arg1[%get3A, %get3A_0] : memref<2000x9xi32, #tpu.memory_space<vmem>>, vector<2000x1xi32>
    %eq3A = vector.broadcast %get3A_1 : vector<2000x1xi32> to vector<2000x128xi32>
    %eq3A_2 = vector.broadcast %iota3A : vector<1x128xi32> to vector<2000x128xi32>
    %eq3A_3 = arith.cmpi eq, %eq3A, %eq3A_2 : vector<2000x128xi32>
    %convert_element_type3A = arith.extui %eq3A_3 : vector<2000x128xi1> to vector<2000x128xi32>
    %convert_element_type3A_4 = arith.sitofp %convert_element_type3A : vector<2000x128xi32> to vector<2000x128xf32>
    %get3A_5 = arith.constant 0 : index
    %get3A_6 = arith.constant 0 : index
    %get3A_7 = arith.constant 0 : index
    %get3A_8 = vector.load %arg2[%get3A_5, %get3A_6, %get3A_7] : memref<9x128x128xf32, #tpu.memory_space<vmem>>, vector<1x128x128xf32>
    %get3A_9 = vector.shape_cast %get3A_8 : vector<1x128x128xf32> to vector<128x128xf32>
    %dot_general3A = arith.constant dense<0.000000e+00> : vector<2000x128xf32>
    %dot_general3A_10 = tpu.matmul %convert_element_type3A_4, %get3A_9, %dot_general3A {dimension_numbers = #tpu.dot_dimension_numbers<[1], [0], [0], [1], [0, 0, 1, 1], [], []>, precision = #tpu.contract_precision<fp32>, transpose_lhs_hint = false} : vector<2000x128xf32>, vector<128x128xf32>, vector<2000x128xf32> -> vector<2000x128xf32>
    %get3A_11 = arith.constant 0 : index
    %get3A_12 = arith.constant 1 : index
    %get3A_13 = vector.load %arg1[%get3A_11, %get3A_12] : memref<2000x9xi32, #tpu.memory_space<vmem>>, vector<2000x1xi32>
    %eq3A_14 = vector.broadcast %get3A_13 : vector<2000x1xi32> to vector<2000x128xi32>
    %eq3A_15 = vector.broadcast %iota3A : vector<1x128xi32> to vector<2000x128xi32>
    %eq3A_16 = arith.cmpi eq, %eq3A_14, %eq3A_15 : vector<2000x128xi32>
    %convert_element_type3A_17 = arith.extui %eq3A_16 : vector<2000x128xi1> to vector<2000x128xi32>
    %convert_element_type3A_18 = arith.sitofp %convert_element_type3A_17 : vector<2000x128xi32> to vector<2000x128xf32>
    %get3A_19 = arith.constant 1 : index
    %get3A_20 = arith.constant 0 : index
    %get3A_21 = arith.constant 0 : index
    %get3A_22 = vector.load %arg2[%get3A_19, %get3A_20, %get3A_21] : memref<9x128x128xf32, #tpu.memory_space<vmem>>, vector<1x128x128xf32>
    %get3A_23 = vector.shape_cast %get3A_22 : vector<1x128x128xf32> to vector<128x128xf32>
    %dot_general3A_24 = arith.constant dense<0.000000e+00> : vector<2000x128xf32>
    %dot_general3A_25 = tpu.matmul %convert_element_type3A_18, %get3A_23, %dot_general3A_24 {dimension_numbers = #tpu.dot_dimension_numbers<[1], [0], [0], [1], [0, 0, 1, 1], [], []>, precision = #tpu.contract_precision<fp32>, transpose_lhs_hint = false} : vector<2000x128xf32>, vector<128x128xf32>, vector<2000x128xf32> -> vector<2000x128xf32>
    %add3A = arith.addf %dot_general3A_10, %dot_general3A_25 : vector<2000x128xf32>
    %get3A_26 = arith.constant 0 : index
    %get3A_27 = arith.constant 2 : index
    %get3A_28 = vector.load %arg1[%get3A_26, %get3A_27] : memref<2000x9xi32, #tpu.memory_space<vmem>>, vector<2000x1xi32>
    %eq3A_29 = vector.broadcast %get3A_28 : vector<2000x1xi32> to vector<2000x128xi32>
    %eq3A_30 = vector.broadcast %iota3A : vector<1x128xi32> to vector<2000x128xi32>
    %eq3A_31 = arith.cmpi eq, %eq3A_29, %eq3A_30 : vector<2000x128xi32>
    %convert_element_type3A_32 = arith.extui %eq3A_31 : vector<2000x128xi1> to vector<2000x128xi32>
    %convert_element_type3A_33 = arith.sitofp %convert_element_type3A_32 : vector<2000x128xi32> to vector<2000x128xf32>
    %get3A_34 = arith.constant 2 : index
    %get3A_35 = arith.constant 0 : index
    %get3A_36 = arith.constant 0 : index
    %get3A_37 = vector.load %arg2[%get3A_34, %get3A_35, %get3A_36] : memref<9x128x128xf32, #tpu.memory_space<vmem>>, vector<1x128x128xf32>
    %get3A_38 = vector.shape_cast %get3A_37 : vector<1x128x128xf32> to vector<128x128xf32>
    %dot_general3A_39 = arith.constant dense<0.000000e+00> : vector<2000x128xf32>
    %dot_general3A_40 = tpu.matmul %convert_element_type3A_33, %get3A_38, %dot_general3A_39 {dimension_numbers = #tpu.dot_dimension_numbers<[1], [0], [0], [1], [0, 0, 1, 1], [], []>, precision = #tpu.contract_precision<fp32>, transpose_lhs_hint = false} : vector<2000x128xf32>, vector<128x128xf32>, vector<2000x128xf32> -> vector<2000x128xf32>
    %add3A_41 = arith.addf %add3A, %dot_general3A_40 : vector<2000x128xf32>
    %get3A_42 = arith.constant 0 : index
    %get3A_43 = arith.constant 3 : index
    %get3A_44 = vector.load %arg1[%get3A_42, %get3A_43] : memref<2000x9xi32, #tpu.memory_space<vmem>>, vector<2000x1xi32>
    %eq3A_45 = vector.broadcast %get3A_44 : vector<2000x1xi32> to vector<2000x128xi32>
    %eq3A_46 = vector.broadcast %iota3A : vector<1x128xi32> to vector<2000x128xi32>
    %eq3A_47 = arith.cmpi eq, %eq3A_45, %eq3A_46 : vector<2000x128xi32>
    %convert_element_type3A_48 = arith.extui %eq3A_47 : vector<2000x128xi1> to vector<2000x128xi32>
    %convert_element_type3A_49 = arith.sitofp %convert_element_type3A_48 : vector<2000x128xi32> to vector<2000x128xf32>
    %get3A_50 = arith.constant 3 : index
    %get3A_51 = arith.constant 0 : index
    %get3A_52 = arith.constant 0 : index
    %get3A_53 = vector.load %arg2[%get3A_50, %get3A_51, %get3A_52] : memref<9x128x128xf32, #tpu.memory_space<vmem>>, vector<1x128x128xf32>
    %get3A_54 = vector.shape_cast %get3A_53 : vector<1x128x128xf32> to vector<128x128xf32>
    %dot_general3A_55 = arith.constant dense<0.000000e+00> : vector<2000x128xf32>
    %dot_general3A_56 = tpu.matmul %convert_element_type3A_49, %get3A_54, %dot_general3A_55 {dimension_numbers = #tpu.dot_dimension_numbers<[1], [0], [0], [1], [0, 0, 1, 1], [], []>, precision = #tpu.contract_precision<fp32>, transpose_lhs_hint = false} : vector<2000x128xf32>, vector<128x128xf32>, vector<2000x128xf32> -> vector<2000x128xf32>
    %add3A_57 = arith.addf %add3A_41, %dot_general3A_56 : vector<2000x128xf32>
    %get3A_58 = arith.constant 0 : index
    %get3A_59 = arith.constant 4 : index
    %get3A_60 = vector.load %arg1[%get3A_58, %get3A_59] : memref<2000x9xi32, #tpu.memory_space<vmem>>, vector<2000x1xi32>
    %eq3A_61 = vector.broadcast %get3A_60 : vector<2000x1xi32> to vector<2000x128xi32>
    %eq3A_62 = vector.broadcast %iota3A : vector<1x128xi32> to vector<2000x128xi32>
    %eq3A_63 = arith.cmpi eq, %eq3A_61, %eq3A_62 : vector<2000x128xi32>
    %convert_element_type3A_64 = arith.extui %eq3A_63 : vector<2000x128xi1> to vector<2000x128xi32>
    %convert_element_type3A_65 = arith.sitofp %convert_element_type3A_64 : vector<2000x128xi32> to vector<2000x128xf32>
    %get3A_66 = arith.constant 4 : index
    %get3A_67 = arith.constant 0 : index
    %get3A_68 = arith.constant 0 : index
    %get3A_69 = vector.load %arg2[%get3A_66, %get3A_67, %get3A_68] : memref<9x128x128xf32, #tpu.memory_space<vmem>>, vector<1x128x128xf32>
    %get3A_70 = vector.shape_cast %get3A_69 : vector<1x128x128xf32> to vector<128x128xf32>
    %dot_general3A_71 = arith.constant dense<0.000000e+00> : vector<2000x128xf32>
    %dot_general3A_72 = tpu.matmul %convert_element_type3A_65, %get3A_70, %dot_general3A_71 {dimension_numbers = #tpu.dot_dimension_numbers<[1], [0], [0], [1], [0, 0, 1, 1], [], []>, precision = #tpu.contract_precision<fp32>, transpose_lhs_hint = false} : vector<2000x128xf32>, vector<128x128xf32>, vector<2000x128xf32> -> vector<2000x128xf32>
    %add3A_73 = arith.addf %add3A_57, %dot_general3A_72 : vector<2000x128xf32>
    %get3A_74 = arith.constant 0 : index
    %get3A_75 = arith.constant 5 : index
    %get3A_76 = vector.load %arg1[%get3A_74, %get3A_75] : memref<2000x9xi32, #tpu.memory_space<vmem>>, vector<2000x1xi32>
    %eq3A_77 = vector.broadcast %get3A_76 : vector<2000x1xi32> to vector<2000x128xi32>
    %eq3A_78 = vector.broadcast %iota3A : vector<1x128xi32> to vector<2000x128xi32>
    %eq3A_79 = arith.cmpi eq, %eq3A_77, %eq3A_78 : vector<2000x128xi32>
    %convert_element_type3A_80 = arith.extui %eq3A_79 : vector<2000x128xi1> to vector<2000x128xi32>
    %convert_element_type3A_81 = arith.sitofp %convert_element_type3A_80 : vector<2000x128xi32> to vector<2000x128xf32>
    %get3A_82 = arith.constant 5 : index
    %get3A_83 = arith.constant 0 : index
    %get3A_84 = arith.constant 0 : index
    %get3A_85 = vector.load %arg2[%get3A_82, %get3A_83, %get3A_84] : memref<9x128x128xf32, #tpu.memory_space<vmem>>, vector<1x128x128xf32>
    %get3A_86 = vector.shape_cast %get3A_85 : vector<1x128x128xf32> to vector<128x128xf32>
    %dot_general3A_87 = arith.constant dense<0.000000e+00> : vector<2000x128xf32>
    %dot_general3A_88 = tpu.matmul %convert_element_type3A_81, %get3A_86, %dot_general3A_87 {dimension_numbers = #tpu.dot_dimension_numbers<[1], [0], [0], [1], [0, 0, 1, 1], [], []>, precision = #tpu.contract_precision<fp32>, transpose_lhs_hint = false} : vector<2000x128xf32>, vector<128x128xf32>, vector<2000x128xf32> -> vector<2000x128xf32>
    %add3A_89 = arith.addf %add3A_73, %dot_general3A_88 : vector<2000x128xf32>
    %get3A_90 = arith.constant 0 : index
    %get3A_91 = arith.constant 6 : index
    %get3A_92 = vector.load %arg1[%get3A_90, %get3A_91] : memref<2000x9xi32, #tpu.memory_space<vmem>>, vector<2000x1xi32>
    %eq3A_93 = vector.broadcast %get3A_92 : vector<2000x1xi32> to vector<2000x128xi32>
    %eq3A_94 = vector.broadcast %iota3A : vector<1x128xi32> to vector<2000x128xi32>
    %eq3A_95 = arith.cmpi eq, %eq3A_93, %eq3A_94 : vector<2000x128xi32>
    %convert_element_type3A_96 = arith.extui %eq3A_95 : vector<2000x128xi1> to vector<2000x128xi32>
    %convert_element_type3A_97 = arith.sitofp %convert_element_type3A_96 : vector<2000x128xi32> to vector<2000x128xf32>
    %get3A_98 = arith.constant 6 : index
    %get3A_99 = arith.constant 0 : index
    %get3A_100 = arith.constant 0 : index
    %get3A_101 = vector.load %arg2[%get3A_98, %get3A_99, %get3A_100] : memref<9x128x128xf32, #tpu.memory_space<vmem>>, vector<1x128x128xf32>
    %get3A_102 = vector.shape_cast %get3A_101 : vector<1x128x128xf32> to vector<128x128xf32>
    %dot_general3A_103 = arith.constant dense<0.000000e+00> : vector<2000x128xf32>
    %dot_general3A_104 = tpu.matmul %convert_element_type3A_97, %get3A_102, %dot_general3A_103 {dimension_numbers = #tpu.dot_dimension_numbers<[1], [0], [0], [1], [0, 0, 1, 1], [], []>, precision = #tpu.contract_precision<fp32>, transpose_lhs_hint = false} : vector<2000x128xf32>, vector<128x128xf32>, vector<2000x128xf32> -> vector<2000x128xf32>
    %add3A_105 = arith.addf %add3A_89, %dot_general3A_104 : vector<2000x128xf32>
    %get3A_106 = arith.constant 0 : index
    %get3A_107 = arith.constant 7 : index
    %get3A_108 = vector.load %arg1[%get3A_106, %get3A_107] : memref<2000x9xi32, #tpu.memory_space<vmem>>, vector<2000x1xi32>
    %eq3A_109 = vector.broadcast %get3A_108 : vector<2000x1xi32> to vector<2000x128xi32>
    %eq3A_110 = vector.broadcast %iota3A : vector<1x128xi32> to vector<2000x128xi32>
    %eq3A_111 = arith.cmpi eq, %eq3A_109, %eq3A_110 : vector<2000x128xi32>
    %convert_element_type3A_112 = arith.extui %eq3A_111 : vector<2000x128xi1> to vector<2000x128xi32>
    %convert_element_type3A_113 = arith.sitofp %convert_element_type3A_112 : vector<2000x128xi32> to vector<2000x128xf32>
    %get3A_114 = arith.constant 7 : index
    %get3A_115 = arith.constant 0 : index
    %get3A_116 = arith.constant 0 : index
    %get3A_117 = vector.load %arg2[%get3A_114, %get3A_115, %get3A_116] : memref<9x128x128xf32, #tpu.memory_space<vmem>>, vector<1x128x128xf32>
    %get3A_118 = vector.shape_cast %get3A_117 : vector<1x128x128xf32> to vector<128x128xf32>
    %dot_general3A_119 = arith.constant dense<0.000000e+00> : vector<2000x128xf32>
    %dot_general3A_120 = tpu.matmul %convert_element_type3A_113, %get3A_118, %dot_general3A_119 {dimension_numbers = #tpu.dot_dimension_numbers<[1], [0], [0], [1], [0, 0, 1, 1], [], []>, precision = #tpu.contract_precision<fp32>, transpose_lhs_hint = false} : vector<2000x128xf32>, vector<128x128xf32>, vector<2000x128xf32> -> vector<2000x128xf32>
    %add3A_121 = arith.addf %add3A_105, %dot_general3A_120 : vector<2000x128xf32>
    %get3A_122 = arith.constant 0 : index
    %get3A_123 = arith.constant 8 : index
    %get3A_124 = vector.load %arg1[%get3A_122, %get3A_123] : memref<2000x9xi32, #tpu.memory_space<vmem>>, vector<2000x1xi32>
    %eq3A_125 = vector.broadcast %get3A_124 : vector<2000x1xi32> to vector<2000x128xi32>
    %eq3A_126 = vector.broadcast %iota3A : vector<1x128xi32> to vector<2000x128xi32>
    %eq3A_127 = arith.cmpi eq, %eq3A_125, %eq3A_126 : vector<2000x128xi32>
    %convert_element_type3A_128 = arith.extui %eq3A_127 : vector<2000x128xi1> to vector<2000x128xi32>
    %convert_element_type3A_129 = arith.sitofp %convert_element_type3A_128 : vector<2000x128xi32> to vector<2000x128xf32>
    %get3A_130 = arith.constant 8 : index
    %get3A_131 = arith.constant 0 : index
    %get3A_132 = arith.constant 0 : index
    %get3A_133 = vector.load %arg2[%get3A_130, %get3A_131, %get3A_132] : memref<9x128x128xf32, #tpu.memory_space<vmem>>, vector<1x128x128xf32>
    %get3A_134 = vector.shape_cast %get3A_133 : vector<1x128x128xf32> to vector<128x128xf32>
    %dot_general3A_135 = arith.constant dense<0.000000e+00> : vector<2000x128xf32>
    %dot_general3A_136 = tpu.matmul %convert_element_type3A_129, %get3A_134, %dot_general3A_135 {dimension_numbers = #tpu.dot_dimension_numbers<[1], [0], [0], [1], [0, 0, 1, 1], [], []>, precision = #tpu.contract_precision<fp32>, transpose_lhs_hint = false} : vector<2000x128xf32>, vector<128x128xf32>, vector<2000x128xf32> -> vector<2000x128xf32>
    %add3A_137 = arith.addf %add3A_121, %dot_general3A_136 : vector<2000x128xf32>
    %swap3A = arith.constant 0 : index
    %swap3A_138 = arith.constant 0 : index
    %swap3A_139 = vector.load %arg3[%swap3A, %swap3A_138] : memref<2000x128xf32, #tpu.memory_space<vmem>>, vector<2000x128xf32>
    tpu.vector_store %arg3[%swap3A, %swap3A_138], %add3A_137 {strides = array<i32>} : memref<2000x128xf32, #tpu.memory_space<vmem>>, vector<2000x128xf32>,
    return
  }
  func.func @transform_0(%arg0: i32) -> (i32, i32) {
    %c0_i32 = arith.constant 0 : i32
    %c0_i32_0 = arith.constant 0 : i32
    return %arg0, %c0_i32 : i32, i32
  }
  func.func @transform_1(%arg0: i32) -> (i32, i32, i32) {
    %c0_i32 = arith.constant 0 : i32
    %c0_i32_0 = arith.constant 0 : i32
    %c0_i32_1 = arith.constant 0 : i32
    %c0_i32_2 = arith.constant 0 : i32
    return %c0_i32, %c0_i32_0, %c0_i32_1 : i32, i32, i32
  }
  func.func @transform_2(%arg0: i32) -> (i32, i32) {
    %c0_i32 = arith.constant 0 : i32
    %c0_i32_0 = arith.constant 0 : i32
    return %arg0, %c0_i32 : i32, i32
  }
}

module attributes {stable_mosaic.version = 14 : i64} {
  func.func @_layer_body(%arg0: i32, %arg1: memref<2000x128xf32, #tpu.memory_space<vmem>>, %arg2: memref<2000x128xf32, #tpu.memory_space<vmem>>, %arg3: memref<2000x128xf32, #tpu.memory_space<vmem>>, %arg4: memref<128x128xf32, #tpu.memory_space<vmem>>, %arg5: memref<1x128xf32, #tpu.memory_space<vmem>>, %arg6: memref<1x128xf32, #tpu.memory_space<vmem>>, %arg7: memref<1x128xf32, #tpu.memory_space<vmem>>, %arg8: memref<2000x128xf32, #tpu.memory_space<vmem>>, %arg9: memref<10000x128xf32, #tpu.memory_space<vmem>>, %arg10: memref<8x128xf32, #tpu.memory_space<vmem>>) attributes {dimension_semantics = [#tpu.dimension_semantics<arbitrary>], iteration_bounds = array<i64: 10>, scalar_prefetch = 0 : i64, scratch_operands = 2 : i64, tpu.core_type = #tpu.core_type<tc>, window_params = [{transform_indices = @transform_0, window_bounds = array<i64: 2000, 128>}, {transform_indices = @transform_1, window_bounds = array<i64: 2000, 128>}, {transform_indices = @transform_2, window_bounds = array<i64: 2000, 128>}, {pipeline_mode = #tpu.pipeline_mode<synchronous>, transform_indices = @transform_3, window_bounds = array<i64: 128, 128>}, {pipeline_mode = #tpu.pipeline_mode<synchronous>, transform_indices = @transform_4, window_bounds = array<i64: 1, 128>}, {pipeline_mode = #tpu.pipeline_mode<synchronous>, transform_indices = @transform_5, window_bounds = array<i64: 1, 128>}, {pipeline_mode = #tpu.pipeline_mode<synchronous>, transform_indices = @transform_6, window_bounds = array<i64: 1, 128>}, {transform_indices = @transform_7, window_bounds = array<i64: 2000, 128>}]} {
    %lt3A = arith.constant 5 : i32
    %lt3A_0 = arith.cmpi slt, %arg0, %lt3A : i32
    %convert_element_type3A = arith.extui %lt3A_0 : i1 to i32
    %cond3A = arith.constant 0 : i32
    %cond3A_1 = arith.cmpi ne, %convert_element_type3A, %cond3A : i32
    scf.if %cond3A_1 {
      %get3A = arith.constant 0 : index
      %get3A_6 = arith.constant 0 : index
      %get3A_7 = vector.load %arg1[%get3A, %get3A_6] : memref<2000x128xf32, #tpu.memory_space<vmem>>, vector<2000x128xf32>
      %mul3A = arith.constant 1.500000e+00 : f32
      %mul3A_8 = vector.broadcast %mul3A : f32 to vector<2000x128xf32>
      %mul3A_9 = arith.mulf %mul3A_8, %get3A_7 : vector<2000x128xf32>
      %get3A_10 = arith.constant 0 : index
      %get3A_11 = arith.constant 0 : index
      %get3A_12 = vector.load %arg2[%get3A_10, %get3A_11] : memref<2000x128xf32, #tpu.memory_space<vmem>>, vector<2000x128xf32>
      %add3A = arith.addf %mul3A_9, %get3A_12 : vector<2000x128xf32>
      %get3A_13 = arith.constant 0 : index
      %get3A_14 = arith.constant 0 : index
      %get3A_15 = vector.load %arg3[%get3A_13, %get3A_14] : memref<2000x128xf32, #tpu.memory_space<vmem>>, vector<2000x128xf32>
      %add3A_16 = arith.addf %add3A, %get3A_15 : vector<2000x128xf32>
      %get3A_17 = arith.constant 0 : index
      %get3A_18 = arith.constant 0 : index
      %get3A_19 = vector.load %arg4[%get3A_17, %get3A_18] : memref<128x128xf32, #tpu.memory_space<vmem>>, vector<128x128xf32>
      %dot_general3A = arith.constant dense<0.000000e+00> : vector<2000x128xf32>
      %dot_general3A_20 = tpu.matmul %add3A_16, %get3A_19, %dot_general3A {dimension_numbers = #tpu.dot_dimension_numbers<[1], [0], [0], [1], [0, 0, 1, 1], [], []>, transpose_lhs_hint = false} : vector<2000x128xf32>, vector<128x128xf32>, vector<2000x128xf32> -> vector<2000x128xf32>
      %get3A_21 = arith.constant 0 : index
      %get3A_22 = arith.constant 0 : index
      %get3A_23 = vector.load %arg5[%get3A_21, %get3A_22] : memref<1x128xf32, #tpu.memory_space<vmem>>, vector<1x128xf32>
      %add3A_24 = vector.broadcast %get3A_23 : vector<1x128xf32> to vector<2000x128xf32>
      %add3A_25 = arith.addf %dot_general3A_20, %add3A_24 : vector<2000x128xf32>
      %mul3A_26 = arith.constant 2000 : i32
      %mul3A_27 = arith.muli %arg0, %mul3A_26 : i32
      %swap3A = arith.index_cast %mul3A_27 : i32 to index
      %swap3A_28 = arith.constant 0 : index
      %swap3A_29 = vector.load %arg9[%swap3A, %swap3A_28] : memref<10000x128xf32, #tpu.memory_space<vmem>>, vector<2000x128xf32>
      tpu.vector_store %arg9[%swap3A, %swap3A_28], %add3A_25 {strides = array<i32>} : memref<10000x128xf32, #tpu.memory_space<vmem>>, vector<2000x128xf32>,
      %reduce_sum3A = arith.constant dense<0.000000e+00> : vector<128xf32>
      %reduce_sum3A_30 = vector.multi_reduction <add>, %add3A_25, %reduce_sum3A [0] : vector<2000x128xf32> to vector<128xf32>
      %broadcast_in_dim3A = vector.shape_cast %reduce_sum3A_30 : vector<128xf32> to vector<1x128xf32>
      %mul3A_31 = arith.mulf %add3A_25, %add3A_25 : vector<2000x128xf32>
      %reduce_sum3A_32 = arith.constant dense<0.000000e+00> : vector<128xf32>
      %reduce_sum3A_33 = vector.multi_reduction <add>, %mul3A_31, %reduce_sum3A_32 [0] : vector<2000x128xf32> to vector<128xf32>
      %broadcast_in_dim3A_34 = vector.shape_cast %reduce_sum3A_33 : vector<128xf32> to vector<1x128xf32>
      %broadcast_in_dim3A_35 = arith.constant 0.000000e+00 : f32
      %broadcast_in_dim3A_36 = vector.broadcast %broadcast_in_dim3A_35 : f32 to vector<6x128xf32>
      %concatenate3A = tpu.concatenate %broadcast_in_dim3A, %broadcast_in_dim3A_34, %broadcast_in_dim3A_36 in 0 : vector<1x128xf32>, vector<1x128xf32>, vector<6x128xf32> -> vector<8x128xf32>
      %eq3A = arith.constant 0 : i32
      %eq3A_37 = arith.cmpi eq, %arg0, %eq3A : i32
      %convert_element_type3A_38 = arith.extui %eq3A_37 : i1 to i32
      %cond3A_39 = arith.constant 0 : i32
      %cond3A_40 = arith.cmpi ne, %convert_element_type3A_38, %cond3A_39 : i32
      scf.if %cond3A_40 {
        %swap3A_45 = arith.constant 0 : index
        %swap3A_46 = arith.constant 0 : index
        %swap3A_47 = vector.load %arg10[%swap3A_45, %swap3A_46] : memref<8x128xf32, #tpu.memory_space<vmem>>, vector<8x128xf32>
        tpu.vector_store %arg10[%swap3A_45, %swap3A_46], %concatenate3A {strides = array<i32>} : memref<8x128xf32, #tpu.memory_space<vmem>>, vector<8x128xf32>,
      } else {
      }
      %gt3A = arith.constant 0 : i32
      %gt3A_41 = arith.cmpi sgt, %arg0, %gt3A : i32
      %convert_element_type3A_42 = arith.extui %gt3A_41 : i1 to i32
      %cond3A_43 = arith.constant 0 : i32
      %cond3A_44 = arith.cmpi ne, %convert_element_type3A_42, %cond3A_43 : i32
      scf.if %cond3A_44 {
        %get3A_45 = arith.constant 0 : index
        %get3A_46 = arith.constant 0 : index
        %get3A_47 = vector.load %arg10[%get3A_45, %get3A_46] : memref<8x128xf32, #tpu.memory_space<vmem>>, vector<8x128xf32>
        %add3A_48 = arith.addf %get3A_47, %concatenate3A : vector<8x128xf32>
        %swap3A_49 = arith.constant 0 : index
        %swap3A_50 = arith.constant 0 : index
        %swap3A_51 = vector.load %arg10[%swap3A_49, %swap3A_50] : memref<8x128xf32, #tpu.memory_space<vmem>>, vector<8x128xf32>
        tpu.vector_store %arg10[%swap3A_49, %swap3A_50], %add3A_48 {strides = array<i32>} : memref<8x128xf32, #tpu.memory_space<vmem>>, vector<8x128xf32>,
      } else {
      }
    } else {
    }
    %ge3A = arith.constant 5 : i32
    %ge3A_2 = arith.cmpi sge, %arg0, %ge3A : i32
    %convert_element_type3A_3 = arith.extui %ge3A_2 : i1 to i32
    %cond3A_4 = arith.constant 0 : i32
    %cond3A_5 = arith.cmpi ne, %convert_element_type3A_3, %cond3A_4 : i32
    scf.if %cond3A_5 {
      %sub3A = arith.constant 5 : i32
      %sub3A_6 = arith.subi %arg0, %sub3A : i32
      %mul3A = arith.constant 2000 : i32
      %mul3A_7 = arith.muli %sub3A_6, %mul3A : i32
      %get3A = arith.index_cast %mul3A_7 : i32 to index
      %get3A_8 = arith.constant 0 : index
      %get3A_9 = vector.load %arg9[%get3A, %get3A_8] : memref<10000x128xf32, #tpu.memory_space<vmem>>, vector<2000x128xf32>
      %get3A_10 = arith.constant 0 : index
      %get3A_11 = arith.constant 0 : index
      %get3A_12 = vector.load %arg10[%get3A_10, %get3A_11] : memref<8x128xf32, #tpu.memory_space<vmem>>, vector<1x128xf32>
      %div3A = arith.constant 1.000000e+04 : f32
      %div3A_13 = vector.broadcast %div3A : f32 to vector<1x128xf32>
      %div3A_14 = arith.divf %get3A_12, %div3A_13 : vector<1x128xf32>
      %get3A_15 = arith.constant 1 : index
      %get3A_16 = arith.constant 0 : index
      %get3A_17 = vector.load %arg10[%get3A_15, %get3A_16] : memref<8x128xf32, #tpu.memory_space<vmem>>, vector<1x128xf32>
      %div3A_18 = arith.constant 1.000000e+04 : f32
      %div3A_19 = vector.broadcast %div3A_18 : f32 to vector<1x128xf32>
      %div3A_20 = arith.divf %get3A_17, %div3A_19 : vector<1x128xf32>
      %mul3A_21 = arith.mulf %div3A_14, %div3A_14 : vector<1x128xf32>
      %sub3A_22 = arith.subf %div3A_20, %mul3A_21 : vector<1x128xf32>
      %sub3A_23 = vector.broadcast %div3A_14 : vector<1x128xf32> to vector<2000x128xf32>
      %sub3A_24 = arith.subf %get3A_9, %sub3A_23 : vector<2000x128xf32>
      %add3A = arith.constant 9.99999974E-6 : f32
      %add3A_25 = vector.broadcast %add3A : f32 to vector<1x128xf32>
      %add3A_26 = arith.addf %sub3A_22, %add3A_25 : vector<1x128xf32>
      %rsqrt3A = math.rsqrt %add3A_26 : vector<1x128xf32>
      %mul3A_27 = vector.broadcast %rsqrt3A : vector<1x128xf32> to vector<2000x128xf32>
      %mul3A_28 = arith.mulf %sub3A_24, %mul3A_27 : vector<2000x128xf32>
      %get3A_29 = arith.constant 0 : index
      %get3A_30 = arith.constant 0 : index
      %get3A_31 = vector.load %arg6[%get3A_29, %get3A_30] : memref<1x128xf32, #tpu.memory_space<vmem>>, vector<1x128xf32>
      %mul3A_32 = vector.broadcast %get3A_31 : vector<1x128xf32> to vector<2000x128xf32>
      %mul3A_33 = arith.mulf %mul3A_28, %mul3A_32 : vector<2000x128xf32>
      %get3A_34 = arith.constant 0 : index
      %get3A_35 = arith.constant 0 : index
      %get3A_36 = vector.load %arg7[%get3A_34, %get3A_35] : memref<1x128xf32, #tpu.memory_space<vmem>>, vector<1x128xf32>
      %add3A_37 = vector.broadcast %get3A_36 : vector<1x128xf32> to vector<2000x128xf32>
      %add3A_38 = arith.addf %mul3A_33, %add3A_37 : vector<2000x128xf32>
      %max3A = arith.constant 0.000000e+00 : f32
      %max3A_39 = vector.broadcast %max3A : f32 to vector<2000x128xf32>
      %max3A_40 = arith.maximumf %add3A_38, %max3A_39 : vector<2000x128xf32>
      %swap3A = arith.constant 0 : index
      %swap3A_41 = arith.constant 0 : index
      %swap3A_42 = vector.load %arg8[%swap3A, %swap3A_41] : memref<2000x128xf32, #tpu.memory_space<vmem>>, vector<2000x128xf32>
      tpu.vector_store %arg8[%swap3A, %swap3A_41], %max3A_40 {strides = array<i32>} : memref<2000x128xf32, #tpu.memory_space<vmem>>, vector<2000x128xf32>,
    } else {
    }
    return
  }
  func.func @transform_0(%arg0: i32) -> (i32, i32) {
    %lt3A = arith.constant 5 : i32
    %lt3A_0 = arith.cmpi slt, %arg0, %lt3A : i32
    %jit3A = arith.constant 0 : i32
    %select_n3A = arith.select %lt3A_0, %arg0, %jit3A : i32
    %c0_i32 = arith.constant 0 : i32
    %c0_i32_1 = arith.constant 0 : i32
    return %select_n3A, %c0_i32 : i32, i32
  }
  func.func @transform_1(%arg0: i32) -> (i32, i32) {
    %lt3A = arith.constant 5 : i32
    %lt3A_0 = arith.cmpi slt, %arg0, %lt3A : i32
    %jit3A = arith.constant 0 : i32
    %select_n3A = arith.select %lt3A_0, %arg0, %jit3A : i32
    %c0_i32 = arith.constant 0 : i32
    %c0_i32_1 = arith.constant 0 : i32
    return %select_n3A, %c0_i32 : i32, i32
  }
  func.func @transform_2(%arg0: i32) -> (i32, i32) {
    %lt3A = arith.constant 5 : i32
    %lt3A_0 = arith.cmpi slt, %arg0, %lt3A : i32
    %jit3A = arith.constant 0 : i32
    %select_n3A = arith.select %lt3A_0, %arg0, %jit3A : i32
    %c0_i32 = arith.constant 0 : i32
    %c0_i32_1 = arith.constant 0 : i32
    return %select_n3A, %c0_i32 : i32, i32
  }
  func.func @transform_3(%arg0: i32) -> (i32, i32) {
    %c0_i32 = arith.constant 0 : i32
    %c0_i32_0 = arith.constant 0 : i32
    %c0_i32_1 = arith.constant 0 : i32
    return %c0_i32, %c0_i32_0 : i32, i32
  }
  func.func @transform_4(%arg0: i32) -> (i32, i32) {
    %c0_i32 = arith.constant 0 : i32
    %c0_i32_0 = arith.constant 0 : i32
    %c0_i32_1 = arith.constant 0 : i32
    return %c0_i32, %c0_i32_0 : i32, i32
  }
  func.func @transform_5(%arg0: i32) -> (i32, i32) {
    %c0_i32 = arith.constant 0 : i32
    %c0_i32_0 = arith.constant 0 : i32
    %c0_i32_1 = arith.constant 0 : i32
    return %c0_i32, %c0_i32_0 : i32, i32
  }
  func.func @transform_6(%arg0: i32) -> (i32, i32) {
    %c0_i32 = arith.constant 0 : i32
    %c0_i32_0 = arith.constant 0 : i32
    %c0_i32_1 = arith.constant 0 : i32
    return %c0_i32, %c0_i32_0 : i32, i32
  }
  func.func @transform_7(%arg0: i32) -> (i32, i32) {
    %lt3A = arith.constant 5 : i32
    %lt3A_0 = arith.cmpi slt, %arg0, %lt3A : i32
    %sub3A = arith.constant 5 : i32
    %sub3A_1 = arith.subi %arg0, %sub3A : i32
    %jit3A = arith.constant 0 : i32
    %select_n3A = arith.select %lt3A_0, %jit3A, %sub3A_1 : i32
    %c0_i32 = arith.constant 0 : i32
    %c0_i32_2 = arith.constant 0 : i32
    return %select_n3A, %c0_i32 : i32, i32
  }
}

module attributes {stable_mosaic.version = 14 : i64} {
  func.func @_final_body(%arg0: i32, %arg1: memref<2000x128xf32, #tpu.memory_space<vmem>>, %arg2: memref<2000x128xf32, #tpu.memory_space<vmem>>, %arg3: memref<2000x128xf32, #tpu.memory_space<vmem>>, %arg4: memref<128x128xf32, #tpu.memory_space<vmem>>, %arg5: memref<1x128xf32, #tpu.memory_space<vmem>>, %arg6: memref<1x128xf32, #tpu.memory_space<vmem>>, %arg7: memref<1x128xf32, #tpu.memory_space<vmem>>, %arg8: memref<2000x1xi32, #tpu.memory_space<vmem>>, %arg9: memref<128x128xf32, #tpu.memory_space<vmem>>, %arg10: memref<1x128xf32, #tpu.memory_space<vmem>>, %arg11: memref<128x128xf32, #tpu.memory_space<vmem>>, %arg12: memref<10000x128xf32, #tpu.memory_space<vmem>>, %arg13: memref<8x128xf32, #tpu.memory_space<vmem>>, %arg14: memref<128x128xf32, #tpu.memory_space<vmem>>, %arg15: memref<128x1xf32, #tpu.memory_space<vmem>>) attributes {dimension_semantics = [#tpu.dimension_semantics<arbitrary>], iteration_bounds = array<i64: 10>, scalar_prefetch = 0 : i64, scratch_operands = 4 : i64, tpu.core_type = #tpu.core_type<tc>, window_params = [{transform_indices = @transform_0, window_bounds = array<i64: 2000, 128>}, {transform_indices = @transform_1, window_bounds = array<i64: 2000, 128>}, {transform_indices = @transform_2, window_bounds = array<i64: 2000, 128>}, {pipeline_mode = #tpu.pipeline_mode<synchronous>, transform_indices = @transform_3, window_bounds = array<i64: 128, 128>}, {pipeline_mode = #tpu.pipeline_mode<synchronous>, transform_indices = @transform_4, window_bounds = array<i64: 1, 128>}, {pipeline_mode = #tpu.pipeline_mode<synchronous>, transform_indices = @transform_5, window_bounds = array<i64: 1, 128>}, {pipeline_mode = #tpu.pipeline_mode<synchronous>, transform_indices = @transform_6, window_bounds = array<i64: 1, 128>}, {transform_indices = @transform_7, window_bounds = array<i64: 2000, 1>}, {pipeline_mode = #tpu.pipeline_mode<synchronous>, transform_indices = @transform_8, window_bounds = array<i64: 128, 128>}, {pipeline_mode = #tpu.pipeline_mode<synchronous>, transform_indices = @transform_9, window_bounds = array<i64: 1, 128>}, {pipeline_mode = #tpu.pipeline_mode<synchronous>, transform_indices = @transform_10, window_bounds = array<i64: 128, 128>}]} {
    %lt3A = arith.constant 5 : i32
    %lt3A_0 = arith.cmpi slt, %arg0, %lt3A : i32
    %convert_element_type3A = arith.extui %lt3A_0 : i1 to i32
    %cond3A = arith.constant 0 : i32
    %cond3A_1 = arith.cmpi ne, %convert_element_type3A, %cond3A : i32
    scf.if %cond3A_1 {
      %get3A = arith.constant 0 : index
      %get3A_10 = arith.constant 0 : index
      %get3A_11 = vector.load %arg1[%get3A, %get3A_10] : memref<2000x128xf32, #tpu.memory_space<vmem>>, vector<2000x128xf32>
      %mul3A = arith.constant 1.500000e+00 : f32
      %mul3A_12 = vector.broadcast %mul3A : f32 to vector<2000x128xf32>
      %mul3A_13 = arith.mulf %mul3A_12, %get3A_11 : vector<2000x128xf32>
      %get3A_14 = arith.constant 0 : index
      %get3A_15 = arith.constant 0 : index
      %get3A_16 = vector.load %arg2[%get3A_14, %get3A_15] : memref<2000x128xf32, #tpu.memory_space<vmem>>, vector<2000x128xf32>
      %add3A = arith.addf %mul3A_13, %get3A_16 : vector<2000x128xf32>
      %get3A_17 = arith.constant 0 : index
      %get3A_18 = arith.constant 0 : index
      %get3A_19 = vector.load %arg3[%get3A_17, %get3A_18] : memref<2000x128xf32, #tpu.memory_space<vmem>>, vector<2000x128xf32>
      %add3A_20 = arith.addf %add3A, %get3A_19 : vector<2000x128xf32>
      %get3A_21 = arith.constant 0 : index
      %get3A_22 = arith.constant 0 : index
      %get3A_23 = vector.load %arg4[%get3A_21, %get3A_22] : memref<128x128xf32, #tpu.memory_space<vmem>>, vector<128x128xf32>
      %dot_general3A = arith.constant dense<0.000000e+00> : vector<2000x128xf32>
      %dot_general3A_24 = tpu.matmul %add3A_20, %get3A_23, %dot_general3A {dimension_numbers = #tpu.dot_dimension_numbers<[1], [0], [0], [1], [0, 0, 1, 1], [], []>, transpose_lhs_hint = false} : vector<2000x128xf32>, vector<128x128xf32>, vector<2000x128xf32> -> vector<2000x128xf32>
      %get3A_25 = arith.constant 0 : index
      %get3A_26 = arith.constant 0 : index
      %get3A_27 = vector.load %arg5[%get3A_25, %get3A_26] : memref<1x128xf32, #tpu.memory_space<vmem>>, vector<1x128xf32>
      %add3A_28 = vector.broadcast %get3A_27 : vector<1x128xf32> to vector<2000x128xf32>
      %add3A_29 = arith.addf %dot_general3A_24, %add3A_28 : vector<2000x128xf32>
      %mul3A_30 = arith.constant 2000 : i32
      %mul3A_31 = arith.muli %arg0, %mul3A_30 : i32
      %swap3A = arith.index_cast %mul3A_31 : i32 to index
      %swap3A_32 = arith.constant 0 : index
      %swap3A_33 = vector.load %arg12[%swap3A, %swap3A_32] : memref<10000x128xf32, #tpu.memory_space<vmem>>, vector<2000x128xf32>
      tpu.vector_store %arg12[%swap3A, %swap3A_32], %add3A_29 {strides = array<i32>} : memref<10000x128xf32, #tpu.memory_space<vmem>>, vector<2000x128xf32>,
      %reduce_sum3A = arith.constant dense<0.000000e+00> : vector<128xf32>
      %reduce_sum3A_34 = vector.multi_reduction <add>, %add3A_29, %reduce_sum3A [0] : vector<2000x128xf32> to vector<128xf32>
      %broadcast_in_dim3A = vector.shape_cast %reduce_sum3A_34 : vector<128xf32> to vector<1x128xf32>
      %mul3A_35 = arith.mulf %add3A_29, %add3A_29 : vector<2000x128xf32>
      %reduce_sum3A_36 = arith.constant dense<0.000000e+00> : vector<128xf32>
      %reduce_sum3A_37 = vector.multi_reduction <add>, %mul3A_35, %reduce_sum3A_36 [0] : vector<2000x128xf32> to vector<128xf32>
      %broadcast_in_dim3A_38 = vector.shape_cast %reduce_sum3A_37 : vector<128xf32> to vector<1x128xf32>
      %broadcast_in_dim3A_39 = arith.constant 0.000000e+00 : f32
      %broadcast_in_dim3A_40 = vector.broadcast %broadcast_in_dim3A_39 : f32 to vector<6x128xf32>
      %concatenate3A = tpu.concatenate %broadcast_in_dim3A, %broadcast_in_dim3A_38, %broadcast_in_dim3A_40 in 0 : vector<1x128xf32>, vector<1x128xf32>, vector<6x128xf32> -> vector<8x128xf32>
      %eq3A_41 = arith.constant 0 : i32
      %eq3A_42 = arith.cmpi eq, %arg0, %eq3A_41 : i32
      %convert_element_type3A_43 = arith.extui %eq3A_42 : i1 to i32
      %cond3A_44 = arith.constant 0 : i32
      %cond3A_45 = arith.cmpi ne, %convert_element_type3A_43, %cond3A_44 : i32
      scf.if %cond3A_45 {
        %swap3A_50 = arith.constant 0 : index
        %swap3A_51 = arith.constant 0 : index
        %swap3A_52 = vector.load %arg13[%swap3A_50, %swap3A_51] : memref<8x128xf32, #tpu.memory_space<vmem>>, vector<8x128xf32>
        tpu.vector_store %arg13[%swap3A_50, %swap3A_51], %concatenate3A {strides = array<i32>} : memref<8x128xf32, #tpu.memory_space<vmem>>, vector<8x128xf32>,
      } else {
      }
      %gt3A = arith.constant 0 : i32
      %gt3A_46 = arith.cmpi sgt, %arg0, %gt3A : i32
      %convert_element_type3A_47 = arith.extui %gt3A_46 : i1 to i32
      %cond3A_48 = arith.constant 0 : i32
      %cond3A_49 = arith.cmpi ne, %convert_element_type3A_47, %cond3A_48 : i32
      scf.if %cond3A_49 {
        %get3A_50 = arith.constant 0 : index
        %get3A_51 = arith.constant 0 : index
        %get3A_52 = vector.load %arg13[%get3A_50, %get3A_51] : memref<8x128xf32, #tpu.memory_space<vmem>>, vector<8x128xf32>
        %add3A_53 = arith.addf %get3A_52, %concatenate3A : vector<8x128xf32>
        %swap3A_54 = arith.constant 0 : index
        %swap3A_55 = arith.constant 0 : index
        %swap3A_56 = vector.load %arg13[%swap3A_54, %swap3A_55] : memref<8x128xf32, #tpu.memory_space<vmem>>, vector<8x128xf32>
        tpu.vector_store %arg13[%swap3A_54, %swap3A_55], %add3A_53 {strides = array<i32>} : memref<8x128xf32, #tpu.memory_space<vmem>>, vector<8x128xf32>,
      } else {
      }
    } else {
    }
    %ge3A = arith.constant 5 : i32
    %ge3A_2 = arith.cmpi sge, %arg0, %ge3A : i32
    %convert_element_type3A_3 = arith.extui %ge3A_2 : i1 to i32
    %cond3A_4 = arith.constant 0 : i32
    %cond3A_5 = arith.cmpi ne, %convert_element_type3A_3, %cond3A_4 : i32
    scf.if %cond3A_5 {
      %sub3A = arith.constant 5 : i32
      %sub3A_10 = arith.subi %arg0, %sub3A : i32
      %mul3A = arith.constant 2000 : i32
      %mul3A_11 = arith.muli %sub3A_10, %mul3A : i32
      %get3A = arith.index_cast %mul3A_11 : i32 to index
      %get3A_12 = arith.constant 0 : index
      %get3A_13 = vector.load %arg12[%get3A, %get3A_12] : memref<10000x128xf32, #tpu.memory_space<vmem>>, vector<2000x128xf32>
      %get3A_14 = arith.constant 0 : index
      %get3A_15 = arith.constant 0 : index
      %get3A_16 = vector.load %arg13[%get3A_14, %get3A_15] : memref<8x128xf32, #tpu.memory_space<vmem>>, vector<1x128xf32>
      %div3A = arith.constant 1.000000e+04 : f32
      %div3A_17 = vector.broadcast %div3A : f32 to vector<1x128xf32>
      %div3A_18 = arith.divf %get3A_16, %div3A_17 : vector<1x128xf32>
      %get3A_19 = arith.constant 1 : index
      %get3A_20 = arith.constant 0 : index
      %get3A_21 = vector.load %arg13[%get3A_19, %get3A_20] : memref<8x128xf32, #tpu.memory_space<vmem>>, vector<1x128xf32>
      %div3A_22 = arith.constant 1.000000e+04 : f32
      %div3A_23 = vector.broadcast %div3A_22 : f32 to vector<1x128xf32>
      %div3A_24 = arith.divf %get3A_21, %div3A_23 : vector<1x128xf32>
      %mul3A_25 = arith.mulf %div3A_18, %div3A_18 : vector<1x128xf32>
      %sub3A_26 = arith.subf %div3A_24, %mul3A_25 : vector<1x128xf32>
      %sub3A_27 = vector.broadcast %div3A_18 : vector<1x128xf32> to vector<2000x128xf32>
      %sub3A_28 = arith.subf %get3A_13, %sub3A_27 : vector<2000x128xf32>
      %add3A = arith.constant 9.99999974E-6 : f32
      %add3A_29 = vector.broadcast %add3A : f32 to vector<1x128xf32>
      %add3A_30 = arith.addf %sub3A_26, %add3A_29 : vector<1x128xf32>
      %rsqrt3A = math.rsqrt %add3A_30 : vector<1x128xf32>
      %mul3A_31 = vector.broadcast %rsqrt3A : vector<1x128xf32> to vector<2000x128xf32>
      %mul3A_32 = arith.mulf %sub3A_28, %mul3A_31 : vector<2000x128xf32>
      %get3A_33 = arith.constant 0 : index
      %get3A_34 = arith.constant 0 : index
      %get3A_35 = vector.load %arg6[%get3A_33, %get3A_34] : memref<1x128xf32, #tpu.memory_space<vmem>>, vector<1x128xf32>
      %mul3A_36 = vector.broadcast %get3A_35 : vector<1x128xf32> to vector<2000x128xf32>
      %mul3A_37 = arith.mulf %mul3A_32, %mul3A_36 : vector<2000x128xf32>
      %get3A_38 = arith.constant 0 : index
      %get3A_39 = arith.constant 0 : index
      %get3A_40 = vector.load %arg7[%get3A_38, %get3A_39] : memref<1x128xf32, #tpu.memory_space<vmem>>, vector<1x128xf32>
      %add3A_41 = vector.broadcast %get3A_40 : vector<1x128xf32> to vector<2000x128xf32>
      %add3A_42 = arith.addf %mul3A_37, %add3A_41 : vector<2000x128xf32>
      %iota3A = tpu.iota {dimensions = array<i32: 1>} : vector<1x128xi32>
      %get3A_43 = arith.constant 0 : index
      %get3A_44 = arith.constant 0 : index
      %get3A_45 = vector.load %arg8[%get3A_43, %get3A_44] : memref<2000x1xi32, #tpu.memory_space<vmem>>, vector<2000x1xi32>
      %eq3A_46 = vector.broadcast %get3A_45 : vector<2000x1xi32> to vector<2000x128xi32>
      %eq3A_47 = vector.broadcast %iota3A : vector<1x128xi32> to vector<2000x128xi32>
      %eq3A_48 = arith.cmpi eq, %eq3A_46, %eq3A_47 : vector<2000x128xi32>
      %convert_element_type3A_49 = arith.extui %eq3A_48 : vector<2000x128xi1> to vector<2000x128xi32>
      %convert_element_type3A_50 = arith.sitofp %convert_element_type3A_49 : vector<2000x128xi32> to vector<2000x128xf32>
      %dot_general3A = arith.constant dense<0.000000e+00> : vector<128x128xf32>
      %dot_general3A_51 = tpu.matmul %convert_element_type3A_50, %add3A_42, %dot_general3A {dimension_numbers = #tpu.dot_dimension_numbers<[0], [0], [1], [1], [0, 1, 1, 1], [], []>, precision = #tpu.contract_precision<fp32>, transpose_lhs_hint = false} : vector<2000x128xf32>, vector<2000x128xf32>, vector<128x128xf32> -> vector<128x128xf32>
      %broadcast_in_dim3A = arith.constant 1.000000e+00 : f32
      %broadcast_in_dim3A_52 = vector.broadcast %broadcast_in_dim3A : f32 to vector<2000x1xf32>
      %dot_general3A_53 = arith.constant dense<0.000000e+00> : vector<128x1xf32>
      %dot_general3A_54 = tpu.matmul %convert_element_type3A_50, %broadcast_in_dim3A_52, %dot_general3A_53 {dimension_numbers = #tpu.dot_dimension_numbers<[0], [0], [1], [1], [0, 1, 1, 1], [], []>, precision = #tpu.contract_precision<fp32>, transpose_lhs_hint = false} : vector<2000x128xf32>, vector<2000x1xf32>, vector<128x1xf32> -> vector<128x1xf32>
      %eq3A_55 = arith.constant 0 : i32
      %eq3A_56 = arith.cmpi eq, %sub3A_10, %eq3A_55 : i32
      %convert_element_type3A_57 = arith.extui %eq3A_56 : i1 to i32
      %cond3A_58 = arith.constant 0 : i32
      %cond3A_59 = arith.cmpi ne, %convert_element_type3A_57, %cond3A_58 : i32
      scf.if %cond3A_59 {
        %swap3A = arith.constant 0 : index
        %swap3A_64 = arith.constant 0 : index
        %swap3A_65 = vector.load %arg14[%swap3A, %swap3A_64] : memref<128x128xf32, #tpu.memory_space<vmem>>, vector<128x128xf32>
        tpu.vector_store %arg14[%swap3A, %swap3A_64], %dot_general3A_51 {strides = array<i32>} : memref<128x128xf32, #tpu.memory_space<vmem>>, vector<128x128xf32>,
        %swap3A_66 = arith.constant 0 : index
        %swap3A_67 = arith.constant 0 : index
        %swap3A_68 = vector.load %arg15[%swap3A_66, %swap3A_67] : memref<128x1xf32, #tpu.memory_space<vmem>>, vector<128x1xf32>
        tpu.vector_store %arg15[%swap3A_66, %swap3A_67], %dot_general3A_54 {strides = array<i32>} : memref<128x1xf32, #tpu.memory_space<vmem>>, vector<128x1xf32>,
      } else {
      }
      %gt3A = arith.constant 0 : i32
      %gt3A_60 = arith.cmpi sgt, %sub3A_10, %gt3A : i32
      %convert_element_type3A_61 = arith.extui %gt3A_60 : i1 to i32
      %cond3A_62 = arith.constant 0 : i32
      %cond3A_63 = arith.cmpi ne, %convert_element_type3A_61, %cond3A_62 : i32
      scf.if %cond3A_63 {
        %get3A_64 = arith.constant 0 : index
        %get3A_65 = arith.constant 0 : index
        %get3A_66 = vector.load %arg14[%get3A_64, %get3A_65] : memref<128x128xf32, #tpu.memory_space<vmem>>, vector<128x128xf32>
        %add3A_67 = arith.addf %get3A_66, %dot_general3A_51 : vector<128x128xf32>
        %swap3A = arith.constant 0 : index
        %swap3A_68 = arith.constant 0 : index
        %swap3A_69 = vector.load %arg14[%swap3A, %swap3A_68] : memref<128x128xf32, #tpu.memory_space<vmem>>, vector<128x128xf32>
        tpu.vector_store %arg14[%swap3A, %swap3A_68], %add3A_67 {strides = array<i32>} : memref<128x128xf32, #tpu.memory_space<vmem>>, vector<128x128xf32>,
        %get3A_70 = arith.constant 0 : index
        %get3A_71 = arith.constant 0 : index
        %get3A_72 = vector.load %arg15[%get3A_70, %get3A_71] : memref<128x1xf32, #tpu.memory_space<vmem>>, vector<128x1xf32>
        %add3A_73 = arith.addf %get3A_72, %dot_general3A_54 : vector<128x1xf32>
        %swap3A_74 = arith.constant 0 : index
        %swap3A_75 = arith.constant 0 : index
        %swap3A_76 = vector.load %arg15[%swap3A_74, %swap3A_75] : memref<128x1xf32, #tpu.memory_space<vmem>>, vector<128x1xf32>
        tpu.vector_store %arg15[%swap3A_74, %swap3A_75], %add3A_73 {strides = array<i32>} : memref<128x1xf32, #tpu.memory_space<vmem>>, vector<128x1xf32>,
      } else {
      }
    } else {
    }
    %eq3A = arith.constant 9 : i32
    %eq3A_6 = arith.cmpi eq, %arg0, %eq3A : i32
    %convert_element_type3A_7 = arith.extui %eq3A_6 : i1 to i32
    %cond3A_8 = arith.constant 0 : i32
    %cond3A_9 = arith.cmpi ne, %convert_element_type3A_7, %cond3A_8 : i32
    scf.if %cond3A_9 {
      %get3A = arith.constant 0 : index
      %get3A_10 = arith.constant 0 : index
      %get3A_11 = vector.load %arg14[%get3A, %get3A_10] : memref<128x128xf32, #tpu.memory_space<vmem>>, vector<128x128xf32>
      %get3A_12 = arith.constant 0 : index
      %get3A_13 = arith.constant 0 : index
      %get3A_14 = vector.load %arg15[%get3A_12, %get3A_13] : memref<128x1xf32, #tpu.memory_space<vmem>>, vector<128x1xf32>
      %max3A = arith.constant 1.000000e+00 : f32
      %max3A_15 = vector.broadcast %max3A : f32 to vector<128x1xf32>
      %max3A_16 = arith.maximumf %get3A_14, %max3A_15 : vector<128x1xf32>
      %div3A = vector.broadcast %max3A_16 : vector<128x1xf32> to vector<128x128xf32>
      %div3A_17 = arith.divf %get3A_11, %div3A : vector<128x128xf32>
      %get3A_18 = arith.constant 0 : index
      %get3A_19 = arith.constant 0 : index
      %get3A_20 = vector.load %arg9[%get3A_18, %get3A_19] : memref<128x128xf32, #tpu.memory_space<vmem>>, vector<128x128xf32>
      %dot_general3A = arith.constant dense<0.000000e+00> : vector<128x128xf32>
      %dot_general3A_21 = tpu.matmul %div3A_17, %get3A_20, %dot_general3A {dimension_numbers = #tpu.dot_dimension_numbers<[1], [0], [0], [1], [0, 0, 1, 1], [], []>, transpose_lhs_hint = false} : vector<128x128xf32>, vector<128x128xf32>, vector<128x128xf32> -> vector<128x128xf32>
      %get3A_22 = arith.constant 0 : index
      %get3A_23 = arith.constant 0 : index
      %get3A_24 = vector.load %arg10[%get3A_22, %get3A_23] : memref<1x128xf32, #tpu.memory_space<vmem>>, vector<1x128xf32>
      %add3A = vector.broadcast %get3A_24 : vector<1x128xf32> to vector<128x128xf32>
      %add3A_25 = arith.addf %dot_general3A_21, %add3A : vector<128x128xf32>
      %swap3A = arith.constant 0 : index
      %swap3A_26 = arith.constant 0 : index
      %swap3A_27 = vector.load %arg11[%swap3A, %swap3A_26] : memref<128x128xf32, #tpu.memory_space<vmem>>, vector<128x128xf32>
      tpu.vector_store %arg11[%swap3A, %swap3A_26], %add3A_25 {strides = array<i32>} : memref<128x128xf32, #tpu.memory_space<vmem>>, vector<128x128xf32>,
    } else {
    }
    return
  }
  func.func @transform_0(%arg0: i32) -> (i32, i32) {
    %lt3A = arith.constant 5 : i32
    %lt3A_0 = arith.cmpi slt, %arg0, %lt3A : i32
    %jit3A = arith.constant 0 : i32
    %select_n3A = arith.select %lt3A_0, %arg0, %jit3A : i32
    %c0_i32 = arith.constant 0 : i32
    %c0_i32_1 = arith.constant 0 : i32
    return %select_n3A, %c0_i32 : i32, i32
  }
  func.func @transform_1(%arg0: i32) -> (i32, i32) {
    %lt3A = arith.constant 5 : i32
    %lt3A_0 = arith.cmpi slt, %arg0, %lt3A : i32
    %jit3A = arith.constant 0 : i32
    %select_n3A = arith.select %lt3A_0, %arg0, %jit3A : i32
    %c0_i32 = arith.constant 0 : i32
    %c0_i32_1 = arith.constant 0 : i32
    return %select_n3A, %c0_i32 : i32, i32
  }
  func.func @transform_2(%arg0: i32) -> (i32, i32) {
    %lt3A = arith.constant 5 : i32
    %lt3A_0 = arith.cmpi slt, %arg0, %lt3A : i32
    %jit3A = arith.constant 0 : i32
    %select_n3A = arith.select %lt3A_0, %arg0, %jit3A : i32
    %c0_i32 = arith.constant 0 : i32
    %c0_i32_1 = arith.constant 0 : i32
    return %select_n3A, %c0_i32 : i32, i32
  }
  func.func @transform_3(%arg0: i32) -> (i32, i32) {
    %c0_i32 = arith.constant 0 : i32
    %c0_i32_0 = arith.constant 0 : i32
    %c0_i32_1 = arith.constant 0 : i32
    return %c0_i32, %c0_i32_0 : i32, i32
  }
  func.func @transform_4(%arg0: i32) -> (i32, i32) {
    %c0_i32 = arith.constant 0 : i32
    %c0_i32_0 = arith.constant 0 : i32
    %c0_i32_1 = arith.constant 0 : i32
    return %c0_i32, %c0_i32_0 : i32, i32
  }
  func.func @transform_5(%arg0: i32) -> (i32, i32) {
    %c0_i32 = arith.constant 0 : i32
    %c0_i32_0 = arith.constant 0 : i32
    %c0_i32_1 = arith.constant 0 : i32
    return %c0_i32, %c0_i32_0 : i32, i32
  }
  func.func @transform_6(%arg0: i32) -> (i32, i32) {
    %c0_i32 = arith.constant 0 : i32
    %c0_i32_0 = arith.constant 0 : i32
    %c0_i32_1 = arith.constant 0 : i32
    return %c0_i32, %c0_i32_0 : i32, i32
  }
  func.func @transform_7(%arg0: i32) -> (i32, i32) {
    %lt3A = arith.constant 5 : i32
    %lt3A_0 = arith.cmpi slt, %arg0, %lt3A : i32
    %sub3A = arith.constant 5 : i32
    %sub3A_1 = arith.subi %arg0, %sub3A : i32
    %jit3A = arith.constant 0 : i32
    %select_n3A = arith.select %lt3A_0, %jit3A, %sub3A_1 : i32
    %c0_i32 = arith.constant 0 : i32
    %c0_i32_2 = arith.constant 0 : i32
    return %select_n3A, %c0_i32 : i32, i32
  }
  func.func @transform_8(%arg0: i32) -> (i32, i32) {
    %c0_i32 = arith.constant 0 : i32
    %c0_i32_0 = arith.constant 0 : i32
    %c0_i32_1 = arith.constant 0 : i32
    return %c0_i32, %c0_i32_0 : i32, i32
  }
  func.func @transform_9(%arg0: i32) -> (i32, i32) {
    %c0_i32 = arith.constant 0 : i32
    %c0_i32_0 = arith.constant 0 : i32
    %c0_i32_1 = arith.constant 0 : i32
    return %c0_i32, %c0_i32_0 : i32, i32
  }
  func.func @transform_10(%arg0: i32) -> (i32, i32) {
    %c0_i32 = arith.constant 0 : i32
    %c0_i32_0 = arith.constant 0 : i32
    %c0_i32_1 = arith.constant 0 : i32
    return %c0_i32, %c0_i32_0 : i32, i32
  }
}

</mosaic_0001>

<sc_bundles>
// kernel: kernel.12.cloned.1.call-start
scs
__scs_entry_jumppad:
0x0: {  	(pc) =	sbr.rel $0x88, $3  }
0x1: {  	(tag) =	ssettag $0x0;
	lr =	simm.s32 $0x1  }
0x2: {  	[smem:$0x3F97] =	sst lr;
	_ =	strace $0xD0000000  }
0x3: {  	_ = 	snop  }
0x4: {  	_ = 	snop  }
0x5: {  	_ = 	snop  }
0x6: {  	_ = 	snop  }
0x7: {  	_ = 	snop  }
__scs_overlays_trampoline_lowered:
0x8: {  	[smem:$0x3FA6] =	sst s0  }
0x9: {  	[smem:$0x3FA7] =	sst s1  }
0xa: {  	[smem:$0x3FA8] =	sst s2  }
0xb: {  	[smem:$0x3FA9] =	sst s3  }
0xc: {  	[smem:$0x3FAA] =	sst s4  }
0xd: {  	[smem:$0x3FAB] =	sst s5  }
0xe: {  	[smem:$0x3FAC] =	sst s6  }
0xf: {  	[smem:$0x3FAD] =	sst s7  }
0x10: {  	[smem:$0x3FAE] =	sst s8  }
0x11: {  	[smem:$0x3FAF] =	sst s9;
	s0 =	simm.s32 @!p0 $0x0  }
0x12: {  	s1 =	sld [smem:$0x3F95];
	s0 =	simm.s32 @p0 $0x1  }
0x13: {  	[smem:$0x3FB0] =	sst s0;
	s0 =	simm.s32 @!p1 $0x0  }
0x14: {  	s2 =	sld [smem:$0x3F94];
	s0 =	simm.s32 @p1 $0x1  }
0x15: {  	[smem:$0x3FB1] =	sst s0;
	s0 =	simm.s32 @!p2 $0x0  }
0x16: {  	s3 =	sld [smem:$0x3FDB];
	s0 =	simm.s32 @p2 $0x1  }
0x17: {  	s4 =	simm.s32 $0x1BF5;
	[smem:$0x3FB3] =	sst s0  }
0x18: {  	s0 =	sld [smem:$0x3F96];
	_ =	swait.ge [sflag:s4], $0x0  }
0x19: {  	s7 =	sld [smem:$0x3F97]  }
0x1a: {  	s8 =	sadd.s32 $0xFFFFE003, lr  }
0x1b: {  	s9 =	sadd.s32 $0xFFFFFEF7, lr;
	s5 =	simm.s32 $0xFFFFFFFF;
	p2 =	slt.u32 s8, $0xFFFFF086  }
0x1c: {  	p1 =	slt.u32 s9, $0xF7A;
	s5 =	simm.s32 @!p2 $0x0  }
0x1d: {  	s5 =	simm.s32 @p1 $0x1;
	p0 =	seq.s32 s7, s2  }
0x1e: {  	s7 =	smul.u32 @!p0 $0xF7A, s2;
	p2 =	seq.s32 @!p0 s5, $0x0  }
0x1f: {  	s9 =	smul.u32 $0xF7A, s1;
	s8 =	simm.s32 @!p0 $0x1BF5;
	p2 =	por !p2, p0  }
0x20: {  	[sflag:s8] =	ssyncset.s32 @!p0 $0xFFFFF086;
	s6 =	sadd.s32 @!p0 s3, s7;
	s7 =	simm.s32 @!p0 $0x108  }
0x21: {  	s3 =	sadd.s32 s3, s9;
	s6 =	sadd.s32 @!p0 $0x88, s6;
	s7 =	simm.s32 @p2 $0x1082  }
0x22: {  	[simem:s7], [sflag:s8] =	dma.local @!p0 [hbm:s6], $0xF7A  }
0x23: {  	s9 =	sor.u32 $0xD0000000, s2;
	s6 =	simm.s32 $0x108;
	_ =	swait.ge @!p0 [sflag:s8], $0x0  }
0x24: {  	s3 =	sadd.s32 $0x88, s3;
	s6 =	simm.s32 @!p1 $0x1082;
	[sflag:s4] =	ssyncset.s32 $0xFFFFF086  }
0x25: {  	[simem:s6], [sflag:s4] =	dma.local [hbm:s3], $0xF7A  }
0x26: {  	[smem:$0x3F97] =	sst s1;
	(tag) =	ssettag s2;
	_ =	strace s9  }
0x27: {  	s1 =	sld [smem:$0x3FA7]  }
0x28: {  	s2 =	sld [smem:$0x3FA8]  }
0x29: {  	s4 =	sld [smem:$0x3FAA]  }
0x2a: {  	p0 =	seq.s32 s5, $0x0;
	s5 =	sld [smem:$0x3FAB]  }
0x2b: {  	s6 =	sld [smem:$0x3FAC]  }
0x2c: {  	s7 =	sld [smem:$0x3FAD]  }
0x2d: {  	s3 =	simm.s32 $0x108;
	s8 =	sld [smem:$0x3FAE]  }
0x2e: {  	s3 =	simm.s32 @!p0 $0x1082;
	s9 =	sld [smem:$0x3FAF]  }
0x2f: {  	lr =	sadd.s32 s0, s3;
	s0 =	sld [smem:$0x3FA6]  }
0x30: {  	s3 =	sld [smem:$0x3FA9]  }
0x31: {  	[smem:$0x3FB2] =	sst s10  }
0x32: {  	s10 =	sld [smem:$0x3FB0];
	_ =	sdelay $0x3  }
0x33: {  	p0 =	seq.s32 s10, $0x1;
	s10 =	sld [smem:$0x3FB2];
	_ =	sdelay $0x3  }
0x34: {  	[smem:$0x3FB2] =	sst s10  }
0x35: {  	s10 =	sld [smem:$0x3FB1];
	_ =	sdelay $0x3  }
0x36: {  	p1 =	seq.s32 s10, $0x1;
	s10 =	sld [smem:$0x3FB2];
	_ =	sdelay $0x3  }
0x37: {  	[smem:$0x3FB2] =	sst s10  }
0x38: {  	s10 =	sld [smem:$0x3FB3]  }
0x39: {  	_ = 	snop;
	(pc) =	sbr.ind lr, $3  }
0x3a: {  	_ = 	snop  }
0x3b: {  	_ = 	snop  }
0x3c: {  	p2 =	seq.s32 s10, $0x1;
	s10 =	sld [smem:$0x3FB2]  }
0x3d: {  	_ =	shalt  }
0x3e: {  	_ =	shalt  }
0x3f: {  	_ =	shalt  }
0x40: {  	_ =	shalt  }
0x41: {  	_ =	shalt  }
0x42: {  	_ =	shalt  }
0x43: {  	_ =	shalt  }
0x44: {  	_ =	shalt  }
0x45: {  	_ =	shalt  }
0x46: {  	_ =	shalt  }
0x47: {  	_ =	shalt  }
0x48: {  	_ =	shalt  }
0x49: {  	_ =	shalt  }
0x4a: {  	_ =	shalt  }
0x4b: {  	_ =	shalt  }
0x4c: {  	_ =	shalt  }
0x4d: {  	_ =	shalt  }
0x4e: {  	_ =	shalt  }
0x4f: {  	_ =	shalt  }
0x50: {  	_ =	shalt  }
0x51: {  	_ =	shalt  }
0x52: {  	_ =	shalt  }
0x53: {  	_ =	shalt  }
0x54: {  	_ =	shalt  }
0x55: {  	_ =	shalt  }
0x56: {  	_ =	shalt  }
0x57: {  	_ =	shalt  }
0x58: {  	_ =	shalt  }
0x59: {  	_ =	shalt  }
0x5a: {  	_ =	shalt  }
0x5b: {  	_ =	shalt  }
0x5c: {  	_ =	shalt  }
0x5d: {  	_ =	shalt  }
0x5e: {  	_ =	shalt  }
0x5f: {  	_ =	shalt  }
0x60: {  	_ =	shalt  }
0x61: {  	_ =	shalt  }
0x62: {  	_ =	shalt  }
0x63: {  	_ =	shalt  }
0x64: {  	_ =	shalt  }
0x65: {  	_ =	shalt  }
0x66: {  	_ =	shalt  }
0x67: {  	_ =	shalt  }
0x68: {  	_ =	shalt  }
0x69: {  	_ =	shalt  }
0x6a: {  	_ =	shalt  }
0x6b: {  	_ =	shalt  }
0x6c: {  	_ =	shalt  }
0x6d: {  	_ =	shalt  }
0x6e: {  	_ =	shalt  }
0x6f: {  	_ =	shalt  }
0x70: {  	_ =	shalt  }
0x71: {  	_ =	shalt  }
0x72: {  	_ =	shalt  }
0x73: {  	_ =	shalt  }
0x74: {  	_ =	shalt  }
0x75: {  	_ =	shalt  }
0x76: {  	_ =	shalt  }
0x77: {  	_ =	shalt  }
0x78: {  	_ =	shalt  }
0x79: {  	_ =	shalt  }
0x7a: {  	_ =	shalt  }
0x7b: {  	_ =	shalt  }
0x7c: {  	_ =	shalt  }
0x7d: {  	_ =	shalt  }
0x7e: {  	_ =	shalt  }
0x7f: {  	_ =	shalt  }
0x80: {  	_ =	shalt  }
0x81: {  	_ =	shalt  }
0x82: {  	_ =	shalt  }
0x83: {  	_ =	shalt  }
0x84: {  	_ =	shalt  }
0x85: {  	_ =	shalt  }
0x86: {  	_ =	shalt  }
0x87: {  	_ =	shalt  }
.Lfunc_end0:
.L_simem_size_0:
called_computation.1_lowered:
.L_overlay_start_0:
0x88: {  	s2 =	sld [smem:$0x3FD9]  }
0x89: {  	s3 =	sld [smem:$0x3FFE];
	_ =	sdelay $0x1  }
0x8a: {  	s1 =	srdreg.scid  }
0x8b: {  	s0 =	sand.u32 $0x1, s1  }
0x8c: {  	s16 =	sshll.u32 s0, $0xA;
	s2 =	sadd.s32 s3, s2  }
0x8d: {  	s2 =	sadd.s32 s2, s16  }
0x8e: {  	[smem:$0x3FBE] =	sst s2  }
0x8f: {  	_ = 	snop  }
0x90: {  	(tm) =	ssettm $0x1  }
0x91: {  	s17 =	sld [smem:$0x3FFB];
	_ =	sdelay $0x3  }
0x92: {  	_ =	strace s17  }
0x93: {  	s2 =	sld [smem:$0x3FFC];
	_ =	sdelay $0x3  }
0x94: {  	_ =	strace s2  }
0x95: {  	s2 =	sld [smem:$0x3FFD];
	_ =	sdelay $0x3  }
0x96: {  	_ =	strace s2  }
0x97: {  	_ =	strace $0x8FFFFFFF  }
0x98: {  	s18 =	sld [smem:$0x3FDB];
	_ =	sdelay $0x1  }
0x99: {  	s19 =	simm.s32 $_scs_section_size  }
0x9a: {  	s4 =	simm.s32 $_size__tile_overlayer_lowered;
	s5 =	simm.s32 $_tile_overlayer_lowered  }
0x9b: {  	s22 =	simm.s32 $0x1BFF;
	s21 =	sshll.u32 s5, $0x1;
	s2 =	sadd.s32 s19, s18  }
0x9c: {  	s6 =	simm.s32 $0x0;
	s20 =	sshll.u32 s4, $0x1;
	s4 =	sadd.s32 s21, s2  }
0x9d: {  	[timem:s6], [sflag:s22] =	dma.local [hbm:s4], s20  }
0x9e: {  	_ =	swait.ge [sflag:s22], s20  }
0x9f: {  	s3 =	ssub.s32 $0x0, s20;
	[sflag:s22] =	ssyncset.done $0x0  }
0xa0: {  	[sflag:s22] =	ssyncadd.s32 s3;
	_ =	sdelay $0x1  }
0xa1: {  	s23 =	simm.s32 $0x1B8B  }
0xa2: {  	_ =	swait.ge [sflag:s23], $0x1  }
0xa3: {  	[sflag:s23] =	ssyncset.done $0x0  }
0xa4: {  	s25 =	simm.s32 $0x1B8E;
	s24 =	sld [smem:$0x3FFE];
	[sflag:s23] =	ssyncadd.s32 $0xFFFFFFFF  }
0xa5: {  	s26 =	simm.s32 $execute0_lowered;
	[smem:$0x3FD2] =	sst s25  }
0xa6: {  	s4 =	sshll.u32 s26, $0x1;
	_ =	strace $0x80000049;
	[dreg:$0x1] =	wrdreg $0xFFFFFFFF  }
0xa7: {  	s28 =	simm.s32 $_size_execute0_lowered;
	s2 =	sadd.s32 s2, s4;
	[dreg:$0x0] =	wrdreg $0x0  }
0xa8: {  	s4 =	sshll.u32 s28, $0x1;
	[dreg:$0x2] =	wrdreg s2  }
0xa9: {  	[dreg:$0x3] =	wrdreg s4  }
0xaa: {  	[dreg:$0x4] =	wrdreg $0xC0  }
0xab: {  	_ =	task [dreg:s6], $0x5FFFF  }
0xac: {  	[dreg:$0x1] =	wrdreg $0xFFFFFFFF  }
0xad: {  	[dreg:$0x0] =	wrdreg $0x60  }
0xae: {  	[dreg:$0x2] =	wrdreg s24  }
0xaf: {  	[dreg:$0x3] =	wrdreg $0x90000  }
0xb0: {  	[dreg:$0x4] =	wrdreg $0x9  }
0xb1: {  	_ =	task.clear_ibuf [dreg:s6], $0x5FFFF;
	_ =	strace $0x90000049  }
0xb2: {  	s29 =	simm.s32 $0x9;
	_ =	strace $0x8000004B  }
0xb3: {  	_ =	swait.ge [sflag:s29], $0x1  }
0xb4: {  	[sflag:s29] =	ssyncadd.s32 $0xFFFFFFFF  }
0xb5: {  	_ =	strace $0x9000004B  }
0xb6: {  	_ =	sfence  }
0xb7: {  	s30 =	sld [smem:$0x0];
	_ =	sdelay $0x2  }
0xb8: {  	s31 =	sshll.u32 s1, $0xD;
	s1 =	sshrl.u32 s1, $0x2  }
0xb9: {  	s3 =	sand.u32 $0x4000, s31;
	s1 =	sadd.s32 s1, s30  }
0xba: {  	s0 =	sor.u32 s3, s0;
	s1 =	sshll.u32 s1, $0x11  }
0xbb: {  	s0 =	sor.u32 s1, s0  }
0xbc: {  	s0 =	sadd.s32 $0x8F2B, s0  }
0xbd: {  	[sflag:s0] =	ssyncadd.remote.s32 $0x1  }
0xbe: {  	_ =	sfence.sel $0xFFFF  }
0xbf: {  	[dreg:$0x0] =	wrdreg $0xFFFFFFFF;
	(pc) =	sbr.abs _section_cstart, $3  }
0xc0: {  	[dreg:$0x1] =	wrdreg $0xFFFFFFFF  }
0xc1: {  	_ =	task.clear_ibuf [dreg:s6], $0x2FFFF;
	_ =	strace $0x9FFFFFFF  }
0xc2: {  	(tm) =	ssettm $0x7FFFFFFF  }
0xc3: {  	_ =	shalt  }
tec
execute0_lowered:
.L_overlay_start_1:
0x0: {  	(tag) =	ssettag $0x1  }
0x1: {  	s6 =	rddreg [dreg:$0x0]  }
0x2: {  	s0 =	srdreg.scid;
	s2 =	rddreg [dreg:$0x1]  }
0x3: {  	s1 =	stileid.u32;
	s3 =	simm.s32 $0x0;
	s14 =	simm.s32 $0x2800  }
0x4: {  	s15 =	simm.s32 $0x7D;
	s16 =	simm.s32 $0x5000;
	s17 =	simm.s32 $0x1  }
0x5: {  	s20 =	simm.s32 $0x0;
	s7 =	sand.u32 $0x1, s0;
	s0 =	rddreg [dreg:$0x2]  }
0x6: {  	[smem:$0x7FF] =	sst s3;
	s9 =	smul.u32 $0x4F000, s1;
	s12 =	sadd.s32 $0x41A00, s6  }
0x7: {  	s26 =	smul.u32 $0x13C00, s1;
	s29 =	sshll.u32 s1, $0x6;
	p0 =	seq.s32 s1, $0xF  }
0x8: {  	s4 =	sshll.u32 s7, $0x4;
	_ =	strace $0x8000004A;
	s10 =	ssub.s32 $0x2, s7  }
0x9: {  	s11 =	smul.u32 $0x138800, s7;
	s4 =	sor.u32 s1, s4;
	s25 =	sshrl.u32 s10, $0x1  }
0xa: {  	s28 =	sshrl.u32 s9, $0x2;
	s5 =	smul.u32 $0x500, s4;
	s4 =	sadd.s32 $0x18000, s6  }
0xb: {  	s13 =	ssub.s32 s10, s25;
	s30 =	sadd.s32 s26, s11;
	s31 =	sshrl.u32 s11, $0x3  }
0xc: {  	s19 =	sadd.s32 s28, s2;
	s9 =	sshrl.u32 s30, $0x3;
	s10 =	sadd.s32 s12, s31  }
0xd: {  	s11 =	smax.u32 s13, $0x1;
	s13 =	simm.s32 $0x2;
	s18 =	sshrl.u32 @p0 s19, $0x3  }
0xe: {  	s8 =	sadd.s32 s5, s6;
	s5 =	sadd.s32 $0x3F200, s6;
	s6 =	sor.u32 $0x1C02, s29  }
0xf: {  	s9 =	sadd.s32 s12, s9;
	s10 =	sadd.s32 $0x25080, s10;
	s12 =	sshrl.u32 s19, $0x3  }
0x10: {  	s19 =	sshrl.u32 @!p0 s19, $0x3;
	s7 =	sadd.s32 $0xE000, s8;
	s8 =	sadd.s32 $0x4000, s8  }
.LBB2_1:
0x11: {  	[spmem:s12], [sflag:s6] =	dma.local [hbm:s5], $0x2780  }
0x12: {  	_ =	swait.ge [sflag:s13], $0x2780  }
0x13: {  	[sflag:s13] =	ssyncset.done $0x0  }
0x14: {  	[sflag:s13] =	ssyncadd.s32 $0xFFFFD880  }
0x15: {  	[tilespmem:s3], [sflag:$0x2] =	stream.linear.gather [hbm4b:s7+s3], $0x2800, $0x38;
	[tilespmem:$0x1CC00] =	vst v63  }
0x16: {  	_ =	swait.ge [sflag:s13], $0x2800  }
0x17: {  	[sflag:s13] =	ssyncset.done $0x0  }
0x18: {  	[sflag:s13] =	ssyncadd.s32 $0xFFFFD800  }
0x19: {  	[tilespmem:s14], [sflag:$0x2] =	stream.linear.gather [hbm4b:s8+s3], $0x2800, $0x38;
	[tilespmem:$0x1CC00] =	vst v63  }
0x1a: {  	_ =	swait.ge [sflag:s13], $0x2800  }
0x1b: {  	[sflag:s13] =	ssyncset.done $0x0  }
0x1c: {  	[sflag:s13] =	ssyncadd.s32 $0xFFFFD800  }
0x1d: {  	s21 =	simm.s32 $0x0;
	[bflag:$0x0] =	sbarrier.arrive $0xFFFF  }
0x1e: {  	[tilespmem:s16], [sflag:$0x1] =	stream.indirect.gather [hbm4b:s4+s15], $0x80, s21, s15, $0xb8;
	[tilespmem:$0x1CC00] =	vst v63  }
0x1f: {  	_ =	swait.ge [sflag:s17], $0x3E80  }
0x20: {  	[sflag:s17] =	ssyncset.done $0x0  }
0x21: {  	s24 =	simm.s32 $0x2800;
	[sflag:s17] =	ssyncadd.s32 $0xFFFFC180  }
0x22: {  	[spmem:s2] =	stream.indirect.scatter.add.f32 [tilespmem:s16], [sflag:$0x2], $0x80, s24, s15, $0xb8;
	[tilespmem:$0x1CC00] =	vst v63  }
0x23: {  	_ =	swait.ge [sflag:s13], $0x3E80  }
0x24: {  	[sflag:s13] =	ssyncset.done $0x0  }
0x25: {  	s25 =	simm.s32 $0x80;
	[sflag:s13] =	ssyncadd.s32 $0xFFFFC180  }
0x26: {  	[tilespmem:s16], [sflag:$0x1] =	stream.indirect.gather [hbm4b:s4+s15], $0x80, s25, s15, $0xb8;
	[tilespmem:$0x1CC00] =	vst v63  }
0x27: {  	_ =	swait.ge [sflag:s17], $0x3E80  }
0x28: {  	[sflag:s17] =	ssyncset.done $0x0  }
0x29: {  	s26 =	simm.s32 $0x2880;
	[sflag:s17] =	ssyncadd.s32 $0xFFFFC180  }
0x2a: {  	[spmem:s2] =	stream.indirect.scatter.add.f32 [tilespmem:s16], [sflag:$0x2], $0x80, s26, s15, $0xb8;
	[tilespmem:$0x1CC00] =	vst v63  }
0x2b: {  	_ =	swait.ge [sflag:s13], $0x3E80  }
0x2c: {  	[sflag:s13] =	ssyncset.done $0x0  }
0x2d: {  	s28 =	simm.s32 $0x100;
	[sflag:s13] =	ssyncadd.s32 $0xFFFFC180  }
0x2e: {  	[tilespmem:s16], [sflag:$0x1] =	stream.indirect.gather [hbm4b:s4+s15], $0x80, s28, s15, $0xb8;
	[tilespmem:$0x1CC00] =	vst v63  }
0x2f: {  	_ =	swait.ge [sflag:s17], $0x3E80  }
0x30: {  	[sflag:s17] =	ssyncset.done $0x0  }
0x31: {  	s29 =	simm.s32 $0x2900;
	[sflag:s17] =	ssyncadd.s32 $0xFFFFC180  }
0x32: {  	[spmem:s2] =	stream.indirect.scatter.add.f32 [tilespmem:s16], [sflag:$0x2], $0x80, s29, s15, $0xb8;
	[tilespmem:$0x1CC00] =	vst v63  }
0x33: {  	_ =	swait.ge [sflag:s13], $0x3E80  }
0x34: {  	[sflag:s13] =	ssyncset.done $0x0  }
0x35: {  	s30 =	simm.s32 $0x180;
	[sflag:s13] =	ssyncadd.s32 $0xFFFFC180  }
0x36: {  	[tilespmem:s16], [sflag:$0x1] =	stream.indirect.gather [hbm4b:s4+s15], $0x80, s30, s15, $0xb8;
	[tilespmem:$0x1CC00] =	vst v63  }
0x37: {  	_ =	swait.ge [sflag:s17], $0x3E80  }
0x38: {  	[sflag:s17] =	ssyncset.done $0x0  }
0x39: {  	s31 =	simm.s32 $0x2980;
	[sflag:s17] =	ssyncadd.s32 $0xFFFFC180  }
0x3a: {  	[spmem:s2] =	stream.indirect.scatter.add.f32 [tilespmem:s16], [sflag:$0x2], $0x80, s31, s15, $0xb8;
	[tilespmem:$0x1CC00] =	vst v63  }
0x3b: {  	_ =	swait.ge [sflag:s13], $0x3E80  }
0x3c: {  	s22 =	simm.s32 $0x800;
	s21 =	simm.s32 $0x4;
	[sflag:s13] =	ssyncset.done $0x0  }
.LBB2_2:
0x3d: {  	s21 =	sadd.s32 $0x4, s21;
	s23 =	sshra.s32 s22, $0x2;
	[sflag:s13] =	ssyncadd.s32 $0xFFFFC180  }
0x3e: {  	[tilespmem:s16], [sflag:$0x1] =	stream.indirect.gather [hbm4b:s4+s15], $0x80, s23, s15, $0xb8;
	[tilespmem:$0x1CC00] =	vst v63  }
0x3f: {  	p1 =	slt.u32 s21, $0x4C;
	_ =	swait.ge [sflag:s17], $0x3E80  }
0x40: {  	[sflag:s17] =	ssyncset.done $0x0  }
0x41: {  	s24 =	sadd.s32 $0x2800, s23;
	[sflag:s17] =	ssyncadd.s32 $0xFFFFC180  }
0x42: {  	[spmem:s2] =	stream.indirect.scatter.add.f32 [tilespmem:s16], [sflag:$0x2], $0x80, s24, s15, $0xb8;
	[tilespmem:$0x1CC00] =	vst v63  }
0x43: {  	_ =	swait.ge [sflag:s13], $0x3E80  }
0x44: {  	[sflag:s13] =	ssyncset.done $0x0  }
0x45: {  	s24 =	sadd.s32 $0x80, s23;
	[sflag:s13] =	ssyncadd.s32 $0xFFFFC180  }
0x46: {  	[tilespmem:s16], [sflag:$0x1] =	stream.indirect.gather [hbm4b:s4+s15], $0x80, s24, s15, $0xb8;
	[tilespmem:$0x1CC00] =	vst v63  }
0x47: {  	_ =	swait.ge [sflag:s17], $0x3E80  }
0x48: {  	[sflag:s17] =	ssyncset.done $0x0  }
0x49: {  	s24 =	sadd.s32 $0x2880, s23;
	[sflag:s17] =	ssyncadd.s32 $0xFFFFC180  }
0x4a: {  	[spmem:s2] =	stream.indirect.scatter.add.f32 [tilespmem:s16], [sflag:$0x2], $0x80, s24, s15, $0xb8;
	[tilespmem:$0x1CC00] =	vst v63  }
0x4b: {  	_ =	swait.ge [sflag:s13], $0x3E80  }
0x4c: {  	[sflag:s13] =	ssyncset.done $0x0  }
0x4d: {  	s24 =	sadd.s32 $0x100, s23;
	[sflag:s13] =	ssyncadd.s32 $0xFFFFC180  }
0x4e: {  	[tilespmem:s16], [sflag:$0x1] =	stream.indirect.gather [hbm4b:s4+s15], $0x80, s24, s15, $0xb8;
	[tilespmem:$0x1CC00] =	vst v63  }
0x4f: {  	_ =	swait.ge [sflag:s17], $0x3E80  }
0x50: {  	[sflag:s17] =	ssyncset.done $0x0  }
0x51: {  	s24 =	sadd.s32 $0x2900, s23;
	[sflag:s17] =	ssyncadd.s32 $0xFFFFC180  }
0x52: {  	[spmem:s2] =	stream.indirect.scatter.add.f32 [tilespmem:s16], [sflag:$0x2], $0x80, s24, s15, $0xb8;
	[tilespmem:$0x1CC00] =	vst v63  }
0x53: {  	_ =	swait.ge [sflag:s13], $0x3E80  }
0x54: {  	[sflag:s13] =	ssyncset.done $0x0  }
0x55: {  	s24 =	sadd.s32 $0x180, s23;
	[sflag:s13] =	ssyncadd.s32 $0xFFFFC180  }
0x56: {  	[tilespmem:s16], [sflag:$0x1] =	stream.indirect.gather [hbm4b:s4+s15], $0x80, s24, s15, $0xb8;
	[tilespmem:$0x1CC00] =	vst v63  }
0x57: {  	_ =	swait.ge [sflag:s17], $0x3E80  }
.Ltmp0:
0x58: {  	[sflag:s17] =	ssyncset.done $0x0;
	(pc) =	sbr.rel @p1 .LBB2_2-.Ltmp0, $4  }
0x59: {  	s23 =	sadd.s32 $0x2980, s23;
	[sflag:s17] =	ssyncadd.s32 $0xFFFFC180  }
0x5a: {  	[spmem:s2] =	stream.indirect.scatter.add.f32 [tilespmem:s16], [sflag:$0x2], $0x80, s23, s15, $0xb8;
	[tilespmem:$0x1CC00] =	vst v63  }
0x5b: {  	_ =	swait.ge [sflag:s13], $0x3E80  }
0x5c: {  	s22 =	sadd.s32 $0x800, s22;
	[sflag:s13] =	ssyncset.done $0x0  }
0x5d: {  	s21 =	sshra.s32 s22, $0x2;
	[sflag:s13] =	ssyncadd.s32 $0xFFFFC180  }
0x5e: {  	[tilespmem:s16], [sflag:$0x1] =	stream.indirect.gather [hbm4b:s4+s15], $0x80, s21, s15, $0xb8;
	[tilespmem:$0x1CC00] =	vst v63  }
0x5f: {  	_ =	swait.ge [sflag:s17], $0x3E80  }
0x60: {  	[sflag:s17] =	ssyncset.done $0x0  }
0x61: {  	s22 =	sadd.s32 $0x2800, s21;
	[sflag:s17] =	ssyncadd.s32 $0xFFFFC180  }
0x62: {  	[spmem:s2] =	stream.indirect.scatter.add.f32 [tilespmem:s16], [sflag:$0x2], $0x80, s22, s15, $0xb8;
	[tilespmem:$0x1CC00] =	vst v63  }
0x63: {  	_ =	swait.ge [sflag:s13], $0x3E80  }
0x64: {  	[sflag:s13] =	ssyncset.done $0x0  }
0x65: {  	s26 =	sadd.s32 $0x80, s21;
	[sflag:s13] =	ssyncadd.s32 $0xFFFFC180  }
0x66: {  	[tilespmem:s16], [sflag:$0x1] =	stream.indirect.gather [hbm4b:s4+s15], $0x80, s26, s15, $0xb8;
	[tilespmem:$0x1CC00] =	vst v63  }
0x67: {  	_ =	swait.ge [sflag:s17], $0x3E80  }
0x68: {  	[sflag:s17] =	ssyncset.done $0x0  }
0x69: {  	s28 =	sadd.s32 $0x2880, s21;
	[sflag:s17] =	ssyncadd.s32 $0xFFFFC180  }
0x6a: {  	[spmem:s2] =	stream.indirect.scatter.add.f32 [tilespmem:s16], [sflag:$0x2], $0x80, s28, s15, $0xb8;
	[tilespmem:$0x1CC00] =	vst v63  }
0x6b: {  	_ =	swait.ge [sflag:s13], $0x3E80  }
0x6c: {  	[sflag:s13] =	ssyncset.done $0x0  }
0x6d: {  	s29 =	sadd.s32 $0x100, s21;
	[sflag:s13] =	ssyncadd.s32 $0xFFFFC180  }
0x6e: {  	[tilespmem:s16], [sflag:$0x1] =	stream.indirect.gather [hbm4b:s4+s15], $0x80, s29, s15, $0xb8;
	[tilespmem:$0x1CC00] =	vst v63  }
0x6f: {  	_ =	swait.ge [sflag:s17], $0x3E80  }
0x70: {  	[sflag:s17] =	ssyncset.done $0x0  }
0x71: {  	s30 =	sadd.s32 $0x2900, s21;
	[sflag:s17] =	ssyncadd.s32 $0xFFFFC180  }
0x72: {  	[spmem:s2] =	stream.indirect.scatter.add.f32 [tilespmem:s16], [sflag:$0x2], $0x80, s30, s15, $0xb8;
	[tilespmem:$0x1CC00] =	vst v63  }
0x73: {  	_ =	swait.ge [sflag:s13], $0x3E80  }
0x74: {  	[sflag:s13] =	ssyncset.done $0x0  }
0x75: {  	s31 =	sadd.s32 $0x180, s21;
	[sflag:s13] =	ssyncadd.s32 $0xFFFFC180  }
0x76: {  	[tilespmem:s16], [sflag:$0x1] =	stream.indirect.gather [hbm4b:s4+s15], $0x80, s31, s15, $0xb8;
	[tilespmem:$0x1CC00] =	vst v63  }
0x77: {  	_ =	swait.ge [sflag:s17], $0x3E80  }
0x78: {  	[sflag:s17] =	ssyncset.done $0x0  }
0x79: {  	s21 =	sadd.s32 $0x2980, s21;
	[sflag:s17] =	ssyncadd.s32 $0xFFFFC180  }
0x7a: {  	[spmem:s2] =	stream.indirect.scatter.add.f32 [tilespmem:s16], [sflag:$0x2], $0x80, s21, s15, $0xb8;
	[tilespmem:$0x1CC00] =	vst v63  }
0x7b: {  	_ =	swait.ge [sflag:s13], $0x3E80  }
0x7c: {  	[sflag:s13] =	ssyncset.done $0x0  }
0x7d: {  	[sflag:s13] =	ssyncadd.s32 $0xFFFFC180  }
0x7e: {  	s21 =	simm.s32 @p0 $0x2;
	[bflag:$0x0] =	sbarrier.arrive $0xFFFF  }
0x7f: {  	[hbm:s10], [sflag:s6] =	dma.local @p0 [spmem:s18], $0x2080  }
0x80: {  	s20 =	sadd.s32 $0x1, s20;
	_ =	swait.ge @p0 [sflag:s21], $0x2080  }
0x81: {  	p1 =	sne.s32 s20, s11;
	[sflag:s21] =	ssyncset.done @p0 $0x0  }
.Ltmp1:
0x82: {  	[sflag:s21] =	ssyncadd.s32 @p0 $0xFFFFDF80;
	s21 =	simm.s32 @!p0 $0x2;
	(pc) =	sbr.rel @p1 .LBB2_1-.Ltmp1, $4  }
0x83: {  	[hbm:s9], [sflag:s6] =	dma.local @!p0 [spmem:s19], $0x2780  }
0x84: {  	_ =	swait.ge @!p0 [sflag:s21], $0x2780  }
0x85: {  	[sflag:s21] =	ssyncset.done @!p0 $0x0  }
0x86: {  	[sflag:s21] =	ssyncadd.s32 @!p0 $0xFFFFD880  }
0x87: {  	_ =	sfence.sel $0x180000  }
0x88: {  	[bflag:$0x0] =	sbarrier.arrive $0xFFFF  }
0x89: {  	p0 =	sne.s32 s1, $0x0;
	_ =	strace $0x9000004A  }
0x8a: {  	s0 =	sadd.s32 @!p0 $0x100000, s0;
	[bflag:$0x2] =	sbarrier.arrive $0xFFFF  }
0x8b: {  	[sflag:s0] =	ssyncadd.tile.s32 @!p0 $0x1;
	_ =	shalt  }
.Lfunc_end2:
_tile_overlayer_lowered:
.L_overlay_start_2:
0x8c: {  	(tag) =	ssettag $0x2  }
0x8d: {  	s0 =	rddreg [dreg:$0x0];
	s2 =	stileid.u32  }
0x8e: {  	s1 =	rddreg [dreg:$0x1];
	p0 =	sne.s32 s2, $0x0  }
0x8f: {  	s3 =	rddreg [dreg:$0x2];
	[bflag:$0x3] =	sbarrier.arrive $0xFFFF;
	s2 =	simm.s32 @!p0 $0x1C02  }
0x90: {  	[timem:s3], [sflag:s2] =	dma.local @!p0 [hbm:s0], s1  }
0x91: {  	s0 =	simm.s32 @!p0 $0x2  }
0x92: {  	_ =	swait.ge @!p0 [sflag:s0], s1  }
0x93: {  	s1 =	ssub.s32 @!p0 $0x0, s1;
	[sflag:s0] =	ssyncset.done @!p0 $0x0  }
0x94: {  	[sflag:s0] =	ssyncadd.s32 @!p0 s1  }
0x95: {  	[bflag:$0x3] =	sbarrier.arrive $0xFFFF  }
0x96: {  	_ =	shalt  }

// kernel: kernel.15.cloned.1.call-start
scs
__scs_entry_jumppad:
0x0: {  	(pc) =	sbr.rel $0x88, $3  }
0x1: {  	(tag) =	ssettag $0x0;
	lr =	simm.s32 $0x1  }
0x2: {  	[smem:$0x3F97] =	sst lr;
	_ =	strace $0xD0000000  }
0x3: {  	_ = 	snop  }
0x4: {  	_ = 	snop  }
0x5: {  	_ = 	snop  }
0x6: {  	_ = 	snop  }
0x7: {  	_ = 	snop  }
__scs_overlays_trampoline_lowered:
0x8: {  	[smem:$0x3FA6] =	sst s0  }
0x9: {  	[smem:$0x3FA7] =	sst s1  }
0xa: {  	[smem:$0x3FA8] =	sst s2  }
0xb: {  	[smem:$0x3FA9] =	sst s3  }
0xc: {  	[smem:$0x3FAA] =	sst s4  }
0xd: {  	[smem:$0x3FAB] =	sst s5  }
0xe: {  	[smem:$0x3FAC] =	sst s6  }
0xf: {  	[smem:$0x3FAD] =	sst s7  }
0x10: {  	[smem:$0x3FAE] =	sst s8  }
0x11: {  	[smem:$0x3FAF] =	sst s9;
	s0 =	simm.s32 @!p0 $0x0  }
0x12: {  	s1 =	sld [smem:$0x3F95];
	s0 =	simm.s32 @p0 $0x1  }
0x13: {  	[smem:$0x3FB0] =	sst s0;
	s0 =	simm.s32 @!p1 $0x0  }
0x14: {  	s2 =	sld [smem:$0x3F94];
	s0 =	simm.s32 @p1 $0x1  }
0x15: {  	[smem:$0x3FB1] =	sst s0;
	s0 =	simm.s32 @!p2 $0x0  }
0x16: {  	s3 =	sld [smem:$0x3FDB];
	s0 =	simm.s32 @p2 $0x1  }
0x17: {  	s4 =	simm.s32 $0x1BF5;
	[smem:$0x3FB3] =	sst s0  }
0x18: {  	s0 =	sld [smem:$0x3F96];
	_ =	swait.ge [sflag:s4], $0x0  }
0x19: {  	s7 =	sld [smem:$0x3F97]  }
0x1a: {  	s8 =	sadd.s32 $0xFFFFE003, lr  }
0x1b: {  	s9 =	sadd.s32 $0xFFFFFEF7, lr;
	s5 =	simm.s32 $0xFFFFFFFF;
	p2 =	slt.u32 s8, $0xFFFFF086  }
0x1c: {  	p1 =	slt.u32 s9, $0xF7A;
	s5 =	simm.s32 @!p2 $0x0  }
0x1d: {  	s5 =	simm.s32 @p1 $0x1;
	p0 =	seq.s32 s7, s2  }
0x1e: {  	s7 =	smul.u32 @!p0 $0xF7A, s2;
	p2 =	seq.s32 @!p0 s5, $0x0  }
0x1f: {  	s9 =	smul.u32 $0xF7A, s1;
	s8 =	simm.s32 @!p0 $0x1BF5;
	p2 =	por !p2, p0  }
0x20: {  	[sflag:s8] =	ssyncset.s32 @!p0 $0xFFFFF086;
	s6 =	sadd.s32 @!p0 s3, s7;
	s7 =	simm.s32 @!p0 $0x108  }
0x21: {  	s3 =	sadd.s32 s3, s9;
	s6 =	sadd.s32 @!p0 $0x88, s6;
	s7 =	simm.s32 @p2 $0x1082  }
0x22: {  	[simem:s7], [sflag:s8] =	dma.local @!p0 [hbm:s6], $0xF7A  }
0x23: {  	s9 =	sor.u32 $0xD0000000, s2;
	s6 =	simm.s32 $0x108;
	_ =	swait.ge @!p0 [sflag:s8], $0x0  }
0x24: {  	s3 =	sadd.s32 $0x88, s3;
	s6 =	simm.s32 @!p1 $0x1082;
	[sflag:s4] =	ssyncset.s32 $0xFFFFF086  }
0x25: {  	[simem:s6], [sflag:s4] =	dma.local [hbm:s3], $0xF7A  }
0x26: {  	[smem:$0x3F97] =	sst s1;
	(tag) =	ssettag s2;
	_ =	strace s9  }
0x27: {  	s1 =	sld [smem:$0x3FA7]  }
0x28: {  	s2 =	sld [smem:$0x3FA8]  }
0x29: {  	s4 =	sld [smem:$0x3FAA]  }
0x2a: {  	p0 =	seq.s32 s5, $0x0;
	s5 =	sld [smem:$0x3FAB]  }
0x2b: {  	s6 =	sld [smem:$0x3FAC]  }
0x2c: {  	s7 =	sld [smem:$0x3FAD]  }
0x2d: {  	s3 =	simm.s32 $0x108;
	s8 =	sld [smem:$0x3FAE]  }
0x2e: {  	s3 =	simm.s32 @!p0 $0x1082;
	s9 =	sld [smem:$0x3FAF]  }
0x2f: {  	lr =	sadd.s32 s0, s3;
	s0 =	sld [smem:$0x3FA6]  }
0x30: {  	s3 =	sld [smem:$0x3FA9]  }
0x31: {  	[smem:$0x3FB2] =	sst s10  }
0x32: {  	s10 =	sld [smem:$0x3FB0];
	_ =	sdelay $0x3  }
0x33: {  	p0 =	seq.s32 s10, $0x1;
	s10 =	sld [smem:$0x3FB2];
	_ =	sdelay $0x3  }
0x34: {  	[smem:$0x3FB2] =	sst s10  }
0x35: {  	s10 =	sld [smem:$0x3FB1];
	_ =	sdelay $0x3  }
0x36: {  	p1 =	seq.s32 s10, $0x1;
	s10 =	sld [smem:$0x3FB2];
	_ =	sdelay $0x3  }
0x37: {  	[smem:$0x3FB2] =	sst s10  }
0x38: {  	s10 =	sld [smem:$0x3FB3]  }
0x39: {  	_ = 	snop;
	(pc) =	sbr.ind lr, $3  }
0x3a: {  	_ = 	snop  }
0x3b: {  	_ = 	snop  }
0x3c: {  	p2 =	seq.s32 s10, $0x1;
	s10 =	sld [smem:$0x3FB2]  }
0x3d: {  	_ =	shalt  }
0x3e: {  	_ =	shalt  }
0x3f: {  	_ =	shalt  }
0x40: {  	_ =	shalt  }
0x41: {  	_ =	shalt  }
0x42: {  	_ =	shalt  }
0x43: {  	_ =	shalt  }
0x44: {  	_ =	shalt  }
0x45: {  	_ =	shalt  }
0x46: {  	_ =	shalt  }
0x47: {  	_ =	shalt  }
0x48: {  	_ =	shalt  }
0x49: {  	_ =	shalt  }
0x4a: {  	_ =	shalt  }
0x4b: {  	_ =	shalt  }
0x4c: {  	_ =	shalt  }
0x4d: {  	_ =	shalt  }
0x4e: {  	_ =	shalt  }
0x4f: {  	_ =	shalt  }
0x50: {  	_ =	shalt  }
0x51: {  	_ =	shalt  }
0x52: {  	_ =	shalt  }
0x53: {  	_ =	shalt  }
0x54: {  	_ =	shalt  }
0x55: {  	_ =	shalt  }
0x56: {  	_ =	shalt  }
0x57: {  	_ =	shalt  }
0x58: {  	_ =	shalt  }
0x59: {  	_ =	shalt  }
0x5a: {  	_ =	shalt  }
0x5b: {  	_ =	shalt  }
0x5c: {  	_ =	shalt  }
0x5d: {  	_ =	shalt  }
0x5e: {  	_ =	shalt  }
0x5f: {  	_ =	shalt  }
0x60: {  	_ =	shalt  }
0x61: {  	_ =	shalt  }
0x62: {  	_ =	shalt  }
0x63: {  	_ =	shalt  }
0x64: {  	_ =	shalt  }
0x65: {  	_ =	shalt  }
0x66: {  	_ =	shalt  }
0x67: {  	_ =	shalt  }
0x68: {  	_ =	shalt  }
0x69: {  	_ =	shalt  }
0x6a: {  	_ =	shalt  }
0x6b: {  	_ =	shalt  }
0x6c: {  	_ =	shalt  }
0x6d: {  	_ =	shalt  }
0x6e: {  	_ =	shalt  }
0x6f: {  	_ =	shalt  }
0x70: {  	_ =	shalt  }
0x71: {  	_ =	shalt  }
0x72: {  	_ =	shalt  }
0x73: {  	_ =	shalt  }
0x74: {  	_ =	shalt  }
0x75: {  	_ =	shalt  }
0x76: {  	_ =	shalt  }
0x77: {  	_ =	shalt  }
0x78: {  	_ =	shalt  }
0x79: {  	_ =	shalt  }
0x7a: {  	_ =	shalt  }
0x7b: {  	_ =	shalt  }
0x7c: {  	_ =	shalt  }
0x7d: {  	_ =	shalt  }
0x7e: {  	_ =	shalt  }
0x7f: {  	_ =	shalt  }
0x80: {  	_ =	shalt  }
0x81: {  	_ =	shalt  }
0x82: {  	_ =	shalt  }
0x83: {  	_ =	shalt  }
0x84: {  	_ =	shalt  }
0x85: {  	_ =	shalt  }
0x86: {  	_ =	shalt  }
0x87: {  	_ =	shalt  }
.Lfunc_end0:
.L_simem_size_0:
called_computation.2_lowered:
.L_overlay_start_0:
0x88: {  	s2 =	sld [smem:$0x3FD9]  }
0x89: {  	s3 =	sld [smem:$0x3FFE];
	_ =	sdelay $0x1  }
0x8a: {  	s1 =	srdreg.scid  }
0x8b: {  	s0 =	sand.u32 $0x1, s1  }
0x8c: {  	s16 =	sshll.u32 s0, $0xA;
	s2 =	sadd.s32 s3, s2  }
0x8d: {  	s2 =	sadd.s32 s2, s16  }
0x8e: {  	[smem:$0x3FBE] =	sst s2  }
0x8f: {  	_ = 	snop  }
0x90: {  	(tm) =	ssettm $0x1  }
0x91: {  	s17 =	sld [smem:$0x3FFB];
	_ =	sdelay $0x3  }
0x92: {  	_ =	strace s17  }
0x93: {  	s2 =	sld [smem:$0x3FFC];
	_ =	sdelay $0x3  }
0x94: {  	_ =	strace s2  }
0x95: {  	s2 =	sld [smem:$0x3FFD];
	_ =	sdelay $0x3  }
0x96: {  	_ =	strace s2  }
0x97: {  	_ =	strace $0x8FFFFFFF  }
0x98: {  	s18 =	sld [smem:$0x3FDB];
	_ =	sdelay $0x1  }
0x99: {  	s19 =	simm.s32 $_scs_section_size  }
0x9a: {  	s4 =	simm.s32 $_size__tile_overlayer_lowered;
	s5 =	simm.s32 $_tile_overlayer_lowered  }
0x9b: {  	s22 =	simm.s32 $0x1BFF;
	s21 =	sshll.u32 s5, $0x1;
	s2 =	sadd.s32 s19, s18  }
0x9c: {  	s6 =	simm.s32 $0x0;
	s20 =	sshll.u32 s4, $0x1;
	s4 =	sadd.s32 s21, s2  }
0x9d: {  	[timem:s6], [sflag:s22] =	dma.local [hbm:s4], s20  }
0x9e: {  	_ =	swait.ge [sflag:s22], s20  }
0x9f: {  	s3 =	ssub.s32 $0x0, s20;
	[sflag:s22] =	ssyncset.done $0x0  }
0xa0: {  	[sflag:s22] =	ssyncadd.s32 s3;
	_ =	sdelay $0x1  }
0xa1: {  	s23 =	simm.s32 $0x1B8B  }
0xa2: {  	_ =	swait.ge [sflag:s23], $0x1  }
0xa3: {  	[sflag:s23] =	ssyncset.done $0x0  }
0xa4: {  	s25 =	simm.s32 $0x1B8E;
	s24 =	sld [smem:$0x3FFE];
	[sflag:s23] =	ssyncadd.s32 $0xFFFFFFFF  }
0xa5: {  	s26 =	simm.s32 $execute0_lowered;
	[smem:$0x3FD2] =	sst s25  }
0xa6: {  	s4 =	sshll.u32 s26, $0x1;
	_ =	strace $0x8000004C;
	[dreg:$0x1] =	wrdreg $0xFFFFFFFF  }
0xa7: {  	s28 =	simm.s32 $_size_execute0_lowered;
	s2 =	sadd.s32 s2, s4;
	[dreg:$0x0] =	wrdreg $0x0  }
0xa8: {  	s4 =	sshll.u32 s28, $0x1;
	[dreg:$0x2] =	wrdreg s2  }
0xa9: {  	[dreg:$0x3] =	wrdreg s4  }
0xaa: {  	[dreg:$0x4] =	wrdreg $0xC0  }
0xab: {  	_ =	task [dreg:s6], $0x5FFFF  }
0xac: {  	[dreg:$0x1] =	wrdreg $0xFFFFFFFF  }
0xad: {  	[dreg:$0x0] =	wrdreg $0x60  }
0xae: {  	[dreg:$0x2] =	wrdreg s24  }
0xaf: {  	[dreg:$0x3] =	wrdreg $0x90000  }
0xb0: {  	[dreg:$0x4] =	wrdreg $0x9  }
0xb1: {  	_ =	task.clear_ibuf [dreg:s6], $0x5FFFF;
	_ =	strace $0x9000004C  }
0xb2: {  	s29 =	simm.s32 $0x9;
	_ =	strace $0x8000004E  }
0xb3: {  	_ =	swait.ge [sflag:s29], $0x1  }
0xb4: {  	[sflag:s29] =	ssyncadd.s32 $0xFFFFFFFF  }
0xb5: {  	_ =	strace $0x9000004E  }
0xb6: {  	_ =	sfence  }
0xb7: {  	s30 =	sld [smem:$0x0];
	_ =	sdelay $0x2  }
0xb8: {  	s31 =	sshll.u32 s1, $0xD;
	s1 =	sshrl.u32 s1, $0x2  }
0xb9: {  	s3 =	sand.u32 $0x4000, s31;
	s1 =	sadd.s32 s1, s30  }
0xba: {  	s0 =	sor.u32 s3, s0;
	s1 =	sshll.u32 s1, $0x11  }
0xbb: {  	s0 =	sor.u32 s1, s0  }
0xbc: {  	s0 =	sadd.s32 $0x8F2B, s0  }
0xbd: {  	[sflag:s0] =	ssyncadd.remote.s32 $0x1  }
0xbe: {  	_ =	sfence.sel $0xFFFF  }
0xbf: {  	[dreg:$0x0] =	wrdreg $0xFFFFFFFF;
	(pc) =	sbr.abs _section_cstart, $3  }
0xc0: {  	[dreg:$0x1] =	wrdreg $0xFFFFFFFF  }
0xc1: {  	_ =	task.clear_ibuf [dreg:s6], $0x2FFFF;
	_ =	strace $0x9FFFFFFF  }
0xc2: {  	(tm) =	ssettm $0x7FFFFFFF  }
0xc3: {  	_ =	shalt  }
tec
execute0_lowered:
.L_overlay_start_1:
0x0: {  	(tag) =	ssettag $0x1  }
0x1: {  	s6 =	rddreg [dreg:$0x0]  }
0x2: {  	s0 =	srdreg.scid;
	s2 =	rddreg [dreg:$0x1]  }
0x3: {  	s1 =	stileid.u32;
	s3 =	simm.s32 $0x0;
	s14 =	simm.s32 $0x2800  }
0x4: {  	s15 =	simm.s32 $0x7D;
	s16 =	simm.s32 $0x5000;
	s17 =	simm.s32 $0x1  }
0x5: {  	s20 =	simm.s32 $0x0;
	s7 =	sand.u32 $0x1, s0;
	s0 =	rddreg [dreg:$0x2]  }
0x6: {  	[smem:$0x7FF] =	sst s3;
	s9 =	smul.u32 $0x4F000, s1;
	s12 =	sadd.s32 $0x41A00, s6  }
0x7: {  	s26 =	smul.u32 $0x13C00, s1;
	s29 =	sshll.u32 s1, $0x6;
	p0 =	seq.s32 s1, $0xF  }
0x8: {  	s4 =	sshll.u32 s7, $0x4;
	_ =	strace $0x8000004D;
	s10 =	ssub.s32 $0x2, s7  }
0x9: {  	s11 =	smul.u32 $0x138800, s7;
	s4 =	sor.u32 s1, s4;
	s25 =	sshrl.u32 s10, $0x1  }
0xa: {  	s28 =	sshrl.u32 s9, $0x2;
	s5 =	smul.u32 $0x500, s4;
	s4 =	sadd.s32 $0x18000, s6  }
0xb: {  	s13 =	ssub.s32 s10, s25;
	s30 =	sadd.s32 s26, s11;
	s31 =	sshrl.u32 s11, $0x3  }
0xc: {  	s19 =	sadd.s32 s28, s2;
	s9 =	sshrl.u32 s30, $0x3;
	s10 =	sadd.s32 s12, s31  }
0xd: {  	s11 =	smax.u32 s13, $0x1;
	s13 =	simm.s32 $0x2;
	s18 =	sshrl.u32 @p0 s19, $0x3  }
0xe: {  	s8 =	sadd.s32 s5, s6;
	s5 =	sadd.s32 $0x3F200, s6;
	s6 =	sor.u32 $0x1C02, s29  }
0xf: {  	s9 =	sadd.s32 s12, s9;
	s10 =	sadd.s32 $0x25080, s10;
	s12 =	sshrl.u32 s19, $0x3  }
0x10: {  	s19 =	sshrl.u32 @!p0 s19, $0x3;
	s7 =	sadd.s32 $0xE000, s8;
	s8 =	sadd.s32 $0x4000, s8  }
.LBB2_1:
0x11: {  	[spmem:s12], [sflag:s6] =	dma.local [hbm:s5], $0x2780  }
0x12: {  	_ =	swait.ge [sflag:s13], $0x2780  }
0x13: {  	[sflag:s13] =	ssyncset.done $0x0  }
0x14: {  	[sflag:s13] =	ssyncadd.s32 $0xFFFFD880  }
0x15: {  	[tilespmem:s3], [sflag:$0x2] =	stream.linear.gather [hbm4b:s7+s3], $0x2800, $0x38;
	[tilespmem:$0x1CC00] =	vst v63  }
0x16: {  	_ =	swait.ge [sflag:s13], $0x2800  }
0x17: {  	[sflag:s13] =	ssyncset.done $0x0  }
0x18: {  	[sflag:s13] =	ssyncadd.s32 $0xFFFFD800  }
0x19: {  	[tilespmem:s14], [sflag:$0x2] =	stream.linear.gather [hbm4b:s8+s3], $0x2800, $0x38;
	[tilespmem:$0x1CC00] =	vst v63  }
0x1a: {  	_ =	swait.ge [sflag:s13], $0x2800  }
0x1b: {  	[sflag:s13] =	ssyncset.done $0x0  }
0x1c: {  	[sflag:s13] =	ssyncadd.s32 $0xFFFFD800  }
0x1d: {  	s21 =	simm.s32 $0x0;
	[bflag:$0x0] =	sbarrier.arrive $0xFFFF  }
0x1e: {  	[tilespmem:s16], [sflag:$0x1] =	stream.indirect.gather [hbm4b:s4+s15], $0x80, s21, s15, $0xb8;
	[tilespmem:$0x1CC00] =	vst v63  }
0x1f: {  	_ =	swait.ge [sflag:s17], $0x3E80  }
0x20: {  	[sflag:s17] =	ssyncset.done $0x0  }
0x21: {  	s24 =	simm.s32 $0x2800;
	[sflag:s17] =	ssyncadd.s32 $0xFFFFC180  }
0x22: {  	[spmem:s2] =	stream.indirect.scatter.add.f32 [tilespmem:s16], [sflag:$0x2], $0x80, s24, s15, $0xb8;
	[tilespmem:$0x1CC00] =	vst v63  }
0x23: {  	_ =	swait.ge [sflag:s13], $0x3E80  }
0x24: {  	[sflag:s13] =	ssyncset.done $0x0  }
0x25: {  	s25 =	simm.s32 $0x80;
	[sflag:s13] =	ssyncadd.s32 $0xFFFFC180  }
0x26: {  	[tilespmem:s16], [sflag:$0x1] =	stream.indirect.gather [hbm4b:s4+s15], $0x80, s25, s15, $0xb8;
	[tilespmem:$0x1CC00] =	vst v63  }
0x27: {  	_ =	swait.ge [sflag:s17], $0x3E80  }
0x28: {  	[sflag:s17] =	ssyncset.done $0x0  }
0x29: {  	s26 =	simm.s32 $0x2880;
	[sflag:s17] =	ssyncadd.s32 $0xFFFFC180  }
0x2a: {  	[spmem:s2] =	stream.indirect.scatter.add.f32 [tilespmem:s16], [sflag:$0x2], $0x80, s26, s15, $0xb8;
	[tilespmem:$0x1CC00] =	vst v63  }
0x2b: {  	_ =	swait.ge [sflag:s13], $0x3E80  }
0x2c: {  	[sflag:s13] =	ssyncset.done $0x0  }
0x2d: {  	s28 =	simm.s32 $0x100;
	[sflag:s13] =	ssyncadd.s32 $0xFFFFC180  }
0x2e: {  	[tilespmem:s16], [sflag:$0x1] =	stream.indirect.gather [hbm4b:s4+s15], $0x80, s28, s15, $0xb8;
	[tilespmem:$0x1CC00] =	vst v63  }
0x2f: {  	_ =	swait.ge [sflag:s17], $0x3E80  }
0x30: {  	[sflag:s17] =	ssyncset.done $0x0  }
0x31: {  	s29 =	simm.s32 $0x2900;
	[sflag:s17] =	ssyncadd.s32 $0xFFFFC180  }
0x32: {  	[spmem:s2] =	stream.indirect.scatter.add.f32 [tilespmem:s16], [sflag:$0x2], $0x80, s29, s15, $0xb8;
	[tilespmem:$0x1CC00] =	vst v63  }
0x33: {  	_ =	swait.ge [sflag:s13], $0x3E80  }
0x34: {  	[sflag:s13] =	ssyncset.done $0x0  }
0x35: {  	s30 =	simm.s32 $0x180;
	[sflag:s13] =	ssyncadd.s32 $0xFFFFC180  }
0x36: {  	[tilespmem:s16], [sflag:$0x1] =	stream.indirect.gather [hbm4b:s4+s15], $0x80, s30, s15, $0xb8;
	[tilespmem:$0x1CC00] =	vst v63  }
0x37: {  	_ =	swait.ge [sflag:s17], $0x3E80  }
0x38: {  	[sflag:s17] =	ssyncset.done $0x0  }
0x39: {  	s31 =	simm.s32 $0x2980;
	[sflag:s17] =	ssyncadd.s32 $0xFFFFC180  }
0x3a: {  	[spmem:s2] =	stream.indirect.scatter.add.f32 [tilespmem:s16], [sflag:$0x2], $0x80, s31, s15, $0xb8;
	[tilespmem:$0x1CC00] =	vst v63  }
0x3b: {  	_ =	swait.ge [sflag:s13], $0x3E80  }
0x3c: {  	s22 =	simm.s32 $0x800;
	s21 =	simm.s32 $0x4;
	[sflag:s13] =	ssyncset.done $0x0  }
.LBB2_2:
0x3d: {  	s21 =	sadd.s32 $0x4, s21;
	s23 =	sshra.s32 s22, $0x2;
	[sflag:s13] =	ssyncadd.s32 $0xFFFFC180  }
0x3e: {  	[tilespmem:s16], [sflag:$0x1] =	stream.indirect.gather [hbm4b:s4+s15], $0x80, s23, s15, $0xb8;
	[tilespmem:$0x1CC00] =	vst v63  }
0x3f: {  	p1 =	slt.u32 s21, $0x4C;
	_ =	swait.ge [sflag:s17], $0x3E80  }
0x40: {  	[sflag:s17] =	ssyncset.done $0x0  }
0x41: {  	s24 =	sadd.s32 $0x2800, s23;
	[sflag:s17] =	ssyncadd.s32 $0xFFFFC180  }
0x42: {  	[spmem:s2] =	stream.indirect.scatter.add.f32 [tilespmem:s16], [sflag:$0x2], $0x80, s24, s15, $0xb8;
	[tilespmem:$0x1CC00] =	vst v63  }
0x43: {  	_ =	swait.ge [sflag:s13], $0x3E80  }
0x44: {  	[sflag:s13] =	ssyncset.done $0x0  }
0x45: {  	s24 =	sadd.s32 $0x80, s23;
	[sflag:s13] =	ssyncadd.s32 $0xFFFFC180  }
0x46: {  	[tilespmem:s16], [sflag:$0x1] =	stream.indirect.gather [hbm4b:s4+s15], $0x80, s24, s15, $0xb8;
	[tilespmem:$0x1CC00] =	vst v63  }
0x47: {  	_ =	swait.ge [sflag:s17], $0x3E80  }
0x48: {  	[sflag:s17] =	ssyncset.done $0x0  }
0x49: {  	s24 =	sadd.s32 $0x2880, s23;
	[sflag:s17] =	ssyncadd.s32 $0xFFFFC180  }
0x4a: {  	[spmem:s2] =	stream.indirect.scatter.add.f32 [tilespmem:s16], [sflag:$0x2], $0x80, s24, s15, $0xb8;
	[tilespmem:$0x1CC00] =	vst v63  }
0x4b: {  	_ =	swait.ge [sflag:s13], $0x3E80  }
0x4c: {  	[sflag:s13] =	ssyncset.done $0x0  }
0x4d: {  	s24 =	sadd.s32 $0x100, s23;
	[sflag:s13] =	ssyncadd.s32 $0xFFFFC180  }
0x4e: {  	[tilespmem:s16], [sflag:$0x1] =	stream.indirect.gather [hbm4b:s4+s15], $0x80, s24, s15, $0xb8;
	[tilespmem:$0x1CC00] =	vst v63  }
0x4f: {  	_ =	swait.ge [sflag:s17], $0x3E80  }
0x50: {  	[sflag:s17] =	ssyncset.done $0x0  }
0x51: {  	s24 =	sadd.s32 $0x2900, s23;
	[sflag:s17] =	ssyncadd.s32 $0xFFFFC180  }
0x52: {  	[spmem:s2] =	stream.indirect.scatter.add.f32 [tilespmem:s16], [sflag:$0x2], $0x80, s24, s15, $0xb8;
	[tilespmem:$0x1CC00] =	vst v63  }
0x53: {  	_ =	swait.ge [sflag:s13], $0x3E80  }
0x54: {  	[sflag:s13] =	ssyncset.done $0x0  }
0x55: {  	s24 =	sadd.s32 $0x180, s23;
	[sflag:s13] =	ssyncadd.s32 $0xFFFFC180  }
0x56: {  	[tilespmem:s16], [sflag:$0x1] =	stream.indirect.gather [hbm4b:s4+s15], $0x80, s24, s15, $0xb8;
	[tilespmem:$0x1CC00] =	vst v63  }
0x57: {  	_ =	swait.ge [sflag:s17], $0x3E80  }
.Ltmp0:
0x58: {  	[sflag:s17] =	ssyncset.done $0x0;
	(pc) =	sbr.rel @p1 .LBB2_2-.Ltmp0, $4  }
0x59: {  	s23 =	sadd.s32 $0x2980, s23;
	[sflag:s17] =	ssyncadd.s32 $0xFFFFC180  }
0x5a: {  	[spmem:s2] =	stream.indirect.scatter.add.f32 [tilespmem:s16], [sflag:$0x2], $0x80, s23, s15, $0xb8;
	[tilespmem:$0x1CC00] =	vst v63  }
0x5b: {  	_ =	swait.ge [sflag:s13], $0x3E80  }
0x5c: {  	s22 =	sadd.s32 $0x800, s22;
	[sflag:s13] =	ssyncset.done $0x0  }
0x5d: {  	s21 =	sshra.s32 s22, $0x2;
	[sflag:s13] =	ssyncadd.s32 $0xFFFFC180  }
0x5e: {  	[tilespmem:s16], [sflag:$0x1] =	stream.indirect.gather [hbm4b:s4+s15], $0x80, s21, s15, $0xb8;
	[tilespmem:$0x1CC00] =	vst v63  }
0x5f: {  	_ =	swait.ge [sflag:s17], $0x3E80  }
0x60: {  	[sflag:s17] =	ssyncset.done $0x0  }
0x61: {  	s22 =	sadd.s32 $0x2800, s21;
	[sflag:s17] =	ssyncadd.s32 $0xFFFFC180  }
0x62: {  	[spmem:s2] =	stream.indirect.scatter.add.f32 [tilespmem:s16], [sflag:$0x2], $0x80, s22, s15, $0xb8;
	[tilespmem:$0x1CC00] =	vst v63  }
0x63: {  	_ =	swait.ge [sflag:s13], $0x3E80  }
0x64: {  	[sflag:s13] =	ssyncset.done $0x0  }
0x65: {  	s26 =	sadd.s32 $0x80, s21;
	[sflag:s13] =	ssyncadd.s32 $0xFFFFC180  }
0x66: {  	[tilespmem:s16], [sflag:$0x1] =	stream.indirect.gather [hbm4b:s4+s15], $0x80, s26, s15, $0xb8;
	[tilespmem:$0x1CC00] =	vst v63  }
0x67: {  	_ =	swait.ge [sflag:s17], $0x3E80  }
0x68: {  	[sflag:s17] =	ssyncset.done $0x0  }
0x69: {  	s28 =	sadd.s32 $0x2880, s21;
	[sflag:s17] =	ssyncadd.s32 $0xFFFFC180  }
0x6a: {  	[spmem:s2] =	stream.indirect.scatter.add.f32 [tilespmem:s16], [sflag:$0x2], $0x80, s28, s15, $0xb8;
	[tilespmem:$0x1CC00] =	vst v63  }
0x6b: {  	_ =	swait.ge [sflag:s13], $0x3E80  }
0x6c: {  	[sflag:s13] =	ssyncset.done $0x0  }
0x6d: {  	s29 =	sadd.s32 $0x100, s21;
	[sflag:s13] =	ssyncadd.s32 $0xFFFFC180  }
0x6e: {  	[tilespmem:s16], [sflag:$0x1] =	stream.indirect.gather [hbm4b:s4+s15], $0x80, s29, s15, $0xb8;
	[tilespmem:$0x1CC00] =	vst v63  }
0x6f: {  	_ =	swait.ge [sflag:s17], $0x3E80  }
0x70: {  	[sflag:s17] =	ssyncset.done $0x0  }
0x71: {  	s30 =	sadd.s32 $0x2900, s21;
	[sflag:s17] =	ssyncadd.s32 $0xFFFFC180  }
0x72: {  	[spmem:s2] =	stream.indirect.scatter.add.f32 [tilespmem:s16], [sflag:$0x2], $0x80, s30, s15, $0xb8;
	[tilespmem:$0x1CC00] =	vst v63  }
0x73: {  	_ =	swait.ge [sflag:s13], $0x3E80  }
0x74: {  	[sflag:s13] =	ssyncset.done $0x0  }
0x75: {  	s31 =	sadd.s32 $0x180, s21;
	[sflag:s13] =	ssyncadd.s32 $0xFFFFC180  }
0x76: {  	[tilespmem:s16], [sflag:$0x1] =	stream.indirect.gather [hbm4b:s4+s15], $0x80, s31, s15, $0xb8;
	[tilespmem:$0x1CC00] =	vst v63  }
0x77: {  	_ =	swait.ge [sflag:s17], $0x3E80  }
0x78: {  	[sflag:s17] =	ssyncset.done $0x0  }
0x79: {  	s21 =	sadd.s32 $0x2980, s21;
	[sflag:s17] =	ssyncadd.s32 $0xFFFFC180  }
0x7a: {  	[spmem:s2] =	stream.indirect.scatter.add.f32 [tilespmem:s16], [sflag:$0x2], $0x80, s21, s15, $0xb8;
	[tilespmem:$0x1CC00] =	vst v63  }
0x7b: {  	_ =	swait.ge [sflag:s13], $0x3E80  }
0x7c: {  	[sflag:s13] =	ssyncset.done $0x0  }
0x7d: {  	[sflag:s13] =	ssyncadd.s32 $0xFFFFC180  }
0x7e: {  	s21 =	simm.s32 @p0 $0x2;
	[bflag:$0x0] =	sbarrier.arrive $0xFFFF  }
0x7f: {  	[hbm:s10], [sflag:s6] =	dma.local @p0 [spmem:s18], $0x2080  }
0x80: {  	s20 =	sadd.s32 $0x1, s20;
	_ =	swait.ge @p0 [sflag:s21], $0x2080  }
0x81: {  	p1 =	sne.s32 s20, s11;
	[sflag:s21] =	ssyncset.done @p0 $0x0  }
.Ltmp1:
0x82: {  	[sflag:s21] =	ssyncadd.s32 @p0 $0xFFFFDF80;
	s21 =	simm.s32 @!p0 $0x2;
	(pc) =	sbr.rel @p1 .LBB2_1-.Ltmp1, $4  }
0x83: {  	[hbm:s9], [sflag:s6] =	dma.local @!p0 [spmem:s19], $0x2780  }
0x84: {  	_ =	swait.ge @!p0 [sflag:s21], $0x2780  }
0x85: {  	[sflag:s21] =	ssyncset.done @!p0 $0x0  }
0x86: {  	[sflag:s21] =	ssyncadd.s32 @!p0 $0xFFFFD880  }
0x87: {  	_ =	sfence.sel $0x180000  }
0x88: {  	[bflag:$0x0] =	sbarrier.arrive $0xFFFF  }
0x89: {  	p0 =	sne.s32 s1, $0x0;
	_ =	strace $0x9000004D  }
0x8a: {  	s0 =	sadd.s32 @!p0 $0x100000, s0;
	[bflag:$0x2] =	sbarrier.arrive $0xFFFF  }
0x8b: {  	[sflag:s0] =	ssyncadd.tile.s32 @!p0 $0x1;
	_ =	shalt  }
.Lfunc_end2:
_tile_overlayer_lowered:
.L_overlay_start_2:
0x8c: {  	(tag) =	ssettag $0x2  }
0x8d: {  	s0 =	rddreg [dreg:$0x0];
	s2 =	stileid.u32  }
0x8e: {  	s1 =	rddreg [dreg:$0x1];
	p0 =	sne.s32 s2, $0x0  }
0x8f: {  	s3 =	rddreg [dreg:$0x2];
	[bflag:$0x3] =	sbarrier.arrive $0xFFFF;
	s2 =	simm.s32 @!p0 $0x1C02  }
0x90: {  	[timem:s3], [sflag:s2] =	dma.local @!p0 [hbm:s0], s1  }
0x91: {  	s0 =	simm.s32 @!p0 $0x2  }
0x92: {  	_ =	swait.ge @!p0 [sflag:s0], s1  }
0x93: {  	s1 =	ssub.s32 @!p0 $0x0, s1;
	[sflag:s0] =	ssyncset.done @!p0 $0x0  }
0x94: {  	[sflag:s0] =	ssyncadd.s32 @!p0 s1  }
0x95: {  	[bflag:$0x3] =	sbarrier.arrive $0xFFFF  }
0x96: {  	_ =	shalt  }

// kernel: kernel.9.cloned.1.call-start
scs
__scs_entry_jumppad:
0x0: {  	(pc) =	sbr.rel $0x88, $3  }
0x1: {  	(tag) =	ssettag $0x0;
	lr =	simm.s32 $0x1  }
0x2: {  	[smem:$0x3F97] =	sst lr;
	_ =	strace $0xD0000000  }
0x3: {  	_ = 	snop  }
0x4: {  	_ = 	snop  }
0x5: {  	_ = 	snop  }
0x6: {  	_ = 	snop  }
0x7: {  	_ = 	snop  }
__scs_overlays_trampoline_lowered:
0x8: {  	[smem:$0x3FA6] =	sst s0  }
0x9: {  	[smem:$0x3FA7] =	sst s1  }
0xa: {  	[smem:$0x3FA8] =	sst s2  }
0xb: {  	[smem:$0x3FA9] =	sst s3  }
0xc: {  	[smem:$0x3FAA] =	sst s4  }
0xd: {  	[smem:$0x3FAB] =	sst s5  }
0xe: {  	[smem:$0x3FAC] =	sst s6  }
0xf: {  	[smem:$0x3FAD] =	sst s7  }
0x10: {  	[smem:$0x3FAE] =	sst s8  }
0x11: {  	[smem:$0x3FAF] =	sst s9;
	s0 =	simm.s32 @!p0 $0x0  }
0x12: {  	s1 =	sld [smem:$0x3F95];
	s0 =	simm.s32 @p0 $0x1  }
0x13: {  	[smem:$0x3FB0] =	sst s0;
	s0 =	simm.s32 @!p1 $0x0  }
0x14: {  	s2 =	sld [smem:$0x3F94];
	s0 =	simm.s32 @p1 $0x1  }
0x15: {  	[smem:$0x3FB1] =	sst s0;
	s0 =	simm.s32 @!p2 $0x0  }
0x16: {  	s3 =	sld [smem:$0x3FDB];
	s0 =	simm.s32 @p2 $0x1  }
0x17: {  	s4 =	simm.s32 $0x1BF5;
	[smem:$0x3FB3] =	sst s0  }
0x18: {  	s0 =	sld [smem:$0x3F96];
	_ =	swait.ge [sflag:s4], $0x0  }
0x19: {  	s7 =	sld [smem:$0x3F97]  }
0x1a: {  	s8 =	sadd.s32 $0xFFFFE003, lr  }
0x1b: {  	s9 =	sadd.s32 $0xFFFFFEF7, lr;
	s5 =	simm.s32 $0xFFFFFFFF;
	p2 =	slt.u32 s8, $0xFFFFF086  }
0x1c: {  	p1 =	slt.u32 s9, $0xF7A;
	s5 =	simm.s32 @!p2 $0x0  }
0x1d: {  	s5 =	simm.s32 @p1 $0x1;
	p0 =	seq.s32 s7, s2  }
0x1e: {  	s7 =	smul.u32 @!p0 $0xF7A, s2;
	p2 =	seq.s32 @!p0 s5, $0x0  }
0x1f: {  	s9 =	smul.u32 $0xF7A, s1;
	s8 =	simm.s32 @!p0 $0x1BF5;
	p2 =	por !p2, p0  }
0x20: {  	[sflag:s8] =	ssyncset.s32 @!p0 $0xFFFFF086;
	s6 =	sadd.s32 @!p0 s3, s7;
	s7 =	simm.s32 @!p0 $0x108  }
0x21: {  	s3 =	sadd.s32 s3, s9;
	s6 =	sadd.s32 @!p0 $0x88, s6;
	s7 =	simm.s32 @p2 $0x1082  }
0x22: {  	[simem:s7], [sflag:s8] =	dma.local @!p0 [hbm:s6], $0xF7A  }
0x23: {  	s9 =	sor.u32 $0xD0000000, s2;
	s6 =	simm.s32 $0x108;
	_ =	swait.ge @!p0 [sflag:s8], $0x0  }
0x24: {  	s3 =	sadd.s32 $0x88, s3;
	s6 =	simm.s32 @!p1 $0x1082;
	[sflag:s4] =	ssyncset.s32 $0xFFFFF086  }
0x25: {  	[simem:s6], [sflag:s4] =	dma.local [hbm:s3], $0xF7A  }
0x26: {  	[smem:$0x3F97] =	sst s1;
	(tag) =	ssettag s2;
	_ =	strace s9  }
0x27: {  	s1 =	sld [smem:$0x3FA7]  }
0x28: {  	s2 =	sld [smem:$0x3FA8]  }
0x29: {  	s4 =	sld [smem:$0x3FAA]  }
0x2a: {  	p0 =	seq.s32 s5, $0x0;
	s5 =	sld [smem:$0x3FAB]  }
0x2b: {  	s6 =	sld [smem:$0x3FAC]  }
0x2c: {  	s7 =	sld [smem:$0x3FAD]  }
0x2d: {  	s3 =	simm.s32 $0x108;
	s8 =	sld [smem:$0x3FAE]  }
0x2e: {  	s3 =	simm.s32 @!p0 $0x1082;
	s9 =	sld [smem:$0x3FAF]  }
0x2f: {  	lr =	sadd.s32 s0, s3;
	s0 =	sld [smem:$0x3FA6]  }
0x30: {  	s3 =	sld [smem:$0x3FA9]  }
0x31: {  	[smem:$0x3FB2] =	sst s10  }
0x32: {  	s10 =	sld [smem:$0x3FB0];
	_ =	sdelay $0x3  }
0x33: {  	p0 =	seq.s32 s10, $0x1;
	s10 =	sld [smem:$0x3FB2];
	_ =	sdelay $0x3  }
0x34: {  	[smem:$0x3FB2] =	sst s10  }
0x35: {  	s10 =	sld [smem:$0x3FB1];
	_ =	sdelay $0x3  }
0x36: {  	p1 =	seq.s32 s10, $0x1;
	s10 =	sld [smem:$0x3FB2];
	_ =	sdelay $0x3  }
0x37: {  	[smem:$0x3FB2] =	sst s10  }
0x38: {  	s10 =	sld [smem:$0x3FB3]  }
0x39: {  	_ = 	snop;
	(pc) =	sbr.ind lr, $3  }
0x3a: {  	_ = 	snop  }
0x3b: {  	_ = 	snop  }
0x3c: {  	p2 =	seq.s32 s10, $0x1;
	s10 =	sld [smem:$0x3FB2]  }
0x3d: {  	_ =	shalt  }
0x3e: {  	_ =	shalt  }
0x3f: {  	_ =	shalt  }
0x40: {  	_ =	shalt  }
0x41: {  	_ =	shalt  }
0x42: {  	_ =	shalt  }
0x43: {  	_ =	shalt  }
0x44: {  	_ =	shalt  }
0x45: {  	_ =	shalt  }
0x46: {  	_ =	shalt  }
0x47: {  	_ =	shalt  }
0x48: {  	_ =	shalt  }
0x49: {  	_ =	shalt  }
0x4a: {  	_ =	shalt  }
0x4b: {  	_ =	shalt  }
0x4c: {  	_ =	shalt  }
0x4d: {  	_ =	shalt  }
0x4e: {  	_ =	shalt  }
0x4f: {  	_ =	shalt  }
0x50: {  	_ =	shalt  }
0x51: {  	_ =	shalt  }
0x52: {  	_ =	shalt  }
0x53: {  	_ =	shalt  }
0x54: {  	_ =	shalt  }
0x55: {  	_ =	shalt  }
0x56: {  	_ =	shalt  }
0x57: {  	_ =	shalt  }
0x58: {  	_ =	shalt  }
0x59: {  	_ =	shalt  }
0x5a: {  	_ =	shalt  }
0x5b: {  	_ =	shalt  }
0x5c: {  	_ =	shalt  }
0x5d: {  	_ =	shalt  }
0x5e: {  	_ =	shalt  }
0x5f: {  	_ =	shalt  }
0x60: {  	_ =	shalt  }
0x61: {  	_ =	shalt  }
0x62: {  	_ =	shalt  }
0x63: {  	_ =	shalt  }
0x64: {  	_ =	shalt  }
0x65: {  	_ =	shalt  }
0x66: {  	_ =	shalt  }
0x67: {  	_ =	shalt  }
0x68: {  	_ =	shalt  }
0x69: {  	_ =	shalt  }
0x6a: {  	_ =	shalt  }
0x6b: {  	_ =	shalt  }
0x6c: {  	_ =	shalt  }
0x6d: {  	_ =	shalt  }
0x6e: {  	_ =	shalt  }
0x6f: {  	_ =	shalt  }
0x70: {  	_ =	shalt  }
0x71: {  	_ =	shalt  }
0x72: {  	_ =	shalt  }
0x73: {  	_ =	shalt  }
0x74: {  	_ =	shalt  }
0x75: {  	_ =	shalt  }
0x76: {  	_ =	shalt  }
0x77: {  	_ =	shalt  }
0x78: {  	_ =	shalt  }
0x79: {  	_ =	shalt  }
0x7a: {  	_ =	shalt  }
0x7b: {  	_ =	shalt  }
0x7c: {  	_ =	shalt  }
0x7d: {  	_ =	shalt  }
0x7e: {  	_ =	shalt  }
0x7f: {  	_ =	shalt  }
0x80: {  	_ =	shalt  }
0x81: {  	_ =	shalt  }
0x82: {  	_ =	shalt  }
0x83: {  	_ =	shalt  }
0x84: {  	_ =	shalt  }
0x85: {  	_ =	shalt  }
0x86: {  	_ =	shalt  }
0x87: {  	_ =	shalt  }
.Lfunc_end0:
.L_simem_size_0:
called_computation_lowered:
.L_overlay_start_0:
0x88: {  	s2 =	sld [smem:$0x3FD9]  }
0x89: {  	s3 =	sld [smem:$0x3FFE];
	_ =	sdelay $0x1  }
0x8a: {  	s1 =	srdreg.scid  }
0x8b: {  	s0 =	sand.u32 $0x1, s1  }
0x8c: {  	s16 =	sshll.u32 s0, $0xA;
	s2 =	sadd.s32 s3, s2  }
0x8d: {  	s2 =	sadd.s32 s2, s16  }
0x8e: {  	[smem:$0x3FBE] =	sst s2  }
0x8f: {  	_ = 	snop  }
0x90: {  	(tm) =	ssettm $0x1  }
0x91: {  	s17 =	sld [smem:$0x3FFB];
	_ =	sdelay $0x3  }
0x92: {  	_ =	strace s17  }
0x93: {  	s2 =	sld [smem:$0x3FFC];
	_ =	sdelay $0x3  }
0x94: {  	_ =	strace s2  }
0x95: {  	s2 =	sld [smem:$0x3FFD];
	_ =	sdelay $0x3  }
0x96: {  	_ =	strace s2  }
0x97: {  	_ =	strace $0x8FFFFFFF  }
0x98: {  	s18 =	sld [smem:$0x3FDB];
	_ =	sdelay $0x1  }
0x99: {  	s19 =	simm.s32 $_scs_section_size  }
0x9a: {  	s4 =	simm.s32 $_size__tile_overlayer_lowered;
	s5 =	simm.s32 $_tile_overlayer_lowered  }
0x9b: {  	s22 =	simm.s32 $0x1BFF;
	s21 =	sshll.u32 s5, $0x1;
	s2 =	sadd.s32 s19, s18  }
0x9c: {  	s6 =	simm.s32 $0x0;
	s20 =	sshll.u32 s4, $0x1;
	s4 =	sadd.s32 s21, s2  }
0x9d: {  	[timem:s6], [sflag:s22] =	dma.local [hbm:s4], s20  }
0x9e: {  	_ =	swait.ge [sflag:s22], s20  }
0x9f: {  	s3 =	ssub.s32 $0x0, s20;
	[sflag:s22] =	ssyncset.done $0x0  }
0xa0: {  	[sflag:s22] =	ssyncadd.s32 s3;
	_ =	sdelay $0x1  }
0xa1: {  	s23 =	simm.s32 $0x1B8B  }
0xa2: {  	_ =	swait.ge [sflag:s23], $0x1  }
0xa3: {  	[sflag:s23] =	ssyncset.done $0x0  }
0xa4: {  	s25 =	simm.s32 $0x1B8E;
	s24 =	sld [smem:$0x3FFE];
	[sflag:s23] =	ssyncadd.s32 $0xFFFFFFFF  }
0xa5: {  	s26 =	simm.s32 $execute0_lowered;
	[smem:$0x3FD2] =	sst s25  }
0xa6: {  	s4 =	sshll.u32 s26, $0x1;
	_ =	strace $0x80000046;
	[dreg:$0x1] =	wrdreg $0xFFFFFFFF  }
0xa7: {  	s28 =	simm.s32 $_size_execute0_lowered;
	s2 =	sadd.s32 s2, s4;
	[dreg:$0x0] =	wrdreg $0x0  }
0xa8: {  	s4 =	sshll.u32 s28, $0x1;
	[dreg:$0x2] =	wrdreg s2  }
0xa9: {  	[dreg:$0x3] =	wrdreg s4  }
0xaa: {  	[dreg:$0x4] =	wrdreg $0xC0  }
0xab: {  	_ =	task [dreg:s6], $0x5FFFF  }
0xac: {  	[dreg:$0x1] =	wrdreg $0xFFFFFFFF  }
0xad: {  	[dreg:$0x0] =	wrdreg $0x60  }
0xae: {  	[dreg:$0x2] =	wrdreg s24  }
0xaf: {  	[dreg:$0x3] =	wrdreg $0x90000  }
0xb0: {  	[dreg:$0x4] =	wrdreg $0x9  }
0xb1: {  	_ =	task.clear_ibuf [dreg:s6], $0x5FFFF;
	_ =	strace $0x90000046  }
0xb2: {  	s29 =	simm.s32 $0x9;
	_ =	strace $0x80000048  }
0xb3: {  	_ =	swait.ge [sflag:s29], $0x1  }
0xb4: {  	[sflag:s29] =	ssyncadd.s32 $0xFFFFFFFF  }
0xb5: {  	_ =	strace $0x90000048  }
0xb6: {  	_ =	sfence  }
0xb7: {  	s30 =	sld [smem:$0x0];
	_ =	sdelay $0x2  }
0xb8: {  	s31 =	sshll.u32 s1, $0xD;
	s1 =	sshrl.u32 s1, $0x2  }
0xb9: {  	s3 =	sand.u32 $0x4000, s31;
	s1 =	sadd.s32 s1, s30  }
0xba: {  	s0 =	sor.u32 s3, s0;
	s1 =	sshll.u32 s1, $0x11  }
0xbb: {  	s0 =	sor.u32 s1, s0  }
0xbc: {  	s0 =	sadd.s32 $0x8F2B, s0  }
0xbd: {  	[sflag:s0] =	ssyncadd.remote.s32 $0x1  }
0xbe: {  	_ =	sfence.sel $0xFFFF  }
0xbf: {  	[dreg:$0x0] =	wrdreg $0xFFFFFFFF;
	(pc) =	sbr.abs _section_cstart, $3  }
0xc0: {  	[dreg:$0x1] =	wrdreg $0xFFFFFFFF  }
0xc1: {  	_ =	task.clear_ibuf [dreg:s6], $0x2FFFF;
	_ =	strace $0x9FFFFFFF  }
0xc2: {  	(tm) =	ssettm $0x7FFFFFFF  }
0xc3: {  	_ =	shalt  }
tec
execute0_lowered:
.L_overlay_start_1:
0x0: {  	(tag) =	ssettag $0x1  }
0x1: {  	s6 =	rddreg [dreg:$0x0]  }
0x2: {  	s0 =	srdreg.scid;
	s2 =	rddreg [dreg:$0x1]  }
0x3: {  	s1 =	stileid.u32;
	s3 =	simm.s32 $0x0;
	s14 =	simm.s32 $0x2800  }
0x4: {  	s15 =	simm.s32 $0x7D;
	s16 =	simm.s32 $0x5000;
	s17 =	simm.s32 $0x1  }
0x5: {  	s20 =	simm.s32 $0x0;
	s7 =	sand.u32 $0x1, s0;
	s0 =	rddreg [dreg:$0x2]  }
0x6: {  	[smem:$0x7FF] =	sst s3;
	s9 =	smul.u32 $0x4F000, s1;
	s12 =	sadd.s32 $0x41A00, s6  }
0x7: {  	s26 =	smul.u32 $0x13C00, s1;
	s29 =	sshll.u32 s1, $0x6;
	p0 =	seq.s32 s1, $0xF  }
0x8: {  	s4 =	sshll.u32 s7, $0x4;
	_ =	strace $0x80000047;
	s10 =	ssub.s32 $0x2, s7  }
0x9: {  	s11 =	smul.u32 $0x138800, s7;
	s4 =	sor.u32 s1, s4;
	s25 =	sshrl.u32 s10, $0x1  }
0xa: {  	s28 =	sshrl.u32 s9, $0x2;
	s5 =	smul.u32 $0x500, s4;
	s4 =	sadd.s32 $0x18000, s6  }
0xb: {  	s13 =	ssub.s32 s10, s25;
	s30 =	sadd.s32 s26, s11;
	s31 =	sshrl.u32 s11, $0x3  }
0xc: {  	s19 =	sadd.s32 s28, s2;
	s9 =	sshrl.u32 s30, $0x3;
	s10 =	sadd.s32 s12, s31  }
0xd: {  	s11 =	smax.u32 s13, $0x1;
	s13 =	simm.s32 $0x2;
	s18 =	sshrl.u32 @p0 s19, $0x3  }
0xe: {  	s8 =	sadd.s32 s5, s6;
	s5 =	sadd.s32 $0x3F200, s6;
	s6 =	sor.u32 $0x1C02, s29  }
0xf: {  	s9 =	sadd.s32 s12, s9;
	s10 =	sadd.s32 $0x25080, s10;
	s12 =	sshrl.u32 s19, $0x3  }
0x10: {  	s19 =	sshrl.u32 @!p0 s19, $0x3;
	s7 =	sadd.s32 $0xE000, s8;
	s8 =	sadd.s32 $0x4000, s8  }
.LBB2_1:
0x11: {  	[spmem:s12], [sflag:s6] =	dma.local [hbm:s5], $0x2780  }
0x12: {  	_ =	swait.ge [sflag:s13], $0x2780  }
0x13: {  	[sflag:s13] =	ssyncset.done $0x0  }
0x14: {  	[sflag:s13] =	ssyncadd.s32 $0xFFFFD880  }
0x15: {  	[tilespmem:s3], [sflag:$0x2] =	stream.linear.gather [hbm4b:s7+s3], $0x2800, $0x38;
	[tilespmem:$0x1CC00] =	vst v63  }
0x16: {  	_ =	swait.ge [sflag:s13], $0x2800  }
0x17: {  	[sflag:s13] =	ssyncset.done $0x0  }
0x18: {  	[sflag:s13] =	ssyncadd.s32 $0xFFFFD800  }
0x19: {  	[tilespmem:s14], [sflag:$0x2] =	stream.linear.gather [hbm4b:s8+s3], $0x2800, $0x38;
	[tilespmem:$0x1CC00] =	vst v63  }
0x1a: {  	_ =	swait.ge [sflag:s13], $0x2800  }
0x1b: {  	[sflag:s13] =	ssyncset.done $0x0  }
0x1c: {  	[sflag:s13] =	ssyncadd.s32 $0xFFFFD800  }
0x1d: {  	s21 =	simm.s32 $0x0;
	[bflag:$0x0] =	sbarrier.arrive $0xFFFF  }
0x1e: {  	[tilespmem:s16], [sflag:$0x1] =	stream.indirect.gather [hbm4b:s4+s15], $0x80, s21, s15, $0xb8;
	[tilespmem:$0x1CC00] =	vst v63  }
0x1f: {  	_ =	swait.ge [sflag:s17], $0x3E80  }
0x20: {  	[sflag:s17] =	ssyncset.done $0x0  }
0x21: {  	s24 =	simm.s32 $0x2800;
	[sflag:s17] =	ssyncadd.s32 $0xFFFFC180  }
0x22: {  	[spmem:s2] =	stream.indirect.scatter.add.f32 [tilespmem:s16], [sflag:$0x2], $0x80, s24, s15, $0xb8;
	[tilespmem:$0x1CC00] =	vst v63  }
0x23: {  	_ =	swait.ge [sflag:s13], $0x3E80  }
0x24: {  	[sflag:s13] =	ssyncset.done $0x0  }
0x25: {  	s25 =	simm.s32 $0x80;
	[sflag:s13] =	ssyncadd.s32 $0xFFFFC180  }
0x26: {  	[tilespmem:s16], [sflag:$0x1] =	stream.indirect.gather [hbm4b:s4+s15], $0x80, s25, s15, $0xb8;
	[tilespmem:$0x1CC00] =	vst v63  }
0x27: {  	_ =	swait.ge [sflag:s17], $0x3E80  }
0x28: {  	[sflag:s17] =	ssyncset.done $0x0  }
0x29: {  	s26 =	simm.s32 $0x2880;
	[sflag:s17] =	ssyncadd.s32 $0xFFFFC180  }
0x2a: {  	[spmem:s2] =	stream.indirect.scatter.add.f32 [tilespmem:s16], [sflag:$0x2], $0x80, s26, s15, $0xb8;
	[tilespmem:$0x1CC00] =	vst v63  }
0x2b: {  	_ =	swait.ge [sflag:s13], $0x3E80  }
0x2c: {  	[sflag:s13] =	ssyncset.done $0x0  }
0x2d: {  	s28 =	simm.s32 $0x100;
	[sflag:s13] =	ssyncadd.s32 $0xFFFFC180  }
0x2e: {  	[tilespmem:s16], [sflag:$0x1] =	stream.indirect.gather [hbm4b:s4+s15], $0x80, s28, s15, $0xb8;
	[tilespmem:$0x1CC00] =	vst v63  }
0x2f: {  	_ =	swait.ge [sflag:s17], $0x3E80  }
0x30: {  	[sflag:s17] =	ssyncset.done $0x0  }
0x31: {  	s29 =	simm.s32 $0x2900;
	[sflag:s17] =	ssyncadd.s32 $0xFFFFC180  }
0x32: {  	[spmem:s2] =	stream.indirect.scatter.add.f32 [tilespmem:s16], [sflag:$0x2], $0x80, s29, s15, $0xb8;
	[tilespmem:$0x1CC00] =	vst v63  }
0x33: {  	_ =	swait.ge [sflag:s13], $0x3E80  }
0x34: {  	[sflag:s13] =	ssyncset.done $0x0  }
0x35: {  	s30 =	simm.s32 $0x180;
	[sflag:s13] =	ssyncadd.s32 $0xFFFFC180  }
0x36: {  	[tilespmem:s16], [sflag:$0x1] =	stream.indirect.gather [hbm4b:s4+s15], $0x80, s30, s15, $0xb8;
	[tilespmem:$0x1CC00] =	vst v63  }
0x37: {  	_ =	swait.ge [sflag:s17], $0x3E80  }
0x38: {  	[sflag:s17] =	ssyncset.done $0x0  }
0x39: {  	s31 =	simm.s32 $0x2980;
	[sflag:s17] =	ssyncadd.s32 $0xFFFFC180  }
0x3a: {  	[spmem:s2] =	stream.indirect.scatter.add.f32 [tilespmem:s16], [sflag:$0x2], $0x80, s31, s15, $0xb8;
	[tilespmem:$0x1CC00] =	vst v63  }
0x3b: {  	_ =	swait.ge [sflag:s13], $0x3E80  }
0x3c: {  	s22 =	simm.s32 $0x800;
	s21 =	simm.s32 $0x4;
	[sflag:s13] =	ssyncset.done $0x0  }
.LBB2_2:
0x3d: {  	s21 =	sadd.s32 $0x4, s21;
	s23 =	sshra.s32 s22, $0x2;
	[sflag:s13] =	ssyncadd.s32 $0xFFFFC180  }
0x3e: {  	[tilespmem:s16], [sflag:$0x1] =	stream.indirect.gather [hbm4b:s4+s15], $0x80, s23, s15, $0xb8;
	[tilespmem:$0x1CC00] =	vst v63  }
0x3f: {  	p1 =	slt.u32 s21, $0x4C;
	_ =	swait.ge [sflag:s17], $0x3E80  }
0x40: {  	[sflag:s17] =	ssyncset.done $0x0  }
0x41: {  	s24 =	sadd.s32 $0x2800, s23;
	[sflag:s17] =	ssyncadd.s32 $0xFFFFC180  }
0x42: {  	[spmem:s2] =	stream.indirect.scatter.add.f32 [tilespmem:s16], [sflag:$0x2], $0x80, s24, s15, $0xb8;
	[tilespmem:$0x1CC00] =	vst v63  }
0x43: {  	_ =	swait.ge [sflag:s13], $0x3E80  }
0x44: {  	[sflag:s13] =	ssyncset.done $0x0  }
0x45: {  	s24 =	sadd.s32 $0x80, s23;
	[sflag:s13] =	ssyncadd.s32 $0xFFFFC180  }
0x46: {  	[tilespmem:s16], [sflag:$0x1] =	stream.indirect.gather [hbm4b:s4+s15], $0x80, s24, s15, $0xb8;
	[tilespmem:$0x1CC00] =	vst v63  }
0x47: {  	_ =	swait.ge [sflag:s17], $0x3E80  }
0x48: {  	[sflag:s17] =	ssyncset.done $0x0  }
0x49: {  	s24 =	sadd.s32 $0x2880, s23;
	[sflag:s17] =	ssyncadd.s32 $0xFFFFC180  }
0x4a: {  	[spmem:s2] =	stream.indirect.scatter.add.f32 [tilespmem:s16], [sflag:$0x2], $0x80, s24, s15, $0xb8;
	[tilespmem:$0x1CC00] =	vst v63  }
0x4b: {  	_ =	swait.ge [sflag:s13], $0x3E80  }
0x4c: {  	[sflag:s13] =	ssyncset.done $0x0  }
0x4d: {  	s24 =	sadd.s32 $0x100, s23;
	[sflag:s13] =	ssyncadd.s32 $0xFFFFC180  }
0x4e: {  	[tilespmem:s16], [sflag:$0x1] =	stream.indirect.gather [hbm4b:s4+s15], $0x80, s24, s15, $0xb8;
	[tilespmem:$0x1CC00] =	vst v63  }
0x4f: {  	_ =	swait.ge [sflag:s17], $0x3E80  }
0x50: {  	[sflag:s17] =	ssyncset.done $0x0  }
0x51: {  	s24 =	sadd.s32 $0x2900, s23;
	[sflag:s17] =	ssyncadd.s32 $0xFFFFC180  }
0x52: {  	[spmem:s2] =	stream.indirect.scatter.add.f32 [tilespmem:s16], [sflag:$0x2], $0x80, s24, s15, $0xb8;
	[tilespmem:$0x1CC00] =	vst v63  }
0x53: {  	_ =	swait.ge [sflag:s13], $0x3E80  }
0x54: {  	[sflag:s13] =	ssyncset.done $0x0  }
0x55: {  	s24 =	sadd.s32 $0x180, s23;
	[sflag:s13] =	ssyncadd.s32 $0xFFFFC180  }
0x56: {  	[tilespmem:s16], [sflag:$0x1] =	stream.indirect.gather [hbm4b:s4+s15], $0x80, s24, s15, $0xb8;
	[tilespmem:$0x1CC00] =	vst v63  }
0x57: {  	_ =	swait.ge [sflag:s17], $0x3E80  }
.Ltmp0:
0x58: {  	[sflag:s17] =	ssyncset.done $0x0;
	(pc) =	sbr.rel @p1 .LBB2_2-.Ltmp0, $4  }
0x59: {  	s23 =	sadd.s32 $0x2980, s23;
	[sflag:s17] =	ssyncadd.s32 $0xFFFFC180  }
0x5a: {  	[spmem:s2] =	stream.indirect.scatter.add.f32 [tilespmem:s16], [sflag:$0x2], $0x80, s23, s15, $0xb8;
	[tilespmem:$0x1CC00] =	vst v63  }
0x5b: {  	_ =	swait.ge [sflag:s13], $0x3E80  }
0x5c: {  	s22 =	sadd.s32 $0x800, s22;
	[sflag:s13] =	ssyncset.done $0x0  }
0x5d: {  	s21 =	sshra.s32 s22, $0x2;
	[sflag:s13] =	ssyncadd.s32 $0xFFFFC180  }
0x5e: {  	[tilespmem:s16], [sflag:$0x1] =	stream.indirect.gather [hbm4b:s4+s15], $0x80, s21, s15, $0xb8;
	[tilespmem:$0x1CC00] =	vst v63  }
0x5f: {  	_ =	swait.ge [sflag:s17], $0x3E80  }
0x60: {  	[sflag:s17] =	ssyncset.done $0x0  }
0x61: {  	s22 =	sadd.s32 $0x2800, s21;
	[sflag:s17] =	ssyncadd.s32 $0xFFFFC180  }
0x62: {  	[spmem:s2] =	stream.indirect.scatter.add.f32 [tilespmem:s16], [sflag:$0x2], $0x80, s22, s15, $0xb8;
	[tilespmem:$0x1CC00] =	vst v63  }
0x63: {  	_ =	swait.ge [sflag:s13], $0x3E80  }
0x64: {  	[sflag:s13] =	ssyncset.done $0x0  }
0x65: {  	s26 =	sadd.s32 $0x80, s21;
	[sflag:s13] =	ssyncadd.s32 $0xFFFFC180  }
0x66: {  	[tilespmem:s16], [sflag:$0x1] =	stream.indirect.gather [hbm4b:s4+s15], $0x80, s26, s15, $0xb8;
	[tilespmem:$0x1CC00] =	vst v63  }
0x67: {  	_ =	swait.ge [sflag:s17], $0x3E80  }
0x68: {  	[sflag:s17] =	ssyncset.done $0x0  }
0x69: {  	s28 =	sadd.s32 $0x2880, s21;
	[sflag:s17] =	ssyncadd.s32 $0xFFFFC180  }
0x6a: {  	[spmem:s2] =	stream.indirect.scatter.add.f32 [tilespmem:s16], [sflag:$0x2], $0x80, s28, s15, $0xb8;
	[tilespmem:$0x1CC00] =	vst v63  }
0x6b: {  	_ =	swait.ge [sflag:s13], $0x3E80  }
0x6c: {  	[sflag:s13] =	ssyncset.done $0x0  }
0x6d: {  	s29 =	sadd.s32 $0x100, s21;
	[sflag:s13] =	ssyncadd.s32 $0xFFFFC180  }
0x6e: {  	[tilespmem:s16], [sflag:$0x1] =	stream.indirect.gather [hbm4b:s4+s15], $0x80, s29, s15, $0xb8;
	[tilespmem:$0x1CC00] =	vst v63  }
0x6f: {  	_ =	swait.ge [sflag:s17], $0x3E80  }
0x70: {  	[sflag:s17] =	ssyncset.done $0x0  }
0x71: {  	s30 =	sadd.s32 $0x2900, s21;
	[sflag:s17] =	ssyncadd.s32 $0xFFFFC180  }
0x72: {  	[spmem:s2] =	stream.indirect.scatter.add.f32 [tilespmem:s16], [sflag:$0x2], $0x80, s30, s15, $0xb8;
	[tilespmem:$0x1CC00] =	vst v63  }
0x73: {  	_ =	swait.ge [sflag:s13], $0x3E80  }
0x74: {  	[sflag:s13] =	ssyncset.done $0x0  }
0x75: {  	s31 =	sadd.s32 $0x180, s21;
	[sflag:s13] =	ssyncadd.s32 $0xFFFFC180  }
0x76: {  	[tilespmem:s16], [sflag:$0x1] =	stream.indirect.gather [hbm4b:s4+s15], $0x80, s31, s15, $0xb8;
	[tilespmem:$0x1CC00] =	vst v63  }
0x77: {  	_ =	swait.ge [sflag:s17], $0x3E80  }
0x78: {  	[sflag:s17] =	ssyncset.done $0x0  }
0x79: {  	s21 =	sadd.s32 $0x2980, s21;
	[sflag:s17] =	ssyncadd.s32 $0xFFFFC180  }
0x7a: {  	[spmem:s2] =	stream.indirect.scatter.add.f32 [tilespmem:s16], [sflag:$0x2], $0x80, s21, s15, $0xb8;
	[tilespmem:$0x1CC00] =	vst v63  }
0x7b: {  	_ =	swait.ge [sflag:s13], $0x3E80  }
0x7c: {  	[sflag:s13] =	ssyncset.done $0x0  }
0x7d: {  	[sflag:s13] =	ssyncadd.s32 $0xFFFFC180  }
0x7e: {  	s21 =	simm.s32 @p0 $0x2;
	[bflag:$0x0] =	sbarrier.arrive $0xFFFF  }
0x7f: {  	[hbm:s10], [sflag:s6] =	dma.local @p0 [spmem:s18], $0x2080  }
0x80: {  	s20 =	sadd.s32 $0x1, s20;
	_ =	swait.ge @p0 [sflag:s21], $0x2080  }
0x81: {  	p1 =	sne.s32 s20, s11;
	[sflag:s21] =	ssyncset.done @p0 $0x0  }
.Ltmp1:
0x82: {  	[sflag:s21] =	ssyncadd.s32 @p0 $0xFFFFDF80;
	s21 =	simm.s32 @!p0 $0x2;
	(pc) =	sbr.rel @p1 .LBB2_1-.Ltmp1, $4  }
0x83: {  	[hbm:s9], [sflag:s6] =	dma.local @!p0 [spmem:s19], $0x2780  }
0x84: {  	_ =	swait.ge @!p0 [sflag:s21], $0x2780  }
0x85: {  	[sflag:s21] =	ssyncset.done @!p0 $0x0  }
0x86: {  	[sflag:s21] =	ssyncadd.s32 @!p0 $0xFFFFD880  }
0x87: {  	_ =	sfence.sel $0x180000  }
0x88: {  	[bflag:$0x0] =	sbarrier.arrive $0xFFFF  }
0x89: {  	p0 =	sne.s32 s1, $0x0;
	_ =	strace $0x90000047  }
0x8a: {  	s0 =	sadd.s32 @!p0 $0x100000, s0;
	[bflag:$0x2] =	sbarrier.arrive $0xFFFF  }
0x8b: {  	[sflag:s0] =	ssyncadd.tile.s32 @!p0 $0x1;
	_ =	shalt  }
.Lfunc_end2:
_tile_overlayer_lowered:
.L_overlay_start_2:
0x8c: {  	(tag) =	ssettag $0x2  }
0x8d: {  	s0 =	rddreg [dreg:$0x0];
	s2 =	stileid.u32  }
0x8e: {  	s1 =	rddreg [dreg:$0x1];
	p0 =	sne.s32 s2, $0x0  }
0x8f: {  	s3 =	rddreg [dreg:$0x2];
	[bflag:$0x3] =	sbarrier.arrive $0xFFFF;
	s2 =	simm.s32 @!p0 $0x1C02  }
0x90: {  	[timem:s3], [sflag:s2] =	dma.local @!p0 [hbm:s0], s1  }
0x91: {  	s0 =	simm.s32 @!p0 $0x2  }
0x92: {  	_ =	swait.ge @!p0 [sflag:s0], s1  }
0x93: {  	s1 =	ssub.s32 @!p0 $0x0, s1;
	[sflag:s0] =	ssyncset.done @!p0 $0x0  }
0x94: {  	[sflag:s0] =	ssyncadd.s32 @!p0 s1  }
0x95: {  	[bflag:$0x3] =	sbarrier.arrive $0xFFFF  }
0x96: {  	_ =	shalt  }

</sc_bundles>
